<compile_context>
chip_gen: v7x
topology: tpu7x:2x2x1
jax: 0.10.2.dev20260603
libtpu: 0.0.44.dev20260713+nightly
codegen_flags: <defaults>
</compile_context>

<pallas_src>
import functools

import jax
import jax.numpy as jnp
from jax import lax
from jax.experimental import pallas as pl
from jax.experimental.pallas import tpu as pltpu
from jax.experimental.pallas import tpu_sc as plsc

_NW = 32
_CHUNK = 80
_NBUF = 8
_G = 6
_S = _NBUF - _G
_QROWS = 4


def _sc_double_gather(idx_ctx, idx_qry, sidx_qry, table,
                      g_ctx, g_qry, n_batch, qry_len):
    dim = table.shape[1]
    qchunk = _QROWS * qry_len
    mesh = plsc.VectorSubcoreMesh(core_axis_name="c", subcore_axis_name="s")

    @functools.partial(
        pl.kernel,
        mesh=mesh,
        out_type=[
            jax.ShapeDtypeStruct((_NW, g_ctx, _CHUNK, dim), jnp.float32),
            jax.ShapeDtypeStruct((n_batch * qry_len, dim), jnp.float32),
        ],
        scratch_types=[
            pltpu.VMEM((g_ctx, _CHUNK), jnp.int32),
            pltpu.VMEM((g_qry, qchunk), jnp.int32),
            pltpu.VMEM((g_qry, qchunk), jnp.int32),
            pltpu.VMEM((_NBUF, _CHUNK, dim), jnp.float32),
        ]
        + [pltpu.SemaphoreType.DMA] * (2 * _NBUF),
    )
    def run(ctx_hbm, qry_hbm, qsidx_hbm, table_hbm, ctx_out, qry_out,
            ctx_idx_v, qry_idx_v, qry_sidx_v, rows_v, *sems):
        gsems = sems[:_NBUF]
        ssems = sems[_NBUF:]
        wid = lax.axis_index("s") * 2 + lax.axis_index("c")

        pltpu.sync_copy(ctx_hbm.at[wid], ctx_idx_v)
        pltpu.sync_copy(qry_hbm.at[wid], qry_idx_v)
        pltpu.sync_copy(qsidx_hbm.at[wid], qry_sidx_v)

        def stream(n_chunks, idx_sl, dsts, buf_sl):
            def g_start(j, b):
                pltpu.async_copy(
                    table_hbm.at[idx_sl(j)], buf_sl(b), gsems[b])

            def g_wait(j, b):
                pltpu.make_async_copy(
                    table_hbm.at[idx_sl(j)], buf_sl(b), gsems[b]).wait()

            def s_start(j, b):
                for src_fn, dst in dsts(j):
                    pltpu.async_copy(src_fn(b), dst, ssems[b])

            def s_wait(j, b):
                for src_fn, dst in dsts(j):
                    pltpu.make_async_copy(src_fn(b), dst, ssems[b]).wait()

            for b in range(_G):
                g_start(b, b)

            def body(i, carry):
                base = i * _NBUF
                for b in range(_NBUF):
                    j = base + b
                    c = j + _G
                    bc = (b + _G) % _NBUF

                    @pl.when(c < n_chunks)
                    def _():
                        @pl.when(j >= _S)
                        def _():
                            s_wait(j - _S, bc)

                        g_start(c, bc)

                    g_wait(j, b)
                    s_start(j, b)
                return carry

            lax.fori_loop(0, n_chunks // _NBUF, body, 0)
            for b in range(_NBUF):
                s_wait(n_chunks - _NBUF + b, b)

        stream(
            g_ctx,
            lambda j: ctx_idx_v.at[j],
            lambda j: [(lambda b: rows_v.at[b], ctx_out.at[wid, j])],
            lambda b: rows_v.at[b],
        )
        stream(
            g_qry,
            lambda j: qry_idx_v.at[j],
            lambda j: [
                (lambda b: rows_v.at[b, pl.ds(0, qchunk)],
                 qry_out.at[qry_sidx_v.at[j]]),
            ],
            lambda b: rows_v.at[b, pl.ds(0, qchunk)],
        )

    return run(idx_ctx, idx_qry, sidx_qry, table)


def kernel(input_context, input_query, table):
    n_batch, ctx_len = input_context.shape
    _, qry_len = input_query.shape
    dim = table.shape[1]

    g_ctx = (n_batch * ctx_len) // (_NW * _CHUNK)
    qchunk = _QROWS * qry_len
    g_qry = (n_batch * qry_len) // (_NW * qchunk)

    idx_ctx = input_context.reshape(_NW, g_ctx, _CHUNK)
    idx_qry = input_query.reshape(_NW, g_qry, qchunk)
    g_id = jnp.arange(n_batch, dtype=jnp.int32).reshape(_NW, g_qry, _QROWS)
    t_id = jnp.arange(qry_len, dtype=jnp.int32)
    sidx_qry = (t_id[None, None, None, :] * n_batch
                + g_id[..., None]).reshape(_NW, g_qry, qchunk)

    ctx_o, qry_o = _sc_double_gather(
        idx_ctx, idx_qry, sidx_qry, table, g_ctx, g_qry, n_batch, qry_len)
    return (
        ctx_o.reshape(n_batch, ctx_len, dim),
        qry_o.reshape(qry_len, n_batch, dim).transpose(1, 0, 2),
    )

# --- scband reference (transcript-rebuilt; emitter-appended) ---
"""Pipeline reference for scband-word-embedding-77060303225200 (READ-ONLY COPY).

The authoritative reference and input builder live on the scoring server;
editing this copy changes nothing except your own understanding.
"""

import jax, jax.numpy as jnp
import numpy as np

VOCAB = 100000
DIM = 128
B = 4096
CTX_LEN = 200
QRY_LEN = 20


def setup_inputs(seed: int = 0) -> dict:
    key = jax.random.key(seed)
    k1, k2, k3 = jax.random.split(key, 3)
    table = jax.random.normal(k1, (VOCAB, DIM), dtype=jnp.float32)
    input_context = jax.random.randint(k2, (B, CTX_LEN), 0, VOCAB, dtype=jnp.int32)
    input_query = jax.random.randint(k3, (B, QRY_LEN), 0, VOCAB, dtype=jnp.int32)
    return {"input_context": input_context, "input_query": input_query, "table": table}


def reference(input_context, input_query, table):
    # Faithful translation of WordEmbedding.forward: two embedding lookups
    # against the same (frozen) word-embedding table.
    ctx_emb = jnp.take(table, input_context, axis=0)
    qry_emb = jnp.take(table, input_query, axis=0)
    return (ctx_emb, qry_emb)

if __name__ == "__main__":
    import jax
    _d = setup_inputs()
    print(jax.jit(kernel)(*tuple(_d.values())))

</pallas_src>

<mosaic_0001>
#map = affine_map<(d0, d1) -> (0, 0, 0)>
#map1 = affine_map<(d0, d1) -> (0, 0)>
#map2 = affine_map<(d0, d1) -> (0, 0, 0, 0)>
module attributes {stable_mosaic.version = 14 : i64} {
  func.func @run(%arg0: i32, %arg1: i32, %arg2: memref<32x320x80xi32, #tpu.memory_space<hbm>>, %arg3: memref<32x32x80xi32, #tpu.memory_space<hbm>>, %arg4: memref<32x32x80xi32, #tpu.memory_space<hbm>>, %arg5: memref<100000x128xf32, #tpu.memory_space<hbm>>, %arg6: memref<32x320x80x128xf32, #tpu.memory_space<hbm>>, %arg7: memref<81920x128xf32, #tpu.memory_space<hbm>>, %arg8: memref<320x80xi32, #tpu.memory_space<vmem>>, %arg9: memref<32x80xi32, #tpu.memory_space<vmem>>, %arg10: memref<32x80xi32, #tpu.memory_space<vmem>>, %arg11: memref<8x80x128xf32, #tpu.memory_space<vmem>>, %arg12: memref<!tpu.dma_semaphore, #tpu.memory_space<semaphore_mem>>, %arg13: memref<!tpu.dma_semaphore, #tpu.memory_space<semaphore_mem>>, %arg14: memref<!tpu.dma_semaphore, #tpu.memory_space<semaphore_mem>>, %arg15: memref<!tpu.dma_semaphore, #tpu.memory_space<semaphore_mem>>, %arg16: memref<!tpu.dma_semaphore, #tpu.memory_space<semaphore_mem>>, %arg17: memref<!tpu.dma_semaphore, #tpu.memory_space<semaphore_mem>>, %arg18: memref<!tpu.dma_semaphore, #tpu.memory_space<semaphore_mem>>, %arg19: memref<!tpu.dma_semaphore, #tpu.memory_space<semaphore_mem>>, %arg20: memref<!tpu.dma_semaphore, #tpu.memory_space<semaphore_mem>>, %arg21: memref<!tpu.dma_semaphore, #tpu.memory_space<semaphore_mem>>, %arg22: memref<!tpu.dma_semaphore, #tpu.memory_space<semaphore_mem>>, %arg23: memref<!tpu.dma_semaphore, #tpu.memory_space<semaphore_mem>>, %arg24: memref<!tpu.dma_semaphore, #tpu.memory_space<semaphore_mem>>, %arg25: memref<!tpu.dma_semaphore, #tpu.memory_space<semaphore_mem>>, %arg26: memref<!tpu.dma_semaphore, #tpu.memory_space<semaphore_mem>>, %arg27: memref<!tpu.dma_semaphore, #tpu.memory_space<semaphore_mem>>) attributes {dimension_semantics = [#tpu.dimension_semantics<core_parallel>, #tpu.dimension_semantics<subcore_parallel>], iteration_bounds = array<i64: 2, 16>, scalar_prefetch = 0 : i64, scratch_operands = 20 : i64, tpu.core_type = #tpu.core_type<sc_vector_subcore>, window_params = [{transform_indices = #map}, {transform_indices = #map}, {transform_indices = #map}, {transform_indices = #map1}, {transform_indices = #map2}, {transform_indices = #map1}]} {
    %mul3A = arith.constant 2 : i32
    %mul3A_0 = arith.muli %arg1, %mul3A : i32
    %add3A = arith.addi %mul3A_0, %arg0 : i32
    "tpu.region"() ({
      %run_scoped3A = tpu.sem_alloc : memref<!tpu.dma_semaphore, #tpu.memory_space<semaphore_mem>>
      %dma_start3A_394 = arith.constant 0 : i32
      %dma_start3A_395 = arith.constant 0 : i32
      %dma_start3A_396 = tpu.memref_slice %arg2[%add3A, %dma_start3A_394, %dma_start3A_395] : memref<32x320x80xi32, #tpu.memory_space<hbm>> -> memref<1x320x80xi32, #tpu.memory_space<hbm>>
      %dma_start3A_397 = tpu.memref_squeeze %dma_start3A_396 : memref<1x320x80xi32, #tpu.memory_space<hbm>> -> memref<320x80xi32, #tpu.memory_space<hbm>>
      %dma_start3A_398 = arith.constant 0 : i32
      %dma_start3A_399 = arith.constant 0 : i32
      %dma_start3A_400 = tpu.memref_slice %arg2[%add3A, %dma_start3A_398, %dma_start3A_399] : memref<32x320x80xi32, #tpu.memory_space<hbm>> -> memref<1x320x80xi32, #tpu.memory_space<hbm>>
      %dma_start3A_401 = tpu.memref_squeeze %dma_start3A_400 : memref<1x320x80xi32, #tpu.memory_space<hbm>> -> memref<320x80xi32, #tpu.memory_space<hbm>>
      tpu.enqueue_dma source(%dma_start3A_401 : memref<320x80xi32, #tpu.memory_space<hbm>>) target(%arg8 : memref<320x80xi32, #tpu.memory_space<vmem>>) target_semaphore(%run_scoped3A : memref<!tpu.dma_semaphore, #tpu.memory_space<semaphore_mem>>)
      %dma_wait3A_402 = arith.constant 0 : i32
      %dma_wait3A_403 = arith.constant 0 : i32
      %dma_wait3A_404 = tpu.memref_slice %arg2[%add3A, %dma_wait3A_402, %dma_wait3A_403] : memref<32x320x80xi32, #tpu.memory_space<hbm>> -> memref<1x320x80xi32, #tpu.memory_space<hbm>>
      %dma_wait3A_405 = tpu.memref_squeeze %dma_wait3A_404 : memref<1x320x80xi32, #tpu.memory_space<hbm>> -> memref<320x80xi32, #tpu.memory_space<hbm>>
      %dma_wait3A_406 = arith.constant 0 : i32
      %dma_wait3A_407 = arith.constant 0 : i32
      %dma_wait3A_408 = tpu.memref_slice %arg2[%add3A, %dma_wait3A_406, %dma_wait3A_407] : memref<32x320x80xi32, #tpu.memory_space<hbm>> -> memref<1x320x80xi32, #tpu.memory_space<hbm>>
      %dma_wait3A_409 = tpu.memref_squeeze %dma_wait3A_408 : memref<1x320x80xi32, #tpu.memory_space<hbm>> -> memref<320x80xi32, #tpu.memory_space<hbm>>
      tpu.wait_dma2 semaphore(%run_scoped3A : memref<!tpu.dma_semaphore, #tpu.memory_space<semaphore_mem>>) src(%dma_wait3A_409 : memref<320x80xi32, #tpu.memory_space<hbm>>) dst(%arg8 : memref<320x80xi32, #tpu.memory_space<vmem>>)
      tpu.yield
    }) : () -> ()
    "tpu.region"() ({
      %run_scoped3A = tpu.sem_alloc : memref<!tpu.dma_semaphore, #tpu.memory_space<semaphore_mem>>
      %dma_start3A_394 = arith.constant 0 : i32
      %dma_start3A_395 = arith.constant 0 : i32
      %dma_start3A_396 = tpu.memref_slice %arg3[%add3A, %dma_start3A_394, %dma_start3A_395] : memref<32x32x80xi32, #tpu.memory_space<hbm>> -> memref<1x32x80xi32, #tpu.memory_space<hbm>>
      %dma_start3A_397 = tpu.memref_squeeze %dma_start3A_396 : memref<1x32x80xi32, #tpu.memory_space<hbm>> -> memref<32x80xi32, #tpu.memory_space<hbm>>
      %dma_start3A_398 = arith.constant 0 : i32
      %dma_start3A_399 = arith.constant 0 : i32
      %dma_start3A_400 = tpu.memref_slice %arg3[%add3A, %dma_start3A_398, %dma_start3A_399] : memref<32x32x80xi32, #tpu.memory_space<hbm>> -> memref<1x32x80xi32, #tpu.memory_space<hbm>>
      %dma_start3A_401 = tpu.memref_squeeze %dma_start3A_400 : memref<1x32x80xi32, #tpu.memory_space<hbm>> -> memref<32x80xi32, #tpu.memory_space<hbm>>
      tpu.enqueue_dma source(%dma_start3A_401 : memref<32x80xi32, #tpu.memory_space<hbm>>) target(%arg9 : memref<32x80xi32, #tpu.memory_space<vmem>>) target_semaphore(%run_scoped3A : memref<!tpu.dma_semaphore, #tpu.memory_space<semaphore_mem>>)
      %dma_wait3A_402 = arith.constant 0 : i32
      %dma_wait3A_403 = arith.constant 0 : i32
      %dma_wait3A_404 = tpu.memref_slice %arg3[%add3A, %dma_wait3A_402, %dma_wait3A_403] : memref<32x32x80xi32, #tpu.memory_space<hbm>> -> memref<1x32x80xi32, #tpu.memory_space<hbm>>
      %dma_wait3A_405 = tpu.memref_squeeze %dma_wait3A_404 : memref<1x32x80xi32, #tpu.memory_space<hbm>> -> memref<32x80xi32, #tpu.memory_space<hbm>>
      %dma_wait3A_406 = arith.constant 0 : i32
      %dma_wait3A_407 = arith.constant 0 : i32
      %dma_wait3A_408 = tpu.memref_slice %arg3[%add3A, %dma_wait3A_406, %dma_wait3A_407] : memref<32x32x80xi32, #tpu.memory_space<hbm>> -> memref<1x32x80xi32, #tpu.memory_space<hbm>>
      %dma_wait3A_409 = tpu.memref_squeeze %dma_wait3A_408 : memref<1x32x80xi32, #tpu.memory_space<hbm>> -> memref<32x80xi32, #tpu.memory_space<hbm>>
      tpu.wait_dma2 semaphore(%run_scoped3A : memref<!tpu.dma_semaphore, #tpu.memory_space<semaphore_mem>>) src(%dma_wait3A_409 : memref<32x80xi32, #tpu.memory_space<hbm>>) dst(%arg9 : memref<32x80xi32, #tpu.memory_space<vmem>>)
      tpu.yield
    }) : () -> ()
    "tpu.region"() ({
      %run_scoped3A = tpu.sem_alloc : memref<!tpu.dma_semaphore, #tpu.memory_space<semaphore_mem>>
      %dma_start3A_394 = arith.constant 0 : i32
      %dma_start3A_395 = arith.constant 0 : i32
      %dma_start3A_396 = tpu.memref_slice %arg4[%add3A, %dma_start3A_394, %dma_start3A_395] : memref<32x32x80xi32, #tpu.memory_space<hbm>> -> memref<1x32x80xi32, #tpu.memory_space<hbm>>
      %dma_start3A_397 = tpu.memref_squeeze %dma_start3A_396 : memref<1x32x80xi32, #tpu.memory_space<hbm>> -> memref<32x80xi32, #tpu.memory_space<hbm>>
      %dma_start3A_398 = arith.constant 0 : i32
      %dma_start3A_399 = arith.constant 0 : i32
      %dma_start3A_400 = tpu.memref_slice %arg4[%add3A, %dma_start3A_398, %dma_start3A_399] : memref<32x32x80xi32, #tpu.memory_space<hbm>> -> memref<1x32x80xi32, #tpu.memory_space<hbm>>
      %dma_start3A_401 = tpu.memref_squeeze %dma_start3A_400 : memref<1x32x80xi32, #tpu.memory_space<hbm>> -> memref<32x80xi32, #tpu.memory_space<hbm>>
      tpu.enqueue_dma source(%dma_start3A_401 : memref<32x80xi32, #tpu.memory_space<hbm>>) target(%arg10 : memref<32x80xi32, #tpu.memory_space<vmem>>) target_semaphore(%run_scoped3A : memref<!tpu.dma_semaphore, #tpu.memory_space<semaphore_mem>>)
      %dma_wait3A_402 = arith.constant 0 : i32
      %dma_wait3A_403 = arith.constant 0 : i32
      %dma_wait3A_404 = tpu.memref_slice %arg4[%add3A, %dma_wait3A_402, %dma_wait3A_403] : memref<32x32x80xi32, #tpu.memory_space<hbm>> -> memref<1x32x80xi32, #tpu.memory_space<hbm>>
      %dma_wait3A_405 = tpu.memref_squeeze %dma_wait3A_404 : memref<1x32x80xi32, #tpu.memory_space<hbm>> -> memref<32x80xi32, #tpu.memory_space<hbm>>
      %dma_wait3A_406 = arith.constant 0 : i32
      %dma_wait3A_407 = arith.constant 0 : i32
      %dma_wait3A_408 = tpu.memref_slice %arg4[%add3A, %dma_wait3A_406, %dma_wait3A_407] : memref<32x32x80xi32, #tpu.memory_space<hbm>> -> memref<1x32x80xi32, #tpu.memory_space<hbm>>
      %dma_wait3A_409 = tpu.memref_squeeze %dma_wait3A_408 : memref<1x32x80xi32, #tpu.memory_space<hbm>> -> memref<32x80xi32, #tpu.memory_space<hbm>>
      tpu.wait_dma2 semaphore(%run_scoped3A : memref<!tpu.dma_semaphore, #tpu.memory_space<semaphore_mem>>) src(%dma_wait3A_409 : memref<32x80xi32, #tpu.memory_space<hbm>>) dst(%arg10 : memref<32x80xi32, #tpu.memory_space<vmem>>)
      tpu.yield
    }) : () -> ()
    %dma_start3A = arith.constant 0 : i32
    %dma_start3A_1 = arith.constant 0 : i32
    %dma_start3A_2 = arith.constant 0 : i32
    %dma_start3A_3 = arith.constant 0 : i32
    %dma_start3A_4 = tpu.memref_slice %arg11[%dma_start3A_1, %dma_start3A_2, %dma_start3A_3] : memref<8x80x128xf32, #tpu.memory_space<vmem>> -> memref<1x80x128xf32, #tpu.memory_space<vmem>>
    %dma_start3A_5 = tpu.memref_squeeze %dma_start3A_4 : memref<1x80x128xf32, #tpu.memory_space<vmem>> -> memref<80x128xf32, #tpu.memory_space<vmem>>
    %dma_start3A_6 = arith.constant 0 : i32
    %dma_start3A_7 = tpu.memref_slice %arg8[%dma_start3A, %dma_start3A_6] : memref<320x80xi32, #tpu.memory_space<vmem>> -> memref<1x80xi32, #tpu.memory_space<vmem>>
    %dma_start3A_8 = tpu.memref_squeeze %dma_start3A_7 : memref<1x80xi32, #tpu.memory_space<vmem>> -> memref<80xi32, #tpu.memory_space<vmem>>
    %dma_start3A_9 = arith.constant 0 : i32
    %dma_start3A_10 = arith.constant 0 : i32
    %dma_start3A_11 = tpu.memref_slice %arg5[%dma_start3A_9, %dma_start3A_10] : memref<100000x128xf32, #tpu.memory_space<hbm>> -> memref<100000x128xf32, #tpu.memory_space<hbm>>
    tpu.enqueue_indirect_dma source(%dma_start3A_11 : memref<100000x128xf32, #tpu.memory_space<hbm>>) target(%dma_start3A_5 : memref<80x128xf32, #tpu.memory_space<vmem>>) offsets(%dma_start3A_8 : memref<80xi32, #tpu.memory_space<vmem>>) semaphore(%arg12 : memref<!tpu.dma_semaphore, #tpu.memory_space<semaphore_mem>>)
    %dma_start3A_12 = arith.constant 1 : i32
    %dma_start3A_13 = arith.constant 1 : i32
    %dma_start3A_14 = arith.constant 0 : i32
    %dma_start3A_15 = arith.constant 0 : i32
    %dma_start3A_16 = tpu.memref_slice %arg11[%dma_start3A_13, %dma_start3A_14, %dma_start3A_15] : memref<8x80x128xf32, #tpu.memory_space<vmem>> -> memref<1x80x128xf32, #tpu.memory_space<vmem>>
    %dma_start3A_17 = tpu.memref_squeeze %dma_start3A_16 : memref<1x80x128xf32, #tpu.memory_space<vmem>> -> memref<80x128xf32, #tpu.memory_space<vmem>>
    %dma_start3A_18 = arith.constant 0 : i32
    %dma_start3A_19 = tpu.memref_slice %arg8[%dma_start3A_12, %dma_start3A_18] : memref<320x80xi32, #tpu.memory_space<vmem>> -> memref<1x80xi32, #tpu.memory_space<vmem>>
    %dma_start3A_20 = tpu.memref_squeeze %dma_start3A_19 : memref<1x80xi32, #tpu.memory_space<vmem>> -> memref<80xi32, #tpu.memory_space<vmem>>
    %dma_start3A_21 = arith.constant 0 : i32
    %dma_start3A_22 = arith.constant 0 : i32
    %dma_start3A_23 = tpu.memref_slice %arg5[%dma_start3A_21, %dma_start3A_22] : memref<100000x128xf32, #tpu.memory_space<hbm>> -> memref<100000x128xf32, #tpu.memory_space<hbm>>
    tpu.enqueue_indirect_dma source(%dma_start3A_23 : memref<100000x128xf32, #tpu.memory_space<hbm>>) target(%dma_start3A_17 : memref<80x128xf32, #tpu.memory_space<vmem>>) offsets(%dma_start3A_20 : memref<80xi32, #tpu.memory_space<vmem>>) semaphore(%arg13 : memref<!tpu.dma_semaphore, #tpu.memory_space<semaphore_mem>>)
    %dma_start3A_24 = arith.constant 2 : i32
    %dma_start3A_25 = arith.constant 2 : i32
    %dma_start3A_26 = arith.constant 0 : i32
    %dma_start3A_27 = arith.constant 0 : i32
    %dma_start3A_28 = tpu.memref_slice %arg11[%dma_start3A_25, %dma_start3A_26, %dma_start3A_27] : memref<8x80x128xf32, #tpu.memory_space<vmem>> -> memref<1x80x128xf32, #tpu.memory_space<vmem>>
    %dma_start3A_29 = tpu.memref_squeeze %dma_start3A_28 : memref<1x80x128xf32, #tpu.memory_space<vmem>> -> memref<80x128xf32, #tpu.memory_space<vmem>>
    %dma_start3A_30 = arith.constant 0 : i32
    %dma_start3A_31 = tpu.memref_slice %arg8[%dma_start3A_24, %dma_start3A_30] : memref<320x80xi32, #tpu.memory_space<vmem>> -> memref<1x80xi32, #tpu.memory_space<vmem>>
    %dma_start3A_32 = tpu.memref_squeeze %dma_start3A_31 : memref<1x80xi32, #tpu.memory_space<vmem>> -> memref<80xi32, #tpu.memory_space<vmem>>
    %dma_start3A_33 = arith.constant 0 : i32
    %dma_start3A_34 = arith.constant 0 : i32
    %dma_start3A_35 = tpu.memref_slice %arg5[%dma_start3A_33, %dma_start3A_34] : memref<100000x128xf32, #tpu.memory_space<hbm>> -> memref<100000x128xf32, #tpu.memory_space<hbm>>
    tpu.enqueue_indirect_dma source(%dma_start3A_35 : memref<100000x128xf32, #tpu.memory_space<hbm>>) target(%dma_start3A_29 : memref<80x128xf32, #tpu.memory_space<vmem>>) offsets(%dma_start3A_32 : memref<80xi32, #tpu.memory_space<vmem>>) semaphore(%arg14 : memref<!tpu.dma_semaphore, #tpu.memory_space<semaphore_mem>>)
    %dma_start3A_36 = arith.constant 3 : i32
    %dma_start3A_37 = arith.constant 3 : i32
    %dma_start3A_38 = arith.constant 0 : i32
    %dma_start3A_39 = arith.constant 0 : i32
    %dma_start3A_40 = tpu.memref_slice %arg11[%dma_start3A_37, %dma_start3A_38, %dma_start3A_39] : memref<8x80x128xf32, #tpu.memory_space<vmem>> -> memref<1x80x128xf32, #tpu.memory_space<vmem>>
    %dma_start3A_41 = tpu.memref_squeeze %dma_start3A_40 : memref<1x80x128xf32, #tpu.memory_space<vmem>> -> memref<80x128xf32, #tpu.memory_space<vmem>>
    %dma_start3A_42 = arith.constant 0 : i32
    %dma_start3A_43 = tpu.memref_slice %arg8[%dma_start3A_36, %dma_start3A_42] : memref<320x80xi32, #tpu.memory_space<vmem>> -> memref<1x80xi32, #tpu.memory_space<vmem>>
    %dma_start3A_44 = tpu.memref_squeeze %dma_start3A_43 : memref<1x80xi32, #tpu.memory_space<vmem>> -> memref<80xi32, #tpu.memory_space<vmem>>
    %dma_start3A_45 = arith.constant 0 : i32
    %dma_start3A_46 = arith.constant 0 : i32
    %dma_start3A_47 = tpu.memref_slice %arg5[%dma_start3A_45, %dma_start3A_46] : memref<100000x128xf32, #tpu.memory_space<hbm>> -> memref<100000x128xf32, #tpu.memory_space<hbm>>
    tpu.enqueue_indirect_dma source(%dma_start3A_47 : memref<100000x128xf32, #tpu.memory_space<hbm>>) target(%dma_start3A_41 : memref<80x128xf32, #tpu.memory_space<vmem>>) offsets(%dma_start3A_44 : memref<80xi32, #tpu.memory_space<vmem>>) semaphore(%arg15 : memref<!tpu.dma_semaphore, #tpu.memory_space<semaphore_mem>>)
    %dma_start3A_48 = arith.constant 4 : i32
    %dma_start3A_49 = arith.constant 4 : i32
    %dma_start3A_50 = arith.constant 0 : i32
    %dma_start3A_51 = arith.constant 0 : i32
    %dma_start3A_52 = tpu.memref_slice %arg11[%dma_start3A_49, %dma_start3A_50, %dma_start3A_51] : memref<8x80x128xf32, #tpu.memory_space<vmem>> -> memref<1x80x128xf32, #tpu.memory_space<vmem>>
    %dma_start3A_53 = tpu.memref_squeeze %dma_start3A_52 : memref<1x80x128xf32, #tpu.memory_space<vmem>> -> memref<80x128xf32, #tpu.memory_space<vmem>>
    %dma_start3A_54 = arith.constant 0 : i32
    %dma_start3A_55 = tpu.memref_slice %arg8[%dma_start3A_48, %dma_start3A_54] : memref<320x80xi32, #tpu.memory_space<vmem>> -> memref<1x80xi32, #tpu.memory_space<vmem>>
    %dma_start3A_56 = tpu.memref_squeeze %dma_start3A_55 : memref<1x80xi32, #tpu.memory_space<vmem>> -> memref<80xi32, #tpu.memory_space<vmem>>
    %dma_start3A_57 = arith.constant 0 : i32
    %dma_start3A_58 = arith.constant 0 : i32
    %dma_start3A_59 = tpu.memref_slice %arg5[%dma_start3A_57, %dma_start3A_58] : memref<100000x128xf32, #tpu.memory_space<hbm>> -> memref<100000x128xf32, #tpu.memory_space<hbm>>
    tpu.enqueue_indirect_dma source(%dma_start3A_59 : memref<100000x128xf32, #tpu.memory_space<hbm>>) target(%dma_start3A_53 : memref<80x128xf32, #tpu.memory_space<vmem>>) offsets(%dma_start3A_56 : memref<80xi32, #tpu.memory_space<vmem>>) semaphore(%arg16 : memref<!tpu.dma_semaphore, #tpu.memory_space<semaphore_mem>>)
    %dma_start3A_60 = arith.constant 5 : i32
    %dma_start3A_61 = arith.constant 5 : i32
    %dma_start3A_62 = arith.constant 0 : i32
    %dma_start3A_63 = arith.constant 0 : i32
    %dma_start3A_64 = tpu.memref_slice %arg11[%dma_start3A_61, %dma_start3A_62, %dma_start3A_63] : memref<8x80x128xf32, #tpu.memory_space<vmem>> -> memref<1x80x128xf32, #tpu.memory_space<vmem>>
    %dma_start3A_65 = tpu.memref_squeeze %dma_start3A_64 : memref<1x80x128xf32, #tpu.memory_space<vmem>> -> memref<80x128xf32, #tpu.memory_space<vmem>>
    %dma_start3A_66 = arith.constant 0 : i32
    %dma_start3A_67 = tpu.memref_slice %arg8[%dma_start3A_60, %dma_start3A_66] : memref<320x80xi32, #tpu.memory_space<vmem>> -> memref<1x80xi32, #tpu.memory_space<vmem>>
    %dma_start3A_68 = tpu.memref_squeeze %dma_start3A_67 : memref<1x80xi32, #tpu.memory_space<vmem>> -> memref<80xi32, #tpu.memory_space<vmem>>
    %dma_start3A_69 = arith.constant 0 : i32
    %dma_start3A_70 = arith.constant 0 : i32
    %dma_start3A_71 = tpu.memref_slice %arg5[%dma_start3A_69, %dma_start3A_70] : memref<100000x128xf32, #tpu.memory_space<hbm>> -> memref<100000x128xf32, #tpu.memory_space<hbm>>
    tpu.enqueue_indirect_dma source(%dma_start3A_71 : memref<100000x128xf32, #tpu.memory_space<hbm>>) target(%dma_start3A_65 : memref<80x128xf32, #tpu.memory_space<vmem>>) offsets(%dma_start3A_68 : memref<80xi32, #tpu.memory_space<vmem>>) semaphore(%arg17 : memref<!tpu.dma_semaphore, #tpu.memory_space<semaphore_mem>>)
    %scan3A = arith.constant 0 : i32
    %scan3A_72 = arith.constant 0 : i32
    %scan3A_73 = arith.constant 40 : i32
    %scan3A_74 = arith.addi %scan3A_72, %scan3A_73 : i32
    %scan3A_75 = arith.constant 1 : i32
    scf.for %scan3A_394 = %scan3A_72 to %scan3A_74 step %scan3A_75  : i32 {
      %mul3A_395 = arith.constant 8 : i32
      %mul3A_396 = arith.muli %scan3A_394, %mul3A_395 : i32
      %add3A_397 = arith.constant 0 : i32
      %add3A_398 = arith.addi %mul3A_396, %add3A_397 : i32
      %add3A_399 = arith.constant 6 : i32
      %add3A_400 = arith.addi %add3A_398, %add3A_399 : i32
      %lt3A = arith.constant 320 : i32
      %lt3A_401 = arith.cmpi slt, %add3A_400, %lt3A : i32
      %convert_element_type3A = arith.extui %lt3A_401 : i1 to i32
      %cond3A = arith.constant 0 : i32
      %cond3A_402 = arith.cmpi ne, %convert_element_type3A, %cond3A : i32
      scf.if %cond3A_402 {
        %ge3A = arith.constant 2 : i32
        %ge3A_690 = arith.cmpi sge, %add3A_398, %ge3A : i32
        %convert_element_type3A_691 = arith.extui %ge3A_690 : i1 to i32
        %cond3A_692 = arith.constant 0 : i32
        %cond3A_693 = arith.cmpi ne, %convert_element_type3A_691, %cond3A_692 : i32
        scf.if %cond3A_693 {
          %sub3A = arith.constant 2 : i32
          %sub3A_705 = arith.subi %add3A_398, %sub3A : i32
          %dma_wait3A_706 = arith.constant 6 : i32
          %dma_wait3A_707 = arith.constant 0 : i32
          %dma_wait3A_708 = arith.constant 0 : i32
          %dma_wait3A_709 = tpu.memref_slice %arg11[%dma_wait3A_706, %dma_wait3A_707, %dma_wait3A_708] : memref<8x80x128xf32, #tpu.memory_space<vmem>> -> memref<1x80x128xf32, #tpu.memory_space<vmem>>
          %dma_wait3A_710 = tpu.memref_squeeze %dma_wait3A_709 : memref<1x80x128xf32, #tpu.memory_space<vmem>> -> memref<80x128xf32, #tpu.memory_space<vmem>>
          %dma_wait3A_711 = arith.constant 0 : i32
          %dma_wait3A_712 = arith.constant 0 : i32
          %dma_wait3A_713 = tpu.memref_slice %arg6[%add3A, %sub3A_705, %dma_wait3A_711, %dma_wait3A_712] : memref<32x320x80x128xf32, #tpu.memory_space<hbm>> -> memref<1x1x80x128xf32, #tpu.memory_space<hbm>>
          %dma_wait3A_714 = tpu.memref_squeeze %dma_wait3A_713 : memref<1x1x80x128xf32, #tpu.memory_space<hbm>> -> memref<80x128xf32, #tpu.memory_space<hbm>>
          %dma_wait3A_715 = arith.constant 0 : i32
          %dma_wait3A_716 = arith.constant 0 : i32
          %dma_wait3A_717 = tpu.memref_slice %arg6[%add3A, %sub3A_705, %dma_wait3A_715, %dma_wait3A_716] : memref<32x320x80x128xf32, #tpu.memory_space<hbm>> -> memref<1x1x80x128xf32, #tpu.memory_space<hbm>>
          %dma_wait3A_718 = tpu.memref_squeeze %dma_wait3A_717 : memref<1x1x80x128xf32, #tpu.memory_space<hbm>> -> memref<80x128xf32, #tpu.memory_space<hbm>>
          %dma_wait3A_719 = arith.constant 0 : i32
          %dma_wait3A_720 = arith.constant 0 : i32
          %dma_wait3A_721 = tpu.memref_slice %arg11[%dma_wait3A_706, %dma_wait3A_719, %dma_wait3A_720] : memref<8x80x128xf32, #tpu.memory_space<vmem>> -> memref<1x80x128xf32, #tpu.memory_space<vmem>>
          %dma_wait3A_722 = tpu.memref_squeeze %dma_wait3A_721 : memref<1x80x128xf32, #tpu.memory_space<vmem>> -> memref<80x128xf32, #tpu.memory_space<vmem>>
          tpu.wait_dma2 semaphore(%arg26 : memref<!tpu.dma_semaphore, #tpu.memory_space<semaphore_mem>>) src(%dma_wait3A_722 : memref<80x128xf32, #tpu.memory_space<vmem>>) dst(%dma_wait3A_718 : memref<80x128xf32, #tpu.memory_space<hbm>>)
        } else {
        }
        %dma_start3A_694 = arith.constant 6 : i32
        %dma_start3A_695 = arith.constant 0 : i32
        %dma_start3A_696 = arith.constant 0 : i32
        %dma_start3A_697 = tpu.memref_slice %arg11[%dma_start3A_694, %dma_start3A_695, %dma_start3A_696] : memref<8x80x128xf32, #tpu.memory_space<vmem>> -> memref<1x80x128xf32, #tpu.memory_space<vmem>>
        %dma_start3A_698 = tpu.memref_squeeze %dma_start3A_697 : memref<1x80x128xf32, #tpu.memory_space<vmem>> -> memref<80x128xf32, #tpu.memory_space<vmem>>
        %dma_start3A_699 = arith.constant 0 : i32
        %dma_start3A_700 = tpu.memref_slice %arg8[%add3A_400, %dma_start3A_699] : memref<320x80xi32, #tpu.memory_space<vmem>> -> memref<1x80xi32, #tpu.memory_space<vmem>>
        %dma_start3A_701 = tpu.memref_squeeze %dma_start3A_700 : memref<1x80xi32, #tpu.memory_space<vmem>> -> memref<80xi32, #tpu.memory_space<vmem>>
        %dma_start3A_702 = arith.constant 0 : i32
        %dma_start3A_703 = arith.constant 0 : i32
        %dma_start3A_704 = tpu.memref_slice %arg5[%dma_start3A_702, %dma_start3A_703] : memref<100000x128xf32, #tpu.memory_space<hbm>> -> memref<100000x128xf32, #tpu.memory_space<hbm>>
        tpu.enqueue_indirect_dma source(%dma_start3A_704 : memref<100000x128xf32, #tpu.memory_space<hbm>>) target(%dma_start3A_698 : memref<80x128xf32, #tpu.memory_space<vmem>>) offsets(%dma_start3A_701 : memref<80xi32, #tpu.memory_space<vmem>>) semaphore(%arg18 : memref<!tpu.dma_semaphore, #tpu.memory_space<semaphore_mem>>)
      } else {
      }
      %dma_wait3A_403 = arith.constant 0 : i32
      %dma_wait3A_404 = arith.constant 0 : i32
      %dma_wait3A_405 = arith.constant 0 : i32
      %dma_wait3A_406 = tpu.memref_slice %arg11[%dma_wait3A_403, %dma_wait3A_404, %dma_wait3A_405] : memref<8x80x128xf32, #tpu.memory_space<vmem>> -> memref<1x80x128xf32, #tpu.memory_space<vmem>>
      %dma_wait3A_407 = tpu.memref_squeeze %dma_wait3A_406 : memref<1x80x128xf32, #tpu.memory_space<vmem>> -> memref<80x128xf32, #tpu.memory_space<vmem>>
      %dma_wait3A_408 = arith.constant 0 : i32
      %dma_wait3A_409 = tpu.memref_slice %arg8[%add3A_398, %dma_wait3A_408] : memref<320x80xi32, #tpu.memory_space<vmem>> -> memref<1x80xi32, #tpu.memory_space<vmem>>
      %dma_wait3A_410 = tpu.memref_squeeze %dma_wait3A_409 : memref<1x80xi32, #tpu.memory_space<vmem>> -> memref<80xi32, #tpu.memory_space<vmem>>
      %dma_wait3A_411 = arith.constant 0 : i32
      %dma_wait3A_412 = arith.constant 0 : i32
      %dma_wait3A_413 = tpu.memref_slice %arg5[%dma_wait3A_411, %dma_wait3A_412] : memref<100000x128xf32, #tpu.memory_space<hbm>> -> memref<100000x128xf32, #tpu.memory_space<hbm>>
      tpu.wait_indirect_dma semaphore(%arg12 : memref<!tpu.dma_semaphore, #tpu.memory_space<semaphore_mem>>) src(%dma_wait3A_413 : memref<100000x128xf32, #tpu.memory_space<hbm>>) dst(%dma_wait3A_407 : memref<80x128xf32, #tpu.memory_space<vmem>>)
      %dma_start3A_414 = arith.constant 0 : i32
      %dma_start3A_415 = arith.constant 0 : i32
      %dma_start3A_416 = arith.constant 0 : i32
      %dma_start3A_417 = tpu.memref_slice %arg11[%dma_start3A_414, %dma_start3A_415, %dma_start3A_416] : memref<8x80x128xf32, #tpu.memory_space<vmem>> -> memref<1x80x128xf32, #tpu.memory_space<vmem>>
      %dma_start3A_418 = tpu.memref_squeeze %dma_start3A_417 : memref<1x80x128xf32, #tpu.memory_space<vmem>> -> memref<80x128xf32, #tpu.memory_space<vmem>>
      %dma_start3A_419 = arith.constant 0 : i32
      %dma_start3A_420 = arith.constant 0 : i32
      %dma_start3A_421 = tpu.memref_slice %arg6[%add3A, %add3A_398, %dma_start3A_419, %dma_start3A_420] : memref<32x320x80x128xf32, #tpu.memory_space<hbm>> -> memref<1x1x80x128xf32, #tpu.memory_space<hbm>>
      %dma_start3A_422 = tpu.memref_squeeze %dma_start3A_421 : memref<1x1x80x128xf32, #tpu.memory_space<hbm>> -> memref<80x128xf32, #tpu.memory_space<hbm>>
      %dma_start3A_423 = arith.constant 0 : i32
      %dma_start3A_424 = arith.constant 0 : i32
      %dma_start3A_425 = tpu.memref_slice %arg6[%add3A, %add3A_398, %dma_start3A_423, %dma_start3A_424] : memref<32x320x80x128xf32, #tpu.memory_space<hbm>> -> memref<1x1x80x128xf32, #tpu.memory_space<hbm>>
      %dma_start3A_426 = tpu.memref_squeeze %dma_start3A_425 : memref<1x1x80x128xf32, #tpu.memory_space<hbm>> -> memref<80x128xf32, #tpu.memory_space<hbm>>
      %dma_start3A_427 = arith.constant 0 : i32
      %dma_start3A_428 = arith.constant 0 : i32
      %dma_start3A_429 = tpu.memref_slice %arg11[%dma_start3A_414, %dma_start3A_427, %dma_start3A_428] : memref<8x80x128xf32, #tpu.memory_space<vmem>> -> memref<1x80x128xf32, #tpu.memory_space<vmem>>
      %dma_start3A_430 = tpu.memref_squeeze %dma_start3A_429 : memref<1x80x128xf32, #tpu.memory_space<vmem>> -> memref<80x128xf32, #tpu.memory_space<vmem>>
      tpu.enqueue_dma source(%dma_start3A_430 : memref<80x128xf32, #tpu.memory_space<vmem>>) target(%dma_start3A_426 : memref<80x128xf32, #tpu.memory_space<hbm>>) target_semaphore(%arg20 : memref<!tpu.dma_semaphore, #tpu.memory_space<semaphore_mem>>)
      %add3A_431 = arith.constant 1 : i32
      %add3A_432 = arith.addi %mul3A_396, %add3A_431 : i32
      %add3A_433 = arith.constant 6 : i32
      %add3A_434 = arith.addi %add3A_432, %add3A_433 : i32
      %lt3A_435 = arith.constant 320 : i32
      %lt3A_436 = arith.cmpi slt, %add3A_434, %lt3A_435 : i32
      %convert_element_type3A_437 = arith.extui %lt3A_436 : i1 to i32
      %cond3A_438 = arith.constant 0 : i32
      %cond3A_439 = arith.cmpi ne, %convert_element_type3A_437, %cond3A_438 : i32
      scf.if %cond3A_439 {
        %ge3A = arith.constant 2 : i32
        %ge3A_690 = arith.cmpi sge, %add3A_432, %ge3A : i32
        %convert_element_type3A_691 = arith.extui %ge3A_690 : i1 to i32
        %cond3A_692 = arith.constant 0 : i32
        %cond3A_693 = arith.cmpi ne, %convert_element_type3A_691, %cond3A_692 : i32
        scf.if %cond3A_693 {
          %sub3A = arith.constant 2 : i32
          %sub3A_705 = arith.subi %add3A_432, %sub3A : i32
          %dma_wait3A_706 = arith.constant 7 : i32
          %dma_wait3A_707 = arith.constant 0 : i32
          %dma_wait3A_708 = arith.constant 0 : i32
          %dma_wait3A_709 = tpu.memref_slice %arg11[%dma_wait3A_706, %dma_wait3A_707, %dma_wait3A_708] : memref<8x80x128xf32, #tpu.memory_space<vmem>> -> memref<1x80x128xf32, #tpu.memory_space<vmem>>
          %dma_wait3A_710 = tpu.memref_squeeze %dma_wait3A_709 : memref<1x80x128xf32, #tpu.memory_space<vmem>> -> memref<80x128xf32, #tpu.memory_space<vmem>>
          %dma_wait3A_711 = arith.constant 0 : i32
          %dma_wait3A_712 = arith.constant 0 : i32
          %dma_wait3A_713 = tpu.memref_slice %arg6[%add3A, %sub3A_705, %dma_wait3A_711, %dma_wait3A_712] : memref<32x320x80x128xf32, #tpu.memory_space<hbm>> -> memref<1x1x80x128xf32, #tpu.memory_space<hbm>>
          %dma_wait3A_714 = tpu.memref_squeeze %dma_wait3A_713 : memref<1x1x80x128xf32, #tpu.memory_space<hbm>> -> memref<80x128xf32, #tpu.memory_space<hbm>>
          %dma_wait3A_715 = arith.constant 0 : i32
          %dma_wait3A_716 = arith.constant 0 : i32
          %dma_wait3A_717 = tpu.memref_slice %arg6[%add3A, %sub3A_705, %dma_wait3A_715, %dma_wait3A_716] : memref<32x320x80x128xf32, #tpu.memory_space<hbm>> -> memref<1x1x80x128xf32, #tpu.memory_space<hbm>>
          %dma_wait3A_718 = tpu.memref_squeeze %dma_wait3A_717 : memref<1x1x80x128xf32, #tpu.memory_space<hbm>> -> memref<80x128xf32, #tpu.memory_space<hbm>>
          %dma_wait3A_719 = arith.constant 0 : i32
          %dma_wait3A_720 = arith.constant 0 : i32
          %dma_wait3A_721 = tpu.memref_slice %arg11[%dma_wait3A_706, %dma_wait3A_719, %dma_wait3A_720] : memref<8x80x128xf32, #tpu.memory_space<vmem>> -> memref<1x80x128xf32, #tpu.memory_space<vmem>>
          %dma_wait3A_722 = tpu.memref_squeeze %dma_wait3A_721 : memref<1x80x128xf32, #tpu.memory_space<vmem>> -> memref<80x128xf32, #tpu.memory_space<vmem>>
          tpu.wait_dma2 semaphore(%arg27 : memref<!tpu.dma_semaphore, #tpu.memory_space<semaphore_mem>>) src(%dma_wait3A_722 : memref<80x128xf32, #tpu.memory_space<vmem>>) dst(%dma_wait3A_718 : memref<80x128xf32, #tpu.memory_space<hbm>>)
        } else {
        }
        %dma_start3A_694 = arith.constant 7 : i32
        %dma_start3A_695 = arith.constant 0 : i32
        %dma_start3A_696 = arith.constant 0 : i32
        %dma_start3A_697 = tpu.memref_slice %arg11[%dma_start3A_694, %dma_start3A_695, %dma_start3A_696] : memref<8x80x128xf32, #tpu.memory_space<vmem>> -> memref<1x80x128xf32, #tpu.memory_space<vmem>>
        %dma_start3A_698 = tpu.memref_squeeze %dma_start3A_697 : memref<1x80x128xf32, #tpu.memory_space<vmem>> -> memref<80x128xf32, #tpu.memory_space<vmem>>
        %dma_start3A_699 = arith.constant 0 : i32
        %dma_start3A_700 = tpu.memref_slice %arg8[%add3A_434, %dma_start3A_699] : memref<320x80xi32, #tpu.memory_space<vmem>> -> memref<1x80xi32, #tpu.memory_space<vmem>>
        %dma_start3A_701 = tpu.memref_squeeze %dma_start3A_700 : memref<1x80xi32, #tpu.memory_space<vmem>> -> memref<80xi32, #tpu.memory_space<vmem>>
        %dma_start3A_702 = arith.constant 0 : i32
        %dma_start3A_703 = arith.constant 0 : i32
        %dma_start3A_704 = tpu.memref_slice %arg5[%dma_start3A_702, %dma_start3A_703] : memref<100000x128xf32, #tpu.memory_space<hbm>> -> memref<100000x128xf32, #tpu.memory_space<hbm>>
        tpu.enqueue_indirect_dma source(%dma_start3A_704 : memref<100000x128xf32, #tpu.memory_space<hbm>>) target(%dma_start3A_698 : memref<80x128xf32, #tpu.memory_space<vmem>>) offsets(%dma_start3A_701 : memref<80xi32, #tpu.memory_space<vmem>>) semaphore(%arg19 : memref<!tpu.dma_semaphore, #tpu.memory_space<semaphore_mem>>)
      } else {
      }
      %dma_wait3A_440 = arith.constant 1 : i32
      %dma_wait3A_441 = arith.constant 0 : i32
      %dma_wait3A_442 = arith.constant 0 : i32
      %dma_wait3A_443 = tpu.memref_slice %arg11[%dma_wait3A_440, %dma_wait3A_441, %dma_wait3A_442] : memref<8x80x128xf32, #tpu.memory_space<vmem>> -> memref<1x80x128xf32, #tpu.memory_space<vmem>>
      %dma_wait3A_444 = tpu.memref_squeeze %dma_wait3A_443 : memref<1x80x128xf32, #tpu.memory_space<vmem>> -> memref<80x128xf32, #tpu.memory_space<vmem>>
      %dma_wait3A_445 = arith.constant 0 : i32
      %dma_wait3A_446 = tpu.memref_slice %arg8[%add3A_432, %dma_wait3A_445] : memref<320x80xi32, #tpu.memory_space<vmem>> -> memref<1x80xi32, #tpu.memory_space<vmem>>
      %dma_wait3A_447 = tpu.memref_squeeze %dma_wait3A_446 : memref<1x80xi32, #tpu.memory_space<vmem>> -> memref<80xi32, #tpu.memory_space<vmem>>
      %dma_wait3A_448 = arith.constant 0 : i32
      %dma_wait3A_449 = arith.constant 0 : i32
      %dma_wait3A_450 = tpu.memref_slice %arg5[%dma_wait3A_448, %dma_wait3A_449] : memref<100000x128xf32, #tpu.memory_space<hbm>> -> memref<100000x128xf32, #tpu.memory_space<hbm>>
      tpu.wait_indirect_dma semaphore(%arg13 : memref<!tpu.dma_semaphore, #tpu.memory_space<semaphore_mem>>) src(%dma_wait3A_450 : memref<100000x128xf32, #tpu.memory_space<hbm>>) dst(%dma_wait3A_444 : memref<80x128xf32, #tpu.memory_space<vmem>>)
      %dma_start3A_451 = arith.constant 1 : i32
      %dma_start3A_452 = arith.constant 0 : i32
      %dma_start3A_453 = arith.constant 0 : i32
      %dma_start3A_454 = tpu.memref_slice %arg11[%dma_start3A_451, %dma_start3A_452, %dma_start3A_453] : memref<8x80x128xf32, #tpu.memory_space<vmem>> -> memref<1x80x128xf32, #tpu.memory_space<vmem>>
      %dma_start3A_455 = tpu.memref_squeeze %dma_start3A_454 : memref<1x80x128xf32, #tpu.memory_space<vmem>> -> memref<80x128xf32, #tpu.memory_space<vmem>>
      %dma_start3A_456 = arith.constant 0 : i32
      %dma_start3A_457 = arith.constant 0 : i32
      %dma_start3A_458 = tpu.memref_slice %arg6[%add3A, %add3A_432, %dma_start3A_456, %dma_start3A_457] : memref<32x320x80x128xf32, #tpu.memory_space<hbm>> -> memref<1x1x80x128xf32, #tpu.memory_space<hbm>>
      %dma_start3A_459 = tpu.memref_squeeze %dma_start3A_458 : memref<1x1x80x128xf32, #tpu.memory_space<hbm>> -> memref<80x128xf32, #tpu.memory_space<hbm>>
      %dma_start3A_460 = arith.constant 0 : i32
      %dma_start3A_461 = arith.constant 0 : i32
      %dma_start3A_462 = tpu.memref_slice %arg6[%add3A, %add3A_432, %dma_start3A_460, %dma_start3A_461] : memref<32x320x80x128xf32, #tpu.memory_space<hbm>> -> memref<1x1x80x128xf32, #tpu.memory_space<hbm>>
      %dma_start3A_463 = tpu.memref_squeeze %dma_start3A_462 : memref<1x1x80x128xf32, #tpu.memory_space<hbm>> -> memref<80x128xf32, #tpu.memory_space<hbm>>
      %dma_start3A_464 = arith.constant 0 : i32
      %dma_start3A_465 = arith.constant 0 : i32
      %dma_start3A_466 = tpu.memref_slice %arg11[%dma_start3A_451, %dma_start3A_464, %dma_start3A_465] : memref<8x80x128xf32, #tpu.memory_space<vmem>> -> memref<1x80x128xf32, #tpu.memory_space<vmem>>
      %dma_start3A_467 = tpu.memref_squeeze %dma_start3A_466 : memref<1x80x128xf32, #tpu.memory_space<vmem>> -> memref<80x128xf32, #tpu.memory_space<vmem>>
      tpu.enqueue_dma source(%dma_start3A_467 : memref<80x128xf32, #tpu.memory_space<vmem>>) target(%dma_start3A_463 : memref<80x128xf32, #tpu.memory_space<hbm>>) target_semaphore(%arg21 : memref<!tpu.dma_semaphore, #tpu.memory_space<semaphore_mem>>)
      %add3A_468 = arith.constant 2 : i32
      %add3A_469 = arith.addi %mul3A_396, %add3A_468 : i32
      %add3A_470 = arith.constant 6 : i32
      %add3A_471 = arith.addi %add3A_469, %add3A_470 : i32
      %lt3A_472 = arith.constant 320 : i32
      %lt3A_473 = arith.cmpi slt, %add3A_471, %lt3A_472 : i32
      %convert_element_type3A_474 = arith.extui %lt3A_473 : i1 to i32
      %cond3A_475 = arith.constant 0 : i32
      %cond3A_476 = arith.cmpi ne, %convert_element_type3A_474, %cond3A_475 : i32
      scf.if %cond3A_476 {
        %ge3A = arith.constant 2 : i32
        %ge3A_690 = arith.cmpi sge, %add3A_469, %ge3A : i32
        %convert_element_type3A_691 = arith.extui %ge3A_690 : i1 to i32
        %cond3A_692 = arith.constant 0 : i32
        %cond3A_693 = arith.cmpi ne, %convert_element_type3A_691, %cond3A_692 : i32
        scf.if %cond3A_693 {
          %sub3A = arith.constant 2 : i32
          %sub3A_705 = arith.subi %add3A_469, %sub3A : i32
          %dma_wait3A_706 = arith.constant 0 : i32
          %dma_wait3A_707 = arith.constant 0 : i32
          %dma_wait3A_708 = arith.constant 0 : i32
          %dma_wait3A_709 = tpu.memref_slice %arg11[%dma_wait3A_706, %dma_wait3A_707, %dma_wait3A_708] : memref<8x80x128xf32, #tpu.memory_space<vmem>> -> memref<1x80x128xf32, #tpu.memory_space<vmem>>
          %dma_wait3A_710 = tpu.memref_squeeze %dma_wait3A_709 : memref<1x80x128xf32, #tpu.memory_space<vmem>> -> memref<80x128xf32, #tpu.memory_space<vmem>>
          %dma_wait3A_711 = arith.constant 0 : i32
          %dma_wait3A_712 = arith.constant 0 : i32
          %dma_wait3A_713 = tpu.memref_slice %arg6[%add3A, %sub3A_705, %dma_wait3A_711, %dma_wait3A_712] : memref<32x320x80x128xf32, #tpu.memory_space<hbm>> -> memref<1x1x80x128xf32, #tpu.memory_space<hbm>>
          %dma_wait3A_714 = tpu.memref_squeeze %dma_wait3A_713 : memref<1x1x80x128xf32, #tpu.memory_space<hbm>> -> memref<80x128xf32, #tpu.memory_space<hbm>>
          %dma_wait3A_715 = arith.constant 0 : i32
          %dma_wait3A_716 = arith.constant 0 : i32
          %dma_wait3A_717 = tpu.memref_slice %arg6[%add3A, %sub3A_705, %dma_wait3A_715, %dma_wait3A_716] : memref<32x320x80x128xf32, #tpu.memory_space<hbm>> -> memref<1x1x80x128xf32, #tpu.memory_space<hbm>>
          %dma_wait3A_718 = tpu.memref_squeeze %dma_wait3A_717 : memref<1x1x80x128xf32, #tpu.memory_space<hbm>> -> memref<80x128xf32, #tpu.memory_space<hbm>>
          %dma_wait3A_719 = arith.constant 0 : i32
          %dma_wait3A_720 = arith.constant 0 : i32
          %dma_wait3A_721 = tpu.memref_slice %arg11[%dma_wait3A_706, %dma_wait3A_719, %dma_wait3A_720] : memref<8x80x128xf32, #tpu.memory_space<vmem>> -> memref<1x80x128xf32, #tpu.memory_space<vmem>>
          %dma_wait3A_722 = tpu.memref_squeeze %dma_wait3A_721 : memref<1x80x128xf32, #tpu.memory_space<vmem>> -> memref<80x128xf32, #tpu.memory_space<vmem>>
          tpu.wait_dma2 semaphore(%arg20 : memref<!tpu.dma_semaphore, #tpu.memory_space<semaphore_mem>>) src(%dma_wait3A_722 : memref<80x128xf32, #tpu.memory_space<vmem>>) dst(%dma_wait3A_718 : memref<80x128xf32, #tpu.memory_space<hbm>>)
        } else {
        }
        %dma_start3A_694 = arith.constant 0 : i32
        %dma_start3A_695 = arith.constant 0 : i32
        %dma_start3A_696 = arith.constant 0 : i32
        %dma_start3A_697 = tpu.memref_slice %arg11[%dma_start3A_694, %dma_start3A_695, %dma_start3A_696] : memref<8x80x128xf32, #tpu.memory_space<vmem>> -> memref<1x80x128xf32, #tpu.memory_space<vmem>>
        %dma_start3A_698 = tpu.memref_squeeze %dma_start3A_697 : memref<1x80x128xf32, #tpu.memory_space<vmem>> -> memref<80x128xf32, #tpu.memory_space<vmem>>
        %dma_start3A_699 = arith.constant 0 : i32
        %dma_start3A_700 = tpu.memref_slice %arg8[%add3A_471, %dma_start3A_699] : memref<320x80xi32, #tpu.memory_space<vmem>> -> memref<1x80xi32, #tpu.memory_space<vmem>>
        %dma_start3A_701 = tpu.memref_squeeze %dma_start3A_700 : memref<1x80xi32, #tpu.memory_space<vmem>> -> memref<80xi32, #tpu.memory_space<vmem>>
        %dma_start3A_702 = arith.constant 0 : i32
        %dma_start3A_703 = arith.constant 0 : i32
        %dma_start3A_704 = tpu.memref_slice %arg5[%dma_start3A_702, %dma_start3A_703] : memref<100000x128xf32, #tpu.memory_space<hbm>> -> memref<100000x128xf32, #tpu.memory_space<hbm>>
        tpu.enqueue_indirect_dma source(%dma_start3A_704 : memref<100000x128xf32, #tpu.memory_space<hbm>>) target(%dma_start3A_698 : memref<80x128xf32, #tpu.memory_space<vmem>>) offsets(%dma_start3A_701 : memref<80xi32, #tpu.memory_space<vmem>>) semaphore(%arg12 : memref<!tpu.dma_semaphore, #tpu.memory_space<semaphore_mem>>)
      } else {
      }
      %dma_wait3A_477 = arith.constant 2 : i32
      %dma_wait3A_478 = arith.constant 0 : i32
      %dma_wait3A_479 = arith.constant 0 : i32
      %dma_wait3A_480 = tpu.memref_slice %arg11[%dma_wait3A_477, %dma_wait3A_478, %dma_wait3A_479] : memref<8x80x128xf32, #tpu.memory_space<vmem>> -> memref<1x80x128xf32, #tpu.memory_space<vmem>>
      %dma_wait3A_481 = tpu.memref_squeeze %dma_wait3A_480 : memref<1x80x128xf32, #tpu.memory_space<vmem>> -> memref<80x128xf32, #tpu.memory_space<vmem>>
      %dma_wait3A_482 = arith.constant 0 : i32
      %dma_wait3A_483 = tpu.memref_slice %arg8[%add3A_469, %dma_wait3A_482] : memref<320x80xi32, #tpu.memory_space<vmem>> -> memref<1x80xi32, #tpu.memory_space<vmem>>
      %dma_wait3A_484 = tpu.memref_squeeze %dma_wait3A_483 : memref<1x80xi32, #tpu.memory_space<vmem>> -> memref<80xi32, #tpu.memory_space<vmem>>
      %dma_wait3A_485 = arith.constant 0 : i32
      %dma_wait3A_486 = arith.constant 0 : i32
      %dma_wait3A_487 = tpu.memref_slice %arg5[%dma_wait3A_485, %dma_wait3A_486] : memref<100000x128xf32, #tpu.memory_space<hbm>> -> memref<100000x128xf32, #tpu.memory_space<hbm>>
      tpu.wait_indirect_dma semaphore(%arg14 : memref<!tpu.dma_semaphore, #tpu.memory_space<semaphore_mem>>) src(%dma_wait3A_487 : memref<100000x128xf32, #tpu.memory_space<hbm>>) dst(%dma_wait3A_481 : memref<80x128xf32, #tpu.memory_space<vmem>>)
      %dma_start3A_488 = arith.constant 2 : i32
      %dma_start3A_489 = arith.constant 0 : i32
      %dma_start3A_490 = arith.constant 0 : i32
      %dma_start3A_491 = tpu.memref_slice %arg11[%dma_start3A_488, %dma_start3A_489, %dma_start3A_490] : memref<8x80x128xf32, #tpu.memory_space<vmem>> -> memref<1x80x128xf32, #tpu.memory_space<vmem>>
      %dma_start3A_492 = tpu.memref_squeeze %dma_start3A_491 : memref<1x80x128xf32, #tpu.memory_space<vmem>> -> memref<80x128xf32, #tpu.memory_space<vmem>>
      %dma_start3A_493 = arith.constant 0 : i32
      %dma_start3A_494 = arith.constant 0 : i32
      %dma_start3A_495 = tpu.memref_slice %arg6[%add3A, %add3A_469, %dma_start3A_493, %dma_start3A_494] : memref<32x320x80x128xf32, #tpu.memory_space<hbm>> -> memref<1x1x80x128xf32, #tpu.memory_space<hbm>>
      %dma_start3A_496 = tpu.memref_squeeze %dma_start3A_495 : memref<1x1x80x128xf32, #tpu.memory_space<hbm>> -> memref<80x128xf32, #tpu.memory_space<hbm>>
      %dma_start3A_497 = arith.constant 0 : i32
      %dma_start3A_498 = arith.constant 0 : i32
      %dma_start3A_499 = tpu.memref_slice %arg6[%add3A, %add3A_469, %dma_start3A_497, %dma_start3A_498] : memref<32x320x80x128xf32, #tpu.memory_space<hbm>> -> memref<1x1x80x128xf32, #tpu.memory_space<hbm>>
      %dma_start3A_500 = tpu.memref_squeeze %dma_start3A_499 : memref<1x1x80x128xf32, #tpu.memory_space<hbm>> -> memref<80x128xf32, #tpu.memory_space<hbm>>
      %dma_start3A_501 = arith.constant 0 : i32
      %dma_start3A_502 = arith.constant 0 : i32
      %dma_start3A_503 = tpu.memref_slice %arg11[%dma_start3A_488, %dma_start3A_501, %dma_start3A_502] : memref<8x80x128xf32, #tpu.memory_space<vmem>> -> memref<1x80x128xf32, #tpu.memory_space<vmem>>
      %dma_start3A_504 = tpu.memref_squeeze %dma_start3A_503 : memref<1x80x128xf32, #tpu.memory_space<vmem>> -> memref<80x128xf32, #tpu.memory_space<vmem>>
      tpu.enqueue_dma source(%dma_start3A_504 : memref<80x128xf32, #tpu.memory_space<vmem>>) target(%dma_start3A_500 : memref<80x128xf32, #tpu.memory_space<hbm>>) target_semaphore(%arg22 : memref<!tpu.dma_semaphore, #tpu.memory_space<semaphore_mem>>)
      %add3A_505 = arith.constant 3 : i32
      %add3A_506 = arith.addi %mul3A_396, %add3A_505 : i32
      %add3A_507 = arith.constant 6 : i32
      %add3A_508 = arith.addi %add3A_506, %add3A_507 : i32
      %lt3A_509 = arith.constant 320 : i32
      %lt3A_510 = arith.cmpi slt, %add3A_508, %lt3A_509 : i32
      %convert_element_type3A_511 = arith.extui %lt3A_510 : i1 to i32
      %cond3A_512 = arith.constant 0 : i32
      %cond3A_513 = arith.cmpi ne, %convert_element_type3A_511, %cond3A_512 : i32
      scf.if %cond3A_513 {
        %ge3A = arith.constant 2 : i32
        %ge3A_690 = arith.cmpi sge, %add3A_506, %ge3A : i32
        %convert_element_type3A_691 = arith.extui %ge3A_690 : i1 to i32
        %cond3A_692 = arith.constant 0 : i32
        %cond3A_693 = arith.cmpi ne, %convert_element_type3A_691, %cond3A_692 : i32
        scf.if %cond3A_693 {
          %sub3A = arith.constant 2 : i32
          %sub3A_705 = arith.subi %add3A_506, %sub3A : i32
          %dma_wait3A_706 = arith.constant 1 : i32
          %dma_wait3A_707 = arith.constant 0 : i32
          %dma_wait3A_708 = arith.constant 0 : i32
          %dma_wait3A_709 = tpu.memref_slice %arg11[%dma_wait3A_706, %dma_wait3A_707, %dma_wait3A_708] : memref<8x80x128xf32, #tpu.memory_space<vmem>> -> memref<1x80x128xf32, #tpu.memory_space<vmem>>
          %dma_wait3A_710 = tpu.memref_squeeze %dma_wait3A_709 : memref<1x80x128xf32, #tpu.memory_space<vmem>> -> memref<80x128xf32, #tpu.memory_space<vmem>>
          %dma_wait3A_711 = arith.constant 0 : i32
          %dma_wait3A_712 = arith.constant 0 : i32
          %dma_wait3A_713 = tpu.memref_slice %arg6[%add3A, %sub3A_705, %dma_wait3A_711, %dma_wait3A_712] : memref<32x320x80x128xf32, #tpu.memory_space<hbm>> -> memref<1x1x80x128xf32, #tpu.memory_space<hbm>>
          %dma_wait3A_714 = tpu.memref_squeeze %dma_wait3A_713 : memref<1x1x80x128xf32, #tpu.memory_space<hbm>> -> memref<80x128xf32, #tpu.memory_space<hbm>>
          %dma_wait3A_715 = arith.constant 0 : i32
          %dma_wait3A_716 = arith.constant 0 : i32
          %dma_wait3A_717 = tpu.memref_slice %arg6[%add3A, %sub3A_705, %dma_wait3A_715, %dma_wait3A_716] : memref<32x320x80x128xf32, #tpu.memory_space<hbm>> -> memref<1x1x80x128xf32, #tpu.memory_space<hbm>>
          %dma_wait3A_718 = tpu.memref_squeeze %dma_wait3A_717 : memref<1x1x80x128xf32, #tpu.memory_space<hbm>> -> memref<80x128xf32, #tpu.memory_space<hbm>>
          %dma_wait3A_719 = arith.constant 0 : i32
          %dma_wait3A_720 = arith.constant 0 : i32
          %dma_wait3A_721 = tpu.memref_slice %arg11[%dma_wait3A_706, %dma_wait3A_719, %dma_wait3A_720] : memref<8x80x128xf32, #tpu.memory_space<vmem>> -> memref<1x80x128xf32, #tpu.memory_space<vmem>>
          %dma_wait3A_722 = tpu.memref_squeeze %dma_wait3A_721 : memref<1x80x128xf32, #tpu.memory_space<vmem>> -> memref<80x128xf32, #tpu.memory_space<vmem>>
          tpu.wait_dma2 semaphore(%arg21 : memref<!tpu.dma_semaphore, #tpu.memory_space<semaphore_mem>>) src(%dma_wait3A_722 : memref<80x128xf32, #tpu.memory_space<vmem>>) dst(%dma_wait3A_718 : memref<80x128xf32, #tpu.memory_space<hbm>>)
        } else {
        }
        %dma_start3A_694 = arith.constant 1 : i32
        %dma_start3A_695 = arith.constant 0 : i32
        %dma_start3A_696 = arith.constant 0 : i32
        %dma_start3A_697 = tpu.memref_slice %arg11[%dma_start3A_694, %dma_start3A_695, %dma_start3A_696] : memref<8x80x128xf32, #tpu.memory_space<vmem>> -> memref<1x80x128xf32, #tpu.memory_space<vmem>>
        %dma_start3A_698 = tpu.memref_squeeze %dma_start3A_697 : memref<1x80x128xf32, #tpu.memory_space<vmem>> -> memref<80x128xf32, #tpu.memory_space<vmem>>
        %dma_start3A_699 = arith.constant 0 : i32
        %dma_start3A_700 = tpu.memref_slice %arg8[%add3A_508, %dma_start3A_699] : memref<320x80xi32, #tpu.memory_space<vmem>> -> memref<1x80xi32, #tpu.memory_space<vmem>>
        %dma_start3A_701 = tpu.memref_squeeze %dma_start3A_700 : memref<1x80xi32, #tpu.memory_space<vmem>> -> memref<80xi32, #tpu.memory_space<vmem>>
        %dma_start3A_702 = arith.constant 0 : i32
        %dma_start3A_703 = arith.constant 0 : i32
        %dma_start3A_704 = tpu.memref_slice %arg5[%dma_start3A_702, %dma_start3A_703] : memref<100000x128xf32, #tpu.memory_space<hbm>> -> memref<100000x128xf32, #tpu.memory_space<hbm>>
        tpu.enqueue_indirect_dma source(%dma_start3A_704 : memref<100000x128xf32, #tpu.memory_space<hbm>>) target(%dma_start3A_698 : memref<80x128xf32, #tpu.memory_space<vmem>>) offsets(%dma_start3A_701 : memref<80xi32, #tpu.memory_space<vmem>>) semaphore(%arg13 : memref<!tpu.dma_semaphore, #tpu.memory_space<semaphore_mem>>)
      } else {
      }
      %dma_wait3A_514 = arith.constant 3 : i32
      %dma_wait3A_515 = arith.constant 0 : i32
      %dma_wait3A_516 = arith.constant 0 : i32
      %dma_wait3A_517 = tpu.memref_slice %arg11[%dma_wait3A_514, %dma_wait3A_515, %dma_wait3A_516] : memref<8x80x128xf32, #tpu.memory_space<vmem>> -> memref<1x80x128xf32, #tpu.memory_space<vmem>>
      %dma_wait3A_518 = tpu.memref_squeeze %dma_wait3A_517 : memref<1x80x128xf32, #tpu.memory_space<vmem>> -> memref<80x128xf32, #tpu.memory_space<vmem>>
      %dma_wait3A_519 = arith.constant 0 : i32
      %dma_wait3A_520 = tpu.memref_slice %arg8[%add3A_506, %dma_wait3A_519] : memref<320x80xi32, #tpu.memory_space<vmem>> -> memref<1x80xi32, #tpu.memory_space<vmem>>
      %dma_wait3A_521 = tpu.memref_squeeze %dma_wait3A_520 : memref<1x80xi32, #tpu.memory_space<vmem>> -> memref<80xi32, #tpu.memory_space<vmem>>
      %dma_wait3A_522 = arith.constant 0 : i32
      %dma_wait3A_523 = arith.constant 0 : i32
      %dma_wait3A_524 = tpu.memref_slice %arg5[%dma_wait3A_522, %dma_wait3A_523] : memref<100000x128xf32, #tpu.memory_space<hbm>> -> memref<100000x128xf32, #tpu.memory_space<hbm>>
      tpu.wait_indirect_dma semaphore(%arg15 : memref<!tpu.dma_semaphore, #tpu.memory_space<semaphore_mem>>) src(%dma_wait3A_524 : memref<100000x128xf32, #tpu.memory_space<hbm>>) dst(%dma_wait3A_518 : memref<80x128xf32, #tpu.memory_space<vmem>>)
      %dma_start3A_525 = arith.constant 3 : i32
      %dma_start3A_526 = arith.constant 0 : i32
      %dma_start3A_527 = arith.constant 0 : i32
      %dma_start3A_528 = tpu.memref_slice %arg11[%dma_start3A_525, %dma_start3A_526, %dma_start3A_527] : memref<8x80x128xf32, #tpu.memory_space<vmem>> -> memref<1x80x128xf32, #tpu.memory_space<vmem>>
      %dma_start3A_529 = tpu.memref_squeeze %dma_start3A_528 : memref<1x80x128xf32, #tpu.memory_space<vmem>> -> memref<80x128xf32, #tpu.memory_space<vmem>>
      %dma_start3A_530 = arith.constant 0 : i32
      %dma_start3A_531 = arith.constant 0 : i32
      %dma_start3A_532 = tpu.memref_slice %arg6[%add3A, %add3A_506, %dma_start3A_530, %dma_start3A_531] : memref<32x320x80x128xf32, #tpu.memory_space<hbm>> -> memref<1x1x80x128xf32, #tpu.memory_space<hbm>>
      %dma_start3A_533 = tpu.memref_squeeze %dma_start3A_532 : memref<1x1x80x128xf32, #tpu.memory_space<hbm>> -> memref<80x128xf32, #tpu.memory_space<hbm>>
      %dma_start3A_534 = arith.constant 0 : i32
      %dma_start3A_535 = arith.constant 0 : i32
      %dma_start3A_536 = tpu.memref_slice %arg6[%add3A, %add3A_506, %dma_start3A_534, %dma_start3A_535] : memref<32x320x80x128xf32, #tpu.memory_space<hbm>> -> memref<1x1x80x128xf32, #tpu.memory_space<hbm>>
      %dma_start3A_537 = tpu.memref_squeeze %dma_start3A_536 : memref<1x1x80x128xf32, #tpu.memory_space<hbm>> -> memref<80x128xf32, #tpu.memory_space<hbm>>
      %dma_start3A_538 = arith.constant 0 : i32
      %dma_start3A_539 = arith.constant 0 : i32
      %dma_start3A_540 = tpu.memref_slice %arg11[%dma_start3A_525, %dma_start3A_538, %dma_start3A_539] : memref<8x80x128xf32, #tpu.memory_space<vmem>> -> memref<1x80x128xf32, #tpu.memory_space<vmem>>
      %dma_start3A_541 = tpu.memref_squeeze %dma_start3A_540 : memref<1x80x128xf32, #tpu.memory_space<vmem>> -> memref<80x128xf32, #tpu.memory_space<vmem>>
      tpu.enqueue_dma source(%dma_start3A_541 : memref<80x128xf32, #tpu.memory_space<vmem>>) target(%dma_start3A_537 : memref<80x128xf32, #tpu.memory_space<hbm>>) target_semaphore(%arg23 : memref<!tpu.dma_semaphore, #tpu.memory_space<semaphore_mem>>)
      %add3A_542 = arith.constant 4 : i32
      %add3A_543 = arith.addi %mul3A_396, %add3A_542 : i32
      %add3A_544 = arith.constant 6 : i32
      %add3A_545 = arith.addi %add3A_543, %add3A_544 : i32
      %lt3A_546 = arith.constant 320 : i32
      %lt3A_547 = arith.cmpi slt, %add3A_545, %lt3A_546 : i32
      %convert_element_type3A_548 = arith.extui %lt3A_547 : i1 to i32
      %cond3A_549 = arith.constant 0 : i32
      %cond3A_550 = arith.cmpi ne, %convert_element_type3A_548, %cond3A_549 : i32
      scf.if %cond3A_550 {
        %ge3A = arith.constant 2 : i32
        %ge3A_690 = arith.cmpi sge, %add3A_543, %ge3A : i32
        %convert_element_type3A_691 = arith.extui %ge3A_690 : i1 to i32
        %cond3A_692 = arith.constant 0 : i32
        %cond3A_693 = arith.cmpi ne, %convert_element_type3A_691, %cond3A_692 : i32
        scf.if %cond3A_693 {
          %sub3A = arith.constant 2 : i32
          %sub3A_705 = arith.subi %add3A_543, %sub3A : i32
          %dma_wait3A_706 = arith.constant 2 : i32
          %dma_wait3A_707 = arith.constant 0 : i32
          %dma_wait3A_708 = arith.constant 0 : i32
          %dma_wait3A_709 = tpu.memref_slice %arg11[%dma_wait3A_706, %dma_wait3A_707, %dma_wait3A_708] : memref<8x80x128xf32, #tpu.memory_space<vmem>> -> memref<1x80x128xf32, #tpu.memory_space<vmem>>
          %dma_wait3A_710 = tpu.memref_squeeze %dma_wait3A_709 : memref<1x80x128xf32, #tpu.memory_space<vmem>> -> memref<80x128xf32, #tpu.memory_space<vmem>>
          %dma_wait3A_711 = arith.constant 0 : i32
          %dma_wait3A_712 = arith.constant 0 : i32
          %dma_wait3A_713 = tpu.memref_slice %arg6[%add3A, %sub3A_705, %dma_wait3A_711, %dma_wait3A_712] : memref<32x320x80x128xf32, #tpu.memory_space<hbm>> -> memref<1x1x80x128xf32, #tpu.memory_space<hbm>>
          %dma_wait3A_714 = tpu.memref_squeeze %dma_wait3A_713 : memref<1x1x80x128xf32, #tpu.memory_space<hbm>> -> memref<80x128xf32, #tpu.memory_space<hbm>>
          %dma_wait3A_715 = arith.constant 0 : i32
          %dma_wait3A_716 = arith.constant 0 : i32
          %dma_wait3A_717 = tpu.memref_slice %arg6[%add3A, %sub3A_705, %dma_wait3A_715, %dma_wait3A_716] : memref<32x320x80x128xf32, #tpu.memory_space<hbm>> -> memref<1x1x80x128xf32, #tpu.memory_space<hbm>>
          %dma_wait3A_718 = tpu.memref_squeeze %dma_wait3A_717 : memref<1x1x80x128xf32, #tpu.memory_space<hbm>> -> memref<80x128xf32, #tpu.memory_space<hbm>>
          %dma_wait3A_719 = arith.constant 0 : i32
          %dma_wait3A_720 = arith.constant 0 : i32
          %dma_wait3A_721 = tpu.memref_slice %arg11[%dma_wait3A_706, %dma_wait3A_719, %dma_wait3A_720] : memref<8x80x128xf32, #tpu.memory_space<vmem>> -> memref<1x80x128xf32, #tpu.memory_space<vmem>>
          %dma_wait3A_722 = tpu.memref_squeeze %dma_wait3A_721 : memref<1x80x128xf32, #tpu.memory_space<vmem>> -> memref<80x128xf32, #tpu.memory_space<vmem>>
          tpu.wait_dma2 semaphore(%arg22 : memref<!tpu.dma_semaphore, #tpu.memory_space<semaphore_mem>>) src(%dma_wait3A_722 : memref<80x128xf32, #tpu.memory_space<vmem>>) dst(%dma_wait3A_718 : memref<80x128xf32, #tpu.memory_space<hbm>>)
        } else {
        }
        %dma_start3A_694 = arith.constant 2 : i32
        %dma_start3A_695 = arith.constant 0 : i32
        %dma_start3A_696 = arith.constant 0 : i32
        %dma_start3A_697 = tpu.memref_slice %arg11[%dma_start3A_694, %dma_start3A_695, %dma_start3A_696] : memref<8x80x128xf32, #tpu.memory_space<vmem>> -> memref<1x80x128xf32, #tpu.memory_space<vmem>>
        %dma_start3A_698 = tpu.memref_squeeze %dma_start3A_697 : memref<1x80x128xf32, #tpu.memory_space<vmem>> -> memref<80x128xf32, #tpu.memory_space<vmem>>
        %dma_start3A_699 = arith.constant 0 : i32
        %dma_start3A_700 = tpu.memref_slice %arg8[%add3A_545, %dma_start3A_699] : memref<320x80xi32, #tpu.memory_space<vmem>> -> memref<1x80xi32, #tpu.memory_space<vmem>>
        %dma_start3A_701 = tpu.memref_squeeze %dma_start3A_700 : memref<1x80xi32, #tpu.memory_space<vmem>> -> memref<80xi32, #tpu.memory_space<vmem>>
        %dma_start3A_702 = arith.constant 0 : i32
        %dma_start3A_703 = arith.constant 0 : i32
        %dma_start3A_704 = tpu.memref_slice %arg5[%dma_start3A_702, %dma_start3A_703] : memref<100000x128xf32, #tpu.memory_space<hbm>> -> memref<100000x128xf32, #tpu.memory_space<hbm>>
        tpu.enqueue_indirect_dma source(%dma_start3A_704 : memref<100000x128xf32, #tpu.memory_space<hbm>>) target(%dma_start3A_698 : memref<80x128xf32, #tpu.memory_space<vmem>>) offsets(%dma_start3A_701 : memref<80xi32, #tpu.memory_space<vmem>>) semaphore(%arg14 : memref<!tpu.dma_semaphore, #tpu.memory_space<semaphore_mem>>)
      } else {
      }
      %dma_wait3A_551 = arith.constant 4 : i32
      %dma_wait3A_552 = arith.constant 0 : i32
      %dma_wait3A_553 = arith.constant 0 : i32
      %dma_wait3A_554 = tpu.memref_slice %arg11[%dma_wait3A_551, %dma_wait3A_552, %dma_wait3A_553] : memref<8x80x128xf32, #tpu.memory_space<vmem>> -> memref<1x80x128xf32, #tpu.memory_space<vmem>>
      %dma_wait3A_555 = tpu.memref_squeeze %dma_wait3A_554 : memref<1x80x128xf32, #tpu.memory_space<vmem>> -> memref<80x128xf32, #tpu.memory_space<vmem>>
      %dma_wait3A_556 = arith.constant 0 : i32
      %dma_wait3A_557 = tpu.memref_slice %arg8[%add3A_543, %dma_wait3A_556] : memref<320x80xi32, #tpu.memory_space<vmem>> -> memref<1x80xi32, #tpu.memory_space<vmem>>
      %dma_wait3A_558 = tpu.memref_squeeze %dma_wait3A_557 : memref<1x80xi32, #tpu.memory_space<vmem>> -> memref<80xi32, #tpu.memory_space<vmem>>
      %dma_wait3A_559 = arith.constant 0 : i32
      %dma_wait3A_560 = arith.constant 0 : i32
      %dma_wait3A_561 = tpu.memref_slice %arg5[%dma_wait3A_559, %dma_wait3A_560] : memref<100000x128xf32, #tpu.memory_space<hbm>> -> memref<100000x128xf32, #tpu.memory_space<hbm>>
      tpu.wait_indirect_dma semaphore(%arg16 : memref<!tpu.dma_semaphore, #tpu.memory_space<semaphore_mem>>) src(%dma_wait3A_561 : memref<100000x128xf32, #tpu.memory_space<hbm>>) dst(%dma_wait3A_555 : memref<80x128xf32, #tpu.memory_space<vmem>>)
      %dma_start3A_562 = arith.constant 4 : i32
      %dma_start3A_563 = arith.constant 0 : i32
      %dma_start3A_564 = arith.constant 0 : i32
      %dma_start3A_565 = tpu.memref_slice %arg11[%dma_start3A_562, %dma_start3A_563, %dma_start3A_564] : memref<8x80x128xf32, #tpu.memory_space<vmem>> -> memref<1x80x128xf32, #tpu.memory_space<vmem>>
      %dma_start3A_566 = tpu.memref_squeeze %dma_start3A_565 : memref<1x80x128xf32, #tpu.memory_space<vmem>> -> memref<80x128xf32, #tpu.memory_space<vmem>>
      %dma_start3A_567 = arith.constant 0 : i32
      %dma_start3A_568 = arith.constant 0 : i32
      %dma_start3A_569 = tpu.memref_slice %arg6[%add3A, %add3A_543, %dma_start3A_567, %dma_start3A_568] : memref<32x320x80x128xf32, #tpu.memory_space<hbm>> -> memref<1x1x80x128xf32, #tpu.memory_space<hbm>>
      %dma_start3A_570 = tpu.memref_squeeze %dma_start3A_569 : memref<1x1x80x128xf32, #tpu.memory_space<hbm>> -> memref<80x128xf32, #tpu.memory_space<hbm>>
      %dma_start3A_571 = arith.constant 0 : i32
      %dma_start3A_572 = arith.constant 0 : i32
      %dma_start3A_573 = tpu.memref_slice %arg6[%add3A, %add3A_543, %dma_start3A_571, %dma_start3A_572] : memref<32x320x80x128xf32, #tpu.memory_space<hbm>> -> memref<1x1x80x128xf32, #tpu.memory_space<hbm>>
      %dma_start3A_574 = tpu.memref_squeeze %dma_start3A_573 : memref<1x1x80x128xf32, #tpu.memory_space<hbm>> -> memref<80x128xf32, #tpu.memory_space<hbm>>
      %dma_start3A_575 = arith.constant 0 : i32
      %dma_start3A_576 = arith.constant 0 : i32
      %dma_start3A_577 = tpu.memref_slice %arg11[%dma_start3A_562, %dma_start3A_575, %dma_start3A_576] : memref<8x80x128xf32, #tpu.memory_space<vmem>> -> memref<1x80x128xf32, #tpu.memory_space<vmem>>
      %dma_start3A_578 = tpu.memref_squeeze %dma_start3A_577 : memref<1x80x128xf32, #tpu.memory_space<vmem>> -> memref<80x128xf32, #tpu.memory_space<vmem>>
      tpu.enqueue_dma source(%dma_start3A_578 : memref<80x128xf32, #tpu.memory_space<vmem>>) target(%dma_start3A_574 : memref<80x128xf32, #tpu.memory_space<hbm>>) target_semaphore(%arg24 : memref<!tpu.dma_semaphore, #tpu.memory_space<semaphore_mem>>)
      %add3A_579 = arith.constant 5 : i32
      %add3A_580 = arith.addi %mul3A_396, %add3A_579 : i32
      %add3A_581 = arith.constant 6 : i32
      %add3A_582 = arith.addi %add3A_580, %add3A_581 : i32
      %lt3A_583 = arith.constant 320 : i32
      %lt3A_584 = arith.cmpi slt, %add3A_582, %lt3A_583 : i32
      %convert_element_type3A_585 = arith.extui %lt3A_584 : i1 to i32
      %cond3A_586 = arith.constant 0 : i32
      %cond3A_587 = arith.cmpi ne, %convert_element_type3A_585, %cond3A_586 : i32
      scf.if %cond3A_587 {
        %ge3A = arith.constant 2 : i32
        %ge3A_690 = arith.cmpi sge, %add3A_580, %ge3A : i32
        %convert_element_type3A_691 = arith.extui %ge3A_690 : i1 to i32
        %cond3A_692 = arith.constant 0 : i32
        %cond3A_693 = arith.cmpi ne, %convert_element_type3A_691, %cond3A_692 : i32
        scf.if %cond3A_693 {
          %sub3A = arith.constant 2 : i32
          %sub3A_705 = arith.subi %add3A_580, %sub3A : i32
          %dma_wait3A_706 = arith.constant 3 : i32
          %dma_wait3A_707 = arith.constant 0 : i32
          %dma_wait3A_708 = arith.constant 0 : i32
          %dma_wait3A_709 = tpu.memref_slice %arg11[%dma_wait3A_706, %dma_wait3A_707, %dma_wait3A_708] : memref<8x80x128xf32, #tpu.memory_space<vmem>> -> memref<1x80x128xf32, #tpu.memory_space<vmem>>
          %dma_wait3A_710 = tpu.memref_squeeze %dma_wait3A_709 : memref<1x80x128xf32, #tpu.memory_space<vmem>> -> memref<80x128xf32, #tpu.memory_space<vmem>>
          %dma_wait3A_711 = arith.constant 0 : i32
          %dma_wait3A_712 = arith.constant 0 : i32
          %dma_wait3A_713 = tpu.memref_slice %arg6[%add3A, %sub3A_705, %dma_wait3A_711, %dma_wait3A_712] : memref<32x320x80x128xf32, #tpu.memory_space<hbm>> -> memref<1x1x80x128xf32, #tpu.memory_space<hbm>>
          %dma_wait3A_714 = tpu.memref_squeeze %dma_wait3A_713 : memref<1x1x80x128xf32, #tpu.memory_space<hbm>> -> memref<80x128xf32, #tpu.memory_space<hbm>>
          %dma_wait3A_715 = arith.constant 0 : i32
          %dma_wait3A_716 = arith.constant 0 : i32
          %dma_wait3A_717 = tpu.memref_slice %arg6[%add3A, %sub3A_705, %dma_wait3A_715, %dma_wait3A_716] : memref<32x320x80x128xf32, #tpu.memory_space<hbm>> -> memref<1x1x80x128xf32, #tpu.memory_space<hbm>>
          %dma_wait3A_718 = tpu.memref_squeeze %dma_wait3A_717 : memref<1x1x80x128xf32, #tpu.memory_space<hbm>> -> memref<80x128xf32, #tpu.memory_space<hbm>>
          %dma_wait3A_719 = arith.constant 0 : i32
          %dma_wait3A_720 = arith.constant 0 : i32
          %dma_wait3A_721 = tpu.memref_slice %arg11[%dma_wait3A_706, %dma_wait3A_719, %dma_wait3A_720] : memref<8x80x128xf32, #tpu.memory_space<vmem>> -> memref<1x80x128xf32, #tpu.memory_space<vmem>>
          %dma_wait3A_722 = tpu.memref_squeeze %dma_wait3A_721 : memref<1x80x128xf32, #tpu.memory_space<vmem>> -> memref<80x128xf32, #tpu.memory_space<vmem>>
          tpu.wait_dma2 semaphore(%arg23 : memref<!tpu.dma_semaphore, #tpu.memory_space<semaphore_mem>>) src(%dma_wait3A_722 : memref<80x128xf32, #tpu.memory_space<vmem>>) dst(%dma_wait3A_718 : memref<80x128xf32, #tpu.memory_space<hbm>>)
        } else {
        }
        %dma_start3A_694 = arith.constant 3 : i32
        %dma_start3A_695 = arith.constant 0 : i32
        %dma_start3A_696 = arith.constant 0 : i32
        %dma_start3A_697 = tpu.memref_slice %arg11[%dma_start3A_694, %dma_start3A_695, %dma_start3A_696] : memref<8x80x128xf32, #tpu.memory_space<vmem>> -> memref<1x80x128xf32, #tpu.memory_space<vmem>>
        %dma_start3A_698 = tpu.memref_squeeze %dma_start3A_697 : memref<1x80x128xf32, #tpu.memory_space<vmem>> -> memref<80x128xf32, #tpu.memory_space<vmem>>
        %dma_start3A_699 = arith.constant 0 : i32
        %dma_start3A_700 = tpu.memref_slice %arg8[%add3A_582, %dma_start3A_699] : memref<320x80xi32, #tpu.memory_space<vmem>> -> memref<1x80xi32, #tpu.memory_space<vmem>>
        %dma_start3A_701 = tpu.memref_squeeze %dma_start3A_700 : memref<1x80xi32, #tpu.memory_space<vmem>> -> memref<80xi32, #tpu.memory_space<vmem>>
        %dma_start3A_702 = arith.constant 0 : i32
        %dma_start3A_703 = arith.constant 0 : i32
        %dma_start3A_704 = tpu.memref_slice %arg5[%dma_start3A_702, %dma_start3A_703] : memref<100000x128xf32, #tpu.memory_space<hbm>> -> memref<100000x128xf32, #tpu.memory_space<hbm>>
        tpu.enqueue_indirect_dma source(%dma_start3A_704 : memref<100000x128xf32, #tpu.memory_space<hbm>>) target(%dma_start3A_698 : memref<80x128xf32, #tpu.memory_space<vmem>>) offsets(%dma_start3A_701 : memref<80xi32, #tpu.memory_space<vmem>>) semaphore(%arg15 : memref<!tpu.dma_semaphore, #tpu.memory_space<semaphore_mem>>)
      } else {
      }
      %dma_wait3A_588 = arith.constant 5 : i32
      %dma_wait3A_589 = arith.constant 0 : i32
      %dma_wait3A_590 = arith.constant 0 : i32
      %dma_wait3A_591 = tpu.memref_slice %arg11[%dma_wait3A_588, %dma_wait3A_589, %dma_wait3A_590] : memref<8x80x128xf32, #tpu.memory_space<vmem>> -> memref<1x80x128xf32, #tpu.memory_space<vmem>>
      %dma_wait3A_592 = tpu.memref_squeeze %dma_wait3A_591 : memref<1x80x128xf32, #tpu.memory_space<vmem>> -> memref<80x128xf32, #tpu.memory_space<vmem>>
      %dma_wait3A_593 = arith.constant 0 : i32
      %dma_wait3A_594 = tpu.memref_slice %arg8[%add3A_580, %dma_wait3A_593] : memref<320x80xi32, #tpu.memory_space<vmem>> -> memref<1x80xi32, #tpu.memory_space<vmem>>
      %dma_wait3A_595 = tpu.memref_squeeze %dma_wait3A_594 : memref<1x80xi32, #tpu.memory_space<vmem>> -> memref<80xi32, #tpu.memory_space<vmem>>
      %dma_wait3A_596 = arith.constant 0 : i32
      %dma_wait3A_597 = arith.constant 0 : i32
      %dma_wait3A_598 = tpu.memref_slice %arg5[%dma_wait3A_596, %dma_wait3A_597] : memref<100000x128xf32, #tpu.memory_space<hbm>> -> memref<100000x128xf32, #tpu.memory_space<hbm>>
      tpu.wait_indirect_dma semaphore(%arg17 : memref<!tpu.dma_semaphore, #tpu.memory_space<semaphore_mem>>) src(%dma_wait3A_598 : memref<100000x128xf32, #tpu.memory_space<hbm>>) dst(%dma_wait3A_592 : memref<80x128xf32, #tpu.memory_space<vmem>>)
      %dma_start3A_599 = arith.constant 5 : i32
      %dma_start3A_600 = arith.constant 0 : i32
      %dma_start3A_601 = arith.constant 0 : i32
      %dma_start3A_602 = tpu.memref_slice %arg11[%dma_start3A_599, %dma_start3A_600, %dma_start3A_601] : memref<8x80x128xf32, #tpu.memory_space<vmem>> -> memref<1x80x128xf32, #tpu.memory_space<vmem>>
      %dma_start3A_603 = tpu.memref_squeeze %dma_start3A_602 : memref<1x80x128xf32, #tpu.memory_space<vmem>> -> memref<80x128xf32, #tpu.memory_space<vmem>>
      %dma_start3A_604 = arith.constant 0 : i32
      %dma_start3A_605 = arith.constant 0 : i32
      %dma_start3A_606 = tpu.memref_slice %arg6[%add3A, %add3A_580, %dma_start3A_604, %dma_start3A_605] : memref<32x320x80x128xf32, #tpu.memory_space<hbm>> -> memref<1x1x80x128xf32, #tpu.memory_space<hbm>>
      %dma_start3A_607 = tpu.memref_squeeze %dma_start3A_606 : memref<1x1x80x128xf32, #tpu.memory_space<hbm>> -> memref<80x128xf32, #tpu.memory_space<hbm>>
      %dma_start3A_608 = arith.constant 0 : i32
      %dma_start3A_609 = arith.constant 0 : i32
      %dma_start3A_610 = tpu.memref_slice %arg6[%add3A, %add3A_580, %dma_start3A_608, %dma_start3A_609] : memref<32x320x80x128xf32, #tpu.memory_space<hbm>> -> memref<1x1x80x128xf32, #tpu.memory_space<hbm>>
      %dma_start3A_611 = tpu.memref_squeeze %dma_start3A_610 : memref<1x1x80x128xf32, #tpu.memory_space<hbm>> -> memref<80x128xf32, #tpu.memory_space<hbm>>
      %dma_start3A_612 = arith.constant 0 : i32
      %dma_start3A_613 = arith.constant 0 : i32
      %dma_start3A_614 = tpu.memref_slice %arg11[%dma_start3A_599, %dma_start3A_612, %dma_start3A_613] : memref<8x80x128xf32, #tpu.memory_space<vmem>> -> memref<1x80x128xf32, #tpu.memory_space<vmem>>
      %dma_start3A_615 = tpu.memref_squeeze %dma_start3A_614 : memref<1x80x128xf32, #tpu.memory_space<vmem>> -> memref<80x128xf32, #tpu.memory_space<vmem>>
      tpu.enqueue_dma source(%dma_start3A_615 : memref<80x128xf32, #tpu.memory_space<vmem>>) target(%dma_start3A_611 : memref<80x128xf32, #tpu.memory_space<hbm>>) target_semaphore(%arg25 : memref<!tpu.dma_semaphore, #tpu.memory_space<semaphore_mem>>)
      %add3A_616 = arith.constant 6 : i32
      %add3A_617 = arith.addi %mul3A_396, %add3A_616 : i32
      %add3A_618 = arith.constant 6 : i32
      %add3A_619 = arith.addi %add3A_617, %add3A_618 : i32
      %lt3A_620 = arith.constant 320 : i32
      %lt3A_621 = arith.cmpi slt, %add3A_619, %lt3A_620 : i32
      %convert_element_type3A_622 = arith.extui %lt3A_621 : i1 to i32
      %cond3A_623 = arith.constant 0 : i32
      %cond3A_624 = arith.cmpi ne, %convert_element_type3A_622, %cond3A_623 : i32
      scf.if %cond3A_624 {
        %ge3A = arith.constant 2 : i32
        %ge3A_690 = arith.cmpi sge, %add3A_617, %ge3A : i32
        %convert_element_type3A_691 = arith.extui %ge3A_690 : i1 to i32
        %cond3A_692 = arith.constant 0 : i32
        %cond3A_693 = arith.cmpi ne, %convert_element_type3A_691, %cond3A_692 : i32
        scf.if %cond3A_693 {
          %sub3A = arith.constant 2 : i32
          %sub3A_705 = arith.subi %add3A_617, %sub3A : i32
          %dma_wait3A_706 = arith.constant 4 : i32
          %dma_wait3A_707 = arith.constant 0 : i32
          %dma_wait3A_708 = arith.constant 0 : i32
          %dma_wait3A_709 = tpu.memref_slice %arg11[%dma_wait3A_706, %dma_wait3A_707, %dma_wait3A_708] : memref<8x80x128xf32, #tpu.memory_space<vmem>> -> memref<1x80x128xf32, #tpu.memory_space<vmem>>
          %dma_wait3A_710 = tpu.memref_squeeze %dma_wait3A_709 : memref<1x80x128xf32, #tpu.memory_space<vmem>> -> memref<80x128xf32, #tpu.memory_space<vmem>>
          %dma_wait3A_711 = arith.constant 0 : i32
          %dma_wait3A_712 = arith.constant 0 : i32
          %dma_wait3A_713 = tpu.memref_slice %arg6[%add3A, %sub3A_705, %dma_wait3A_711, %dma_wait3A_712] : memref<32x320x80x128xf32, #tpu.memory_space<hbm>> -> memref<1x1x80x128xf32, #tpu.memory_space<hbm>>
          %dma_wait3A_714 = tpu.memref_squeeze %dma_wait3A_713 : memref<1x1x80x128xf32, #tpu.memory_space<hbm>> -> memref<80x128xf32, #tpu.memory_space<hbm>>
          %dma_wait3A_715 = arith.constant 0 : i32
          %dma_wait3A_716 = arith.constant 0 : i32
          %dma_wait3A_717 = tpu.memref_slice %arg6[%add3A, %sub3A_705, %dma_wait3A_715, %dma_wait3A_716] : memref<32x320x80x128xf32, #tpu.memory_space<hbm>> -> memref<1x1x80x128xf32, #tpu.memory_space<hbm>>
          %dma_wait3A_718 = tpu.memref_squeeze %dma_wait3A_717 : memref<1x1x80x128xf32, #tpu.memory_space<hbm>> -> memref<80x128xf32, #tpu.memory_space<hbm>>
          %dma_wait3A_719 = arith.constant 0 : i32
          %dma_wait3A_720 = arith.constant 0 : i32
          %dma_wait3A_721 = tpu.memref_slice %arg11[%dma_wait3A_706, %dma_wait3A_719, %dma_wait3A_720] : memref<8x80x128xf32, #tpu.memory_space<vmem>> -> memref<1x80x128xf32, #tpu.memory_space<vmem>>
          %dma_wait3A_722 = tpu.memref_squeeze %dma_wait3A_721 : memref<1x80x128xf32, #tpu.memory_space<vmem>> -> memref<80x128xf32, #tpu.memory_space<vmem>>
          tpu.wait_dma2 semaphore(%arg24 : memref<!tpu.dma_semaphore, #tpu.memory_space<semaphore_mem>>) src(%dma_wait3A_722 : memref<80x128xf32, #tpu.memory_space<vmem>>) dst(%dma_wait3A_718 : memref<80x128xf32, #tpu.memory_space<hbm>>)
        } else {
        }
        %dma_start3A_694 = arith.constant 4 : i32
        %dma_start3A_695 = arith.constant 0 : i32
        %dma_start3A_696 = arith.constant 0 : i32
        %dma_start3A_697 = tpu.memref_slice %arg11[%dma_start3A_694, %dma_start3A_695, %dma_start3A_696] : memref<8x80x128xf32, #tpu.memory_space<vmem>> -> memref<1x80x128xf32, #tpu.memory_space<vmem>>
        %dma_start3A_698 = tpu.memref_squeeze %dma_start3A_697 : memref<1x80x128xf32, #tpu.memory_space<vmem>> -> memref<80x128xf32, #tpu.memory_space<vmem>>
        %dma_start3A_699 = arith.constant 0 : i32
        %dma_start3A_700 = tpu.memref_slice %arg8[%add3A_619, %dma_start3A_699] : memref<320x80xi32, #tpu.memory_space<vmem>> -> memref<1x80xi32, #tpu.memory_space<vmem>>
        %dma_start3A_701 = tpu.memref_squeeze %dma_start3A_700 : memref<1x80xi32, #tpu.memory_space<vmem>> -> memref<80xi32, #tpu.memory_space<vmem>>
        %dma_start3A_702 = arith.constant 0 : i32
        %dma_start3A_703 = arith.constant 0 : i32
        %dma_start3A_704 = tpu.memref_slice %arg5[%dma_start3A_702, %dma_start3A_703] : memref<100000x128xf32, #tpu.memory_space<hbm>> -> memref<100000x128xf32, #tpu.memory_space<hbm>>
        tpu.enqueue_indirect_dma source(%dma_start3A_704 : memref<100000x128xf32, #tpu.memory_space<hbm>>) target(%dma_start3A_698 : memref<80x128xf32, #tpu.memory_space<vmem>>) offsets(%dma_start3A_701 : memref<80xi32, #tpu.memory_space<vmem>>) semaphore(%arg16 : memref<!tpu.dma_semaphore, #tpu.memory_space<semaphore_mem>>)
      } else {
      }
      %dma_wait3A_625 = arith.constant 6 : i32
      %dma_wait3A_626 = arith.constant 0 : i32
      %dma_wait3A_627 = arith.constant 0 : i32
      %dma_wait3A_628 = tpu.memref_slice %arg11[%dma_wait3A_625, %dma_wait3A_626, %dma_wait3A_627] : memref<8x80x128xf32, #tpu.memory_space<vmem>> -> memref<1x80x128xf32, #tpu.memory_space<vmem>>
      %dma_wait3A_629 = tpu.memref_squeeze %dma_wait3A_628 : memref<1x80x128xf32, #tpu.memory_space<vmem>> -> memref<80x128xf32, #tpu.memory_space<vmem>>
      %dma_wait3A_630 = arith.constant 0 : i32
      %dma_wait3A_631 = tpu.memref_slice %arg8[%add3A_617, %dma_wait3A_630] : memref<320x80xi32, #tpu.memory_space<vmem>> -> memref<1x80xi32, #tpu.memory_space<vmem>>
      %dma_wait3A_632 = tpu.memref_squeeze %dma_wait3A_631 : memref<1x80xi32, #tpu.memory_space<vmem>> -> memref<80xi32, #tpu.memory_space<vmem>>
      %dma_wait3A_633 = arith.constant 0 : i32
      %dma_wait3A_634 = arith.constant 0 : i32
      %dma_wait3A_635 = tpu.memref_slice %arg5[%dma_wait3A_633, %dma_wait3A_634] : memref<100000x128xf32, #tpu.memory_space<hbm>> -> memref<100000x128xf32, #tpu.memory_space<hbm>>
      tpu.wait_indirect_dma semaphore(%arg18 : memref<!tpu.dma_semaphore, #tpu.memory_space<semaphore_mem>>) src(%dma_wait3A_635 : memref<100000x128xf32, #tpu.memory_space<hbm>>) dst(%dma_wait3A_629 : memref<80x128xf32, #tpu.memory_space<vmem>>)
      %dma_start3A_636 = arith.constant 6 : i32
      %dma_start3A_637 = arith.constant 0 : i32
      %dma_start3A_638 = arith.constant 0 : i32
      %dma_start3A_639 = tpu.memref_slice %arg11[%dma_start3A_636, %dma_start3A_637, %dma_start3A_638] : memref<8x80x128xf32, #tpu.memory_space<vmem>> -> memref<1x80x128xf32, #tpu.memory_space<vmem>>
      %dma_start3A_640 = tpu.memref_squeeze %dma_start3A_639 : memref<1x80x128xf32, #tpu.memory_space<vmem>> -> memref<80x128xf32, #tpu.memory_space<vmem>>
      %dma_start3A_641 = arith.constant 0 : i32
      %dma_start3A_642 = arith.constant 0 : i32
      %dma_start3A_643 = tpu.memref_slice %arg6[%add3A, %add3A_617, %dma_start3A_641, %dma_start3A_642] : memref<32x320x80x128xf32, #tpu.memory_space<hbm>> -> memref<1x1x80x128xf32, #tpu.memory_space<hbm>>
      %dma_start3A_644 = tpu.memref_squeeze %dma_start3A_643 : memref<1x1x80x128xf32, #tpu.memory_space<hbm>> -> memref<80x128xf32, #tpu.memory_space<hbm>>
      %dma_start3A_645 = arith.constant 0 : i32
      %dma_start3A_646 = arith.constant 0 : i32
      %dma_start3A_647 = tpu.memref_slice %arg6[%add3A, %add3A_617, %dma_start3A_645, %dma_start3A_646] : memref<32x320x80x128xf32, #tpu.memory_space<hbm>> -> memref<1x1x80x128xf32, #tpu.memory_space<hbm>>
      %dma_start3A_648 = tpu.memref_squeeze %dma_start3A_647 : memref<1x1x80x128xf32, #tpu.memory_space<hbm>> -> memref<80x128xf32, #tpu.memory_space<hbm>>
      %dma_start3A_649 = arith.constant 0 : i32
      %dma_start3A_650 = arith.constant 0 : i32
      %dma_start3A_651 = tpu.memref_slice %arg11[%dma_start3A_636, %dma_start3A_649, %dma_start3A_650] : memref<8x80x128xf32, #tpu.memory_space<vmem>> -> memref<1x80x128xf32, #tpu.memory_space<vmem>>
      %dma_start3A_652 = tpu.memref_squeeze %dma_start3A_651 : memref<1x80x128xf32, #tpu.memory_space<vmem>> -> memref<80x128xf32, #tpu.memory_space<vmem>>
      tpu.enqueue_dma source(%dma_start3A_652 : memref<80x128xf32, #tpu.memory_space<vmem>>) target(%dma_start3A_648 : memref<80x128xf32, #tpu.memory_space<hbm>>) target_semaphore(%arg26 : memref<!tpu.dma_semaphore, #tpu.memory_space<semaphore_mem>>)
      %add3A_653 = arith.constant 7 : i32
      %add3A_654 = arith.addi %mul3A_396, %add3A_653 : i32
      %add3A_655 = arith.constant 6 : i32
      %add3A_656 = arith.addi %add3A_654, %add3A_655 : i32
      %lt3A_657 = arith.constant 320 : i32
      %lt3A_658 = arith.cmpi slt, %add3A_656, %lt3A_657 : i32
      %convert_element_type3A_659 = arith.extui %lt3A_658 : i1 to i32
      %cond3A_660 = arith.constant 0 : i32
      %cond3A_661 = arith.cmpi ne, %convert_element_type3A_659, %cond3A_660 : i32
      scf.if %cond3A_661 {
        %ge3A = arith.constant 2 : i32
        %ge3A_690 = arith.cmpi sge, %add3A_654, %ge3A : i32
        %convert_element_type3A_691 = arith.extui %ge3A_690 : i1 to i32
        %cond3A_692 = arith.constant 0 : i32
        %cond3A_693 = arith.cmpi ne, %convert_element_type3A_691, %cond3A_692 : i32
        scf.if %cond3A_693 {
          %sub3A = arith.constant 2 : i32
          %sub3A_705 = arith.subi %add3A_654, %sub3A : i32
          %dma_wait3A_706 = arith.constant 5 : i32
          %dma_wait3A_707 = arith.constant 0 : i32
          %dma_wait3A_708 = arith.constant 0 : i32
          %dma_wait3A_709 = tpu.memref_slice %arg11[%dma_wait3A_706, %dma_wait3A_707, %dma_wait3A_708] : memref<8x80x128xf32, #tpu.memory_space<vmem>> -> memref<1x80x128xf32, #tpu.memory_space<vmem>>
          %dma_wait3A_710 = tpu.memref_squeeze %dma_wait3A_709 : memref<1x80x128xf32, #tpu.memory_space<vmem>> -> memref<80x128xf32, #tpu.memory_space<vmem>>
          %dma_wait3A_711 = arith.constant 0 : i32
          %dma_wait3A_712 = arith.constant 0 : i32
          %dma_wait3A_713 = tpu.memref_slice %arg6[%add3A, %sub3A_705, %dma_wait3A_711, %dma_wait3A_712] : memref<32x320x80x128xf32, #tpu.memory_space<hbm>> -> memref<1x1x80x128xf32, #tpu.memory_space<hbm>>
          %dma_wait3A_714 = tpu.memref_squeeze %dma_wait3A_713 : memref<1x1x80x128xf32, #tpu.memory_space<hbm>> -> memref<80x128xf32, #tpu.memory_space<hbm>>
          %dma_wait3A_715 = arith.constant 0 : i32
          %dma_wait3A_716 = arith.constant 0 : i32
          %dma_wait3A_717 = tpu.memref_slice %arg6[%add3A, %sub3A_705, %dma_wait3A_715, %dma_wait3A_716] : memref<32x320x80x128xf32, #tpu.memory_space<hbm>> -> memref<1x1x80x128xf32, #tpu.memory_space<hbm>>
          %dma_wait3A_718 = tpu.memref_squeeze %dma_wait3A_717 : memref<1x1x80x128xf32, #tpu.memory_space<hbm>> -> memref<80x128xf32, #tpu.memory_space<hbm>>
          %dma_wait3A_719 = arith.constant 0 : i32
          %dma_wait3A_720 = arith.constant 0 : i32
          %dma_wait3A_721 = tpu.memref_slice %arg11[%dma_wait3A_706, %dma_wait3A_719, %dma_wait3A_720] : memref<8x80x128xf32, #tpu.memory_space<vmem>> -> memref<1x80x128xf32, #tpu.memory_space<vmem>>
          %dma_wait3A_722 = tpu.memref_squeeze %dma_wait3A_721 : memref<1x80x128xf32, #tpu.memory_space<vmem>> -> memref<80x128xf32, #tpu.memory_space<vmem>>
          tpu.wait_dma2 semaphore(%arg25 : memref<!tpu.dma_semaphore, #tpu.memory_space<semaphore_mem>>) src(%dma_wait3A_722 : memref<80x128xf32, #tpu.memory_space<vmem>>) dst(%dma_wait3A_718 : memref<80x128xf32, #tpu.memory_space<hbm>>)
        } else {
        }
        %dma_start3A_694 = arith.constant 5 : i32
        %dma_start3A_695 = arith.constant 0 : i32
        %dma_start3A_696 = arith.constant 0 : i32
        %dma_start3A_697 = tpu.memref_slice %arg11[%dma_start3A_694, %dma_start3A_695, %dma_start3A_696] : memref<8x80x128xf32, #tpu.memory_space<vmem>> -> memref<1x80x128xf32, #tpu.memory_space<vmem>>
        %dma_start3A_698 = tpu.memref_squeeze %dma_start3A_697 : memref<1x80x128xf32, #tpu.memory_space<vmem>> -> memref<80x128xf32, #tpu.memory_space<vmem>>
        %dma_start3A_699 = arith.constant 0 : i32
        %dma_start3A_700 = tpu.memref_slice %arg8[%add3A_656, %dma_start3A_699] : memref<320x80xi32, #tpu.memory_space<vmem>> -> memref<1x80xi32, #tpu.memory_space<vmem>>
        %dma_start3A_701 = tpu.memref_squeeze %dma_start3A_700 : memref<1x80xi32, #tpu.memory_space<vmem>> -> memref<80xi32, #tpu.memory_space<vmem>>
        %dma_start3A_702 = arith.constant 0 : i32
        %dma_start3A_703 = arith.constant 0 : i32
        %dma_start3A_704 = tpu.memref_slice %arg5[%dma_start3A_702, %dma_start3A_703] : memref<100000x128xf32, #tpu.memory_space<hbm>> -> memref<100000x128xf32, #tpu.memory_space<hbm>>
        tpu.enqueue_indirect_dma source(%dma_start3A_704 : memref<100000x128xf32, #tpu.memory_space<hbm>>) target(%dma_start3A_698 : memref<80x128xf32, #tpu.memory_space<vmem>>) offsets(%dma_start3A_701 : memref<80xi32, #tpu.memory_space<vmem>>) semaphore(%arg17 : memref<!tpu.dma_semaphore, #tpu.memory_space<semaphore_mem>>)
      } else {
      }
      %dma_wait3A_662 = arith.constant 7 : i32
      %dma_wait3A_663 = arith.constant 0 : i32
      %dma_wait3A_664 = arith.constant 0 : i32
      %dma_wait3A_665 = tpu.memref_slice %arg11[%dma_wait3A_662, %dma_wait3A_663, %dma_wait3A_664] : memref<8x80x128xf32, #tpu.memory_space<vmem>> -> memref<1x80x128xf32, #tpu.memory_space<vmem>>
      %dma_wait3A_666 = tpu.memref_squeeze %dma_wait3A_665 : memref<1x80x128xf32, #tpu.memory_space<vmem>> -> memref<80x128xf32, #tpu.memory_space<vmem>>
      %dma_wait3A_667 = arith.constant 0 : i32
      %dma_wait3A_668 = tpu.memref_slice %arg8[%add3A_654, %dma_wait3A_667] : memref<320x80xi32, #tpu.memory_space<vmem>> -> memref<1x80xi32, #tpu.memory_space<vmem>>
      %dma_wait3A_669 = tpu.memref_squeeze %dma_wait3A_668 : memref<1x80xi32, #tpu.memory_space<vmem>> -> memref<80xi32, #tpu.memory_space<vmem>>
      %dma_wait3A_670 = arith.constant 0 : i32
      %dma_wait3A_671 = arith.constant 0 : i32
      %dma_wait3A_672 = tpu.memref_slice %arg5[%dma_wait3A_670, %dma_wait3A_671] : memref<100000x128xf32, #tpu.memory_space<hbm>> -> memref<100000x128xf32, #tpu.memory_space<hbm>>
      tpu.wait_indirect_dma semaphore(%arg19 : memref<!tpu.dma_semaphore, #tpu.memory_space<semaphore_mem>>) src(%dma_wait3A_672 : memref<100000x128xf32, #tpu.memory_space<hbm>>) dst(%dma_wait3A_666 : memref<80x128xf32, #tpu.memory_space<vmem>>)
      %dma_start3A_673 = arith.constant 7 : i32
      %dma_start3A_674 = arith.constant 0 : i32
      %dma_start3A_675 = arith.constant 0 : i32
      %dma_start3A_676 = tpu.memref_slice %arg11[%dma_start3A_673, %dma_start3A_674, %dma_start3A_675] : memref<8x80x128xf32, #tpu.memory_space<vmem>> -> memref<1x80x128xf32, #tpu.memory_space<vmem>>
      %dma_start3A_677 = tpu.memref_squeeze %dma_start3A_676 : memref<1x80x128xf32, #tpu.memory_space<vmem>> -> memref<80x128xf32, #tpu.memory_space<vmem>>
      %dma_start3A_678 = arith.constant 0 : i32
      %dma_start3A_679 = arith.constant 0 : i32
      %dma_start3A_680 = tpu.memref_slice %arg6[%add3A, %add3A_654, %dma_start3A_678, %dma_start3A_679] : memref<32x320x80x128xf32, #tpu.memory_space<hbm>> -> memref<1x1x80x128xf32, #tpu.memory_space<hbm>>
      %dma_start3A_681 = tpu.memref_squeeze %dma_start3A_680 : memref<1x1x80x128xf32, #tpu.memory_space<hbm>> -> memref<80x128xf32, #tpu.memory_space<hbm>>
      %dma_start3A_682 = arith.constant 0 : i32
      %dma_start3A_683 = arith.constant 0 : i32
      %dma_start3A_684 = tpu.memref_slice %arg6[%add3A, %add3A_654, %dma_start3A_682, %dma_start3A_683] : memref<32x320x80x128xf32, #tpu.memory_space<hbm>> -> memref<1x1x80x128xf32, #tpu.memory_space<hbm>>
      %dma_start3A_685 = tpu.memref_squeeze %dma_start3A_684 : memref<1x1x80x128xf32, #tpu.memory_space<hbm>> -> memref<80x128xf32, #tpu.memory_space<hbm>>
      %dma_start3A_686 = arith.constant 0 : i32
      %dma_start3A_687 = arith.constant 0 : i32
      %dma_start3A_688 = tpu.memref_slice %arg11[%dma_start3A_673, %dma_start3A_686, %dma_start3A_687] : memref<8x80x128xf32, #tpu.memory_space<vmem>> -> memref<1x80x128xf32, #tpu.memory_space<vmem>>
      %dma_start3A_689 = tpu.memref_squeeze %dma_start3A_688 : memref<1x80x128xf32, #tpu.memory_space<vmem>> -> memref<80x128xf32, #tpu.memory_space<vmem>>
      tpu.enqueue_dma source(%dma_start3A_689 : memref<80x128xf32, #tpu.memory_space<vmem>>) target(%dma_start3A_685 : memref<80x128xf32, #tpu.memory_space<hbm>>) target_semaphore(%arg27 : memref<!tpu.dma_semaphore, #tpu.memory_space<semaphore_mem>>)
    }
    %scan3A_76 = arith.constant 40 : i32
    %dma_wait3A = arith.constant 0 : i32
    %dma_wait3A_77 = arith.constant 312 : i32
    %dma_wait3A_78 = arith.constant 0 : i32
    %dma_wait3A_79 = arith.constant 0 : i32
    %dma_wait3A_80 = tpu.memref_slice %arg11[%dma_wait3A, %dma_wait3A_78, %dma_wait3A_79] : memref<8x80x128xf32, #tpu.memory_space<vmem>> -> memref<1x80x128xf32, #tpu.memory_space<vmem>>
    %dma_wait3A_81 = tpu.memref_squeeze %dma_wait3A_80 : memref<1x80x128xf32, #tpu.memory_space<vmem>> -> memref<80x128xf32, #tpu.memory_space<vmem>>
    %dma_wait3A_82 = arith.constant 0 : i32
    %dma_wait3A_83 = arith.constant 0 : i32
    %dma_wait3A_84 = tpu.memref_slice %arg6[%add3A, %dma_wait3A_77, %dma_wait3A_82, %dma_wait3A_83] : memref<32x320x80x128xf32, #tpu.memory_space<hbm>> -> memref<1x1x80x128xf32, #tpu.memory_space<hbm>>
    %dma_wait3A_85 = tpu.memref_squeeze %dma_wait3A_84 : memref<1x1x80x128xf32, #tpu.memory_space<hbm>> -> memref<80x128xf32, #tpu.memory_space<hbm>>
    %dma_wait3A_86 = arith.constant 0 : i32
    %dma_wait3A_87 = arith.constant 0 : i32
    %dma_wait3A_88 = tpu.memref_slice %arg6[%add3A, %dma_wait3A_77, %dma_wait3A_86, %dma_wait3A_87] : memref<32x320x80x128xf32, #tpu.memory_space<hbm>> -> memref<1x1x80x128xf32, #tpu.memory_space<hbm>>
    %dma_wait3A_89 = tpu.memref_squeeze %dma_wait3A_88 : memref<1x1x80x128xf32, #tpu.memory_space<hbm>> -> memref<80x128xf32, #tpu.memory_space<hbm>>
    %dma_wait3A_90 = arith.constant 0 : i32
    %dma_wait3A_91 = arith.constant 0 : i32
    %dma_wait3A_92 = tpu.memref_slice %arg11[%dma_wait3A, %dma_wait3A_90, %dma_wait3A_91] : memref<8x80x128xf32, #tpu.memory_space<vmem>> -> memref<1x80x128xf32, #tpu.memory_space<vmem>>
    %dma_wait3A_93 = tpu.memref_squeeze %dma_wait3A_92 : memref<1x80x128xf32, #tpu.memory_space<vmem>> -> memref<80x128xf32, #tpu.memory_space<vmem>>
    tpu.wait_dma2 semaphore(%arg20 : memref<!tpu.dma_semaphore, #tpu.memory_space<semaphore_mem>>) src(%dma_wait3A_93 : memref<80x128xf32, #tpu.memory_space<vmem>>) dst(%dma_wait3A_89 : memref<80x128xf32, #tpu.memory_space<hbm>>)
    %dma_wait3A_94 = arith.constant 1 : i32
    %dma_wait3A_95 = arith.constant 313 : i32
    %dma_wait3A_96 = arith.constant 0 : i32
    %dma_wait3A_97 = arith.constant 0 : i32
    %dma_wait3A_98 = tpu.memref_slice %arg11[%dma_wait3A_94, %dma_wait3A_96, %dma_wait3A_97] : memref<8x80x128xf32, #tpu.memory_space<vmem>> -> memref<1x80x128xf32, #tpu.memory_space<vmem>>
    %dma_wait3A_99 = tpu.memref_squeeze %dma_wait3A_98 : memref<1x80x128xf32, #tpu.memory_space<vmem>> -> memref<80x128xf32, #tpu.memory_space<vmem>>
    %dma_wait3A_100 = arith.constant 0 : i32
    %dma_wait3A_101 = arith.constant 0 : i32
    %dma_wait3A_102 = tpu.memref_slice %arg6[%add3A, %dma_wait3A_95, %dma_wait3A_100, %dma_wait3A_101] : memref<32x320x80x128xf32, #tpu.memory_space<hbm>> -> memref<1x1x80x128xf32, #tpu.memory_space<hbm>>
    %dma_wait3A_103 = tpu.memref_squeeze %dma_wait3A_102 : memref<1x1x80x128xf32, #tpu.memory_space<hbm>> -> memref<80x128xf32, #tpu.memory_space<hbm>>
    %dma_wait3A_104 = arith.constant 0 : i32
    %dma_wait3A_105 = arith.constant 0 : i32
    %dma_wait3A_106 = tpu.memref_slice %arg6[%add3A, %dma_wait3A_95, %dma_wait3A_104, %dma_wait3A_105] : memref<32x320x80x128xf32, #tpu.memory_space<hbm>> -> memref<1x1x80x128xf32, #tpu.memory_space<hbm>>
    %dma_wait3A_107 = tpu.memref_squeeze %dma_wait3A_106 : memref<1x1x80x128xf32, #tpu.memory_space<hbm>> -> memref<80x128xf32, #tpu.memory_space<hbm>>
    %dma_wait3A_108 = arith.constant 0 : i32
    %dma_wait3A_109 = arith.constant 0 : i32
    %dma_wait3A_110 = tpu.memref_slice %arg11[%dma_wait3A_94, %dma_wait3A_108, %dma_wait3A_109] : memref<8x80x128xf32, #tpu.memory_space<vmem>> -> memref<1x80x128xf32, #tpu.memory_space<vmem>>
    %dma_wait3A_111 = tpu.memref_squeeze %dma_wait3A_110 : memref<1x80x128xf32, #tpu.memory_space<vmem>> -> memref<80x128xf32, #tpu.memory_space<vmem>>
    tpu.wait_dma2 semaphore(%arg21 : memref<!tpu.dma_semaphore, #tpu.memory_space<semaphore_mem>>) src(%dma_wait3A_111 : memref<80x128xf32, #tpu.memory_space<vmem>>) dst(%dma_wait3A_107 : memref<80x128xf32, #tpu.memory_space<hbm>>)
    %dma_wait3A_112 = arith.constant 2 : i32
    %dma_wait3A_113 = arith.constant 314 : i32
    %dma_wait3A_114 = arith.constant 0 : i32
    %dma_wait3A_115 = arith.constant 0 : i32
    %dma_wait3A_116 = tpu.memref_slice %arg11[%dma_wait3A_112, %dma_wait3A_114, %dma_wait3A_115] : memref<8x80x128xf32, #tpu.memory_space<vmem>> -> memref<1x80x128xf32, #tpu.memory_space<vmem>>
    %dma_wait3A_117 = tpu.memref_squeeze %dma_wait3A_116 : memref<1x80x128xf32, #tpu.memory_space<vmem>> -> memref<80x128xf32, #tpu.memory_space<vmem>>
    %dma_wait3A_118 = arith.constant 0 : i32
    %dma_wait3A_119 = arith.constant 0 : i32
    %dma_wait3A_120 = tpu.memref_slice %arg6[%add3A, %dma_wait3A_113, %dma_wait3A_118, %dma_wait3A_119] : memref<32x320x80x128xf32, #tpu.memory_space<hbm>> -> memref<1x1x80x128xf32, #tpu.memory_space<hbm>>
    %dma_wait3A_121 = tpu.memref_squeeze %dma_wait3A_120 : memref<1x1x80x128xf32, #tpu.memory_space<hbm>> -> memref<80x128xf32, #tpu.memory_space<hbm>>
    %dma_wait3A_122 = arith.constant 0 : i32
    %dma_wait3A_123 = arith.constant 0 : i32
    %dma_wait3A_124 = tpu.memref_slice %arg6[%add3A, %dma_wait3A_113, %dma_wait3A_122, %dma_wait3A_123] : memref<32x320x80x128xf32, #tpu.memory_space<hbm>> -> memref<1x1x80x128xf32, #tpu.memory_space<hbm>>
    %dma_wait3A_125 = tpu.memref_squeeze %dma_wait3A_124 : memref<1x1x80x128xf32, #tpu.memory_space<hbm>> -> memref<80x128xf32, #tpu.memory_space<hbm>>
    %dma_wait3A_126 = arith.constant 0 : i32
    %dma_wait3A_127 = arith.constant 0 : i32
    %dma_wait3A_128 = tpu.memref_slice %arg11[%dma_wait3A_112, %dma_wait3A_126, %dma_wait3A_127] : memref<8x80x128xf32, #tpu.memory_space<vmem>> -> memref<1x80x128xf32, #tpu.memory_space<vmem>>
    %dma_wait3A_129 = tpu.memref_squeeze %dma_wait3A_128 : memref<1x80x128xf32, #tpu.memory_space<vmem>> -> memref<80x128xf32, #tpu.memory_space<vmem>>
    tpu.wait_dma2 semaphore(%arg22 : memref<!tpu.dma_semaphore, #tpu.memory_space<semaphore_mem>>) src(%dma_wait3A_129 : memref<80x128xf32, #tpu.memory_space<vmem>>) dst(%dma_wait3A_125 : memref<80x128xf32, #tpu.memory_space<hbm>>)
    %dma_wait3A_130 = arith.constant 3 : i32
    %dma_wait3A_131 = arith.constant 315 : i32
    %dma_wait3A_132 = arith.constant 0 : i32
    %dma_wait3A_133 = arith.constant 0 : i32
    %dma_wait3A_134 = tpu.memref_slice %arg11[%dma_wait3A_130, %dma_wait3A_132, %dma_wait3A_133] : memref<8x80x128xf32, #tpu.memory_space<vmem>> -> memref<1x80x128xf32, #tpu.memory_space<vmem>>
    %dma_wait3A_135 = tpu.memref_squeeze %dma_wait3A_134 : memref<1x80x128xf32, #tpu.memory_space<vmem>> -> memref<80x128xf32, #tpu.memory_space<vmem>>
    %dma_wait3A_136 = arith.constant 0 : i32
    %dma_wait3A_137 = arith.constant 0 : i32
    %dma_wait3A_138 = tpu.memref_slice %arg6[%add3A, %dma_wait3A_131, %dma_wait3A_136, %dma_wait3A_137] : memref<32x320x80x128xf32, #tpu.memory_space<hbm>> -> memref<1x1x80x128xf32, #tpu.memory_space<hbm>>
    %dma_wait3A_139 = tpu.memref_squeeze %dma_wait3A_138 : memref<1x1x80x128xf32, #tpu.memory_space<hbm>> -> memref<80x128xf32, #tpu.memory_space<hbm>>
    %dma_wait3A_140 = arith.constant 0 : i32
    %dma_wait3A_141 = arith.constant 0 : i32
    %dma_wait3A_142 = tpu.memref_slice %arg6[%add3A, %dma_wait3A_131, %dma_wait3A_140, %dma_wait3A_141] : memref<32x320x80x128xf32, #tpu.memory_space<hbm>> -> memref<1x1x80x128xf32, #tpu.memory_space<hbm>>
    %dma_wait3A_143 = tpu.memref_squeeze %dma_wait3A_142 : memref<1x1x80x128xf32, #tpu.memory_space<hbm>> -> memref<80x128xf32, #tpu.memory_space<hbm>>
    %dma_wait3A_144 = arith.constant 0 : i32
    %dma_wait3A_145 = arith.constant 0 : i32
    %dma_wait3A_146 = tpu.memref_slice %arg11[%dma_wait3A_130, %dma_wait3A_144, %dma_wait3A_145] : memref<8x80x128xf32, #tpu.memory_space<vmem>> -> memref<1x80x128xf32, #tpu.memory_space<vmem>>
    %dma_wait3A_147 = tpu.memref_squeeze %dma_wait3A_146 : memref<1x80x128xf32, #tpu.memory_space<vmem>> -> memref<80x128xf32, #tpu.memory_space<vmem>>
    tpu.wait_dma2 semaphore(%arg23 : memref<!tpu.dma_semaphore, #tpu.memory_space<semaphore_mem>>) src(%dma_wait3A_147 : memref<80x128xf32, #tpu.memory_space<vmem>>) dst(%dma_wait3A_143 : memref<80x128xf32, #tpu.memory_space<hbm>>)
    %dma_wait3A_148 = arith.constant 4 : i32
    %dma_wait3A_149 = arith.constant 316 : i32
    %dma_wait3A_150 = arith.constant 0 : i32
    %dma_wait3A_151 = arith.constant 0 : i32
    %dma_wait3A_152 = tpu.memref_slice %arg11[%dma_wait3A_148, %dma_wait3A_150, %dma_wait3A_151] : memref<8x80x128xf32, #tpu.memory_space<vmem>> -> memref<1x80x128xf32, #tpu.memory_space<vmem>>
    %dma_wait3A_153 = tpu.memref_squeeze %dma_wait3A_152 : memref<1x80x128xf32, #tpu.memory_space<vmem>> -> memref<80x128xf32, #tpu.memory_space<vmem>>
    %dma_wait3A_154 = arith.constant 0 : i32
    %dma_wait3A_155 = arith.constant 0 : i32
    %dma_wait3A_156 = tpu.memref_slice %arg6[%add3A, %dma_wait3A_149, %dma_wait3A_154, %dma_wait3A_155] : memref<32x320x80x128xf32, #tpu.memory_space<hbm>> -> memref<1x1x80x128xf32, #tpu.memory_space<hbm>>
    %dma_wait3A_157 = tpu.memref_squeeze %dma_wait3A_156 : memref<1x1x80x128xf32, #tpu.memory_space<hbm>> -> memref<80x128xf32, #tpu.memory_space<hbm>>
    %dma_wait3A_158 = arith.constant 0 : i32
    %dma_wait3A_159 = arith.constant 0 : i32
    %dma_wait3A_160 = tpu.memref_slice %arg6[%add3A, %dma_wait3A_149, %dma_wait3A_158, %dma_wait3A_159] : memref<32x320x80x128xf32, #tpu.memory_space<hbm>> -> memref<1x1x80x128xf32, #tpu.memory_space<hbm>>
    %dma_wait3A_161 = tpu.memref_squeeze %dma_wait3A_160 : memref<1x1x80x128xf32, #tpu.memory_space<hbm>> -> memref<80x128xf32, #tpu.memory_space<hbm>>
    %dma_wait3A_162 = arith.constant 0 : i32
    %dma_wait3A_163 = arith.constant 0 : i32
    %dma_wait3A_164 = tpu.memref_slice %arg11[%dma_wait3A_148, %dma_wait3A_162, %dma_wait3A_163] : memref<8x80x128xf32, #tpu.memory_space<vmem>> -> memref<1x80x128xf32, #tpu.memory_space<vmem>>
    %dma_wait3A_165 = tpu.memref_squeeze %dma_wait3A_164 : memref<1x80x128xf32, #tpu.memory_space<vmem>> -> memref<80x128xf32, #tpu.memory_space<vmem>>
    tpu.wait_dma2 semaphore(%arg24 : memref<!tpu.dma_semaphore, #tpu.memory_space<semaphore_mem>>) src(%dma_wait3A_165 : memref<80x128xf32, #tpu.memory_space<vmem>>) dst(%dma_wait3A_161 : memref<80x128xf32, #tpu.memory_space<hbm>>)
    %dma_wait3A_166 = arith.constant 5 : i32
    %dma_wait3A_167 = arith.constant 317 : i32
    %dma_wait3A_168 = arith.constant 0 : i32
    %dma_wait3A_169 = arith.constant 0 : i32
    %dma_wait3A_170 = tpu.memref_slice %arg11[%dma_wait3A_166, %dma_wait3A_168, %dma_wait3A_169] : memref<8x80x128xf32, #tpu.memory_space<vmem>> -> memref<1x80x128xf32, #tpu.memory_space<vmem>>
    %dma_wait3A_171 = tpu.memref_squeeze %dma_wait3A_170 : memref<1x80x128xf32, #tpu.memory_space<vmem>> -> memref<80x128xf32, #tpu.memory_space<vmem>>
    %dma_wait3A_172 = arith.constant 0 : i32
    %dma_wait3A_173 = arith.constant 0 : i32
    %dma_wait3A_174 = tpu.memref_slice %arg6[%add3A, %dma_wait3A_167, %dma_wait3A_172, %dma_wait3A_173] : memref<32x320x80x128xf32, #tpu.memory_space<hbm>> -> memref<1x1x80x128xf32, #tpu.memory_space<hbm>>
    %dma_wait3A_175 = tpu.memref_squeeze %dma_wait3A_174 : memref<1x1x80x128xf32, #tpu.memory_space<hbm>> -> memref<80x128xf32, #tpu.memory_space<hbm>>
    %dma_wait3A_176 = arith.constant 0 : i32
    %dma_wait3A_177 = arith.constant 0 : i32
    %dma_wait3A_178 = tpu.memref_slice %arg6[%add3A, %dma_wait3A_167, %dma_wait3A_176, %dma_wait3A_177] : memref<32x320x80x128xf32, #tpu.memory_space<hbm>> -> memref<1x1x80x128xf32, #tpu.memory_space<hbm>>
    %dma_wait3A_179 = tpu.memref_squeeze %dma_wait3A_178 : memref<1x1x80x128xf32, #tpu.memory_space<hbm>> -> memref<80x128xf32, #tpu.memory_space<hbm>>
    %dma_wait3A_180 = arith.constant 0 : i32
    %dma_wait3A_181 = arith.constant 0 : i32
    %dma_wait3A_182 = tpu.memref_slice %arg11[%dma_wait3A_166, %dma_wait3A_180, %dma_wait3A_181] : memref<8x80x128xf32, #tpu.memory_space<vmem>> -> memref<1x80x128xf32, #tpu.memory_space<vmem>>
    %dma_wait3A_183 = tpu.memref_squeeze %dma_wait3A_182 : memref<1x80x128xf32, #tpu.memory_space<vmem>> -> memref<80x128xf32, #tpu.memory_space<vmem>>
    tpu.wait_dma2 semaphore(%arg25 : memref<!tpu.dma_semaphore, #tpu.memory_space<semaphore_mem>>) src(%dma_wait3A_183 : memref<80x128xf32, #tpu.memory_space<vmem>>) dst(%dma_wait3A_179 : memref<80x128xf32, #tpu.memory_space<hbm>>)
    %dma_wait3A_184 = arith.constant 6 : i32
    %dma_wait3A_185 = arith.constant 318 : i32
    %dma_wait3A_186 = arith.constant 0 : i32
    %dma_wait3A_187 = arith.constant 0 : i32
    %dma_wait3A_188 = tpu.memref_slice %arg11[%dma_wait3A_184, %dma_wait3A_186, %dma_wait3A_187] : memref<8x80x128xf32, #tpu.memory_space<vmem>> -> memref<1x80x128xf32, #tpu.memory_space<vmem>>
    %dma_wait3A_189 = tpu.memref_squeeze %dma_wait3A_188 : memref<1x80x128xf32, #tpu.memory_space<vmem>> -> memref<80x128xf32, #tpu.memory_space<vmem>>
    %dma_wait3A_190 = arith.constant 0 : i32
    %dma_wait3A_191 = arith.constant 0 : i32
    %dma_wait3A_192 = tpu.memref_slice %arg6[%add3A, %dma_wait3A_185, %dma_wait3A_190, %dma_wait3A_191] : memref<32x320x80x128xf32, #tpu.memory_space<hbm>> -> memref<1x1x80x128xf32, #tpu.memory_space<hbm>>
    %dma_wait3A_193 = tpu.memref_squeeze %dma_wait3A_192 : memref<1x1x80x128xf32, #tpu.memory_space<hbm>> -> memref<80x128xf32, #tpu.memory_space<hbm>>
    %dma_wait3A_194 = arith.constant 0 : i32
    %dma_wait3A_195 = arith.constant 0 : i32
    %dma_wait3A_196 = tpu.memref_slice %arg6[%add3A, %dma_wait3A_185, %dma_wait3A_194, %dma_wait3A_195] : memref<32x320x80x128xf32, #tpu.memory_space<hbm>> -> memref<1x1x80x128xf32, #tpu.memory_space<hbm>>
    %dma_wait3A_197 = tpu.memref_squeeze %dma_wait3A_196 : memref<1x1x80x128xf32, #tpu.memory_space<hbm>> -> memref<80x128xf32, #tpu.memory_space<hbm>>
    %dma_wait3A_198 = arith.constant 0 : i32
    %dma_wait3A_199 = arith.constant 0 : i32
    %dma_wait3A_200 = tpu.memref_slice %arg11[%dma_wait3A_184, %dma_wait3A_198, %dma_wait3A_199] : memref<8x80x128xf32, #tpu.memory_space<vmem>> -> memref<1x80x128xf32, #tpu.memory_space<vmem>>
    %dma_wait3A_201 = tpu.memref_squeeze %dma_wait3A_200 : memref<1x80x128xf32, #tpu.memory_space<vmem>> -> memref<80x128xf32, #tpu.memory_space<vmem>>
    tpu.wait_dma2 semaphore(%arg26 : memref<!tpu.dma_semaphore, #tpu.memory_space<semaphore_mem>>) src(%dma_wait3A_201 : memref<80x128xf32, #tpu.memory_space<vmem>>) dst(%dma_wait3A_197 : memref<80x128xf32, #tpu.memory_space<hbm>>)
    %dma_wait3A_202 = arith.constant 7 : i32
    %dma_wait3A_203 = arith.constant 319 : i32
    %dma_wait3A_204 = arith.constant 0 : i32
    %dma_wait3A_205 = arith.constant 0 : i32
    %dma_wait3A_206 = tpu.memref_slice %arg11[%dma_wait3A_202, %dma_wait3A_204, %dma_wait3A_205] : memref<8x80x128xf32, #tpu.memory_space<vmem>> -> memref<1x80x128xf32, #tpu.memory_space<vmem>>
    %dma_wait3A_207 = tpu.memref_squeeze %dma_wait3A_206 : memref<1x80x128xf32, #tpu.memory_space<vmem>> -> memref<80x128xf32, #tpu.memory_space<vmem>>
    %dma_wait3A_208 = arith.constant 0 : i32
    %dma_wait3A_209 = arith.constant 0 : i32
    %dma_wait3A_210 = tpu.memref_slice %arg6[%add3A, %dma_wait3A_203, %dma_wait3A_208, %dma_wait3A_209] : memref<32x320x80x128xf32, #tpu.memory_space<hbm>> -> memref<1x1x80x128xf32, #tpu.memory_space<hbm>>
    %dma_wait3A_211 = tpu.memref_squeeze %dma_wait3A_210 : memref<1x1x80x128xf32, #tpu.memory_space<hbm>> -> memref<80x128xf32, #tpu.memory_space<hbm>>
    %dma_wait3A_212 = arith.constant 0 : i32
    %dma_wait3A_213 = arith.constant 0 : i32
    %dma_wait3A_214 = tpu.memref_slice %arg6[%add3A, %dma_wait3A_203, %dma_wait3A_212, %dma_wait3A_213] : memref<32x320x80x128xf32, #tpu.memory_space<hbm>> -> memref<1x1x80x128xf32, #tpu.memory_space<hbm>>
    %dma_wait3A_215 = tpu.memref_squeeze %dma_wait3A_214 : memref<1x1x80x128xf32, #tpu.memory_space<hbm>> -> memref<80x128xf32, #tpu.memory_space<hbm>>
    %dma_wait3A_216 = arith.constant 0 : i32
    %dma_wait3A_217 = arith.constant 0 : i32
    %dma_wait3A_218 = tpu.memref_slice %arg11[%dma_wait3A_202, %dma_wait3A_216, %dma_wait3A_217] : memref<8x80x128xf32, #tpu.memory_space<vmem>> -> memref<1x80x128xf32, #tpu.memory_space<vmem>>
    %dma_wait3A_219 = tpu.memref_squeeze %dma_wait3A_218 : memref<1x80x128xf32, #tpu.memory_space<vmem>> -> memref<80x128xf32, #tpu.memory_space<vmem>>
    tpu.wait_dma2 semaphore(%arg27 : memref<!tpu.dma_semaphore, #tpu.memory_space<semaphore_mem>>) src(%dma_wait3A_219 : memref<80x128xf32, #tpu.memory_space<vmem>>) dst(%dma_wait3A_215 : memref<80x128xf32, #tpu.memory_space<hbm>>)
    %dma_start3A_220 = arith.constant 0 : i32
    %dma_start3A_221 = arith.constant 0 : i32
    %dma_start3A_222 = arith.constant 0 : i32
    %dma_start3A_223 = arith.constant 0 : i32
    %dma_start3A_224 = tpu.memref_slice %arg11[%dma_start3A_221, %dma_start3A_222, %dma_start3A_223] : memref<8x80x128xf32, #tpu.memory_space<vmem>> -> memref<1x80x128xf32, #tpu.memory_space<vmem>>
    %dma_start3A_225 = tpu.memref_squeeze %dma_start3A_224 : memref<1x80x128xf32, #tpu.memory_space<vmem>> -> memref<80x128xf32, #tpu.memory_space<vmem>>
    %dma_start3A_226 = arith.constant 0 : i32
    %dma_start3A_227 = tpu.memref_slice %arg9[%dma_start3A_220, %dma_start3A_226] : memref<32x80xi32, #tpu.memory_space<vmem>> -> memref<1x80xi32, #tpu.memory_space<vmem>>
    %dma_start3A_228 = tpu.memref_squeeze %dma_start3A_227 : memref<1x80xi32, #tpu.memory_space<vmem>> -> memref<80xi32, #tpu.memory_space<vmem>>
    %dma_start3A_229 = arith.constant 0 : i32
    %dma_start3A_230 = arith.constant 0 : i32
    %dma_start3A_231 = tpu.memref_slice %arg5[%dma_start3A_229, %dma_start3A_230] : memref<100000x128xf32, #tpu.memory_space<hbm>> -> memref<100000x128xf32, #tpu.memory_space<hbm>>
    tpu.enqueue_indirect_dma source(%dma_start3A_231 : memref<100000x128xf32, #tpu.memory_space<hbm>>) target(%dma_start3A_225 : memref<80x128xf32, #tpu.memory_space<vmem>>) offsets(%dma_start3A_228 : memref<80xi32, #tpu.memory_space<vmem>>) semaphore(%arg12 : memref<!tpu.dma_semaphore, #tpu.memory_space<semaphore_mem>>)
    %dma_start3A_232 = arith.constant 1 : i32
    %dma_start3A_233 = arith.constant 1 : i32
    %dma_start3A_234 = arith.constant 0 : i32
    %dma_start3A_235 = arith.constant 0 : i32
    %dma_start3A_236 = tpu.memref_slice %arg11[%dma_start3A_233, %dma_start3A_234, %dma_start3A_235] : memref<8x80x128xf32, #tpu.memory_space<vmem>> -> memref<1x80x128xf32, #tpu.memory_space<vmem>>
    %dma_start3A_237 = tpu.memref_squeeze %dma_start3A_236 : memref<1x80x128xf32, #tpu.memory_space<vmem>> -> memref<80x128xf32, #tpu.memory_space<vmem>>
    %dma_start3A_238 = arith.constant 0 : i32
    %dma_start3A_239 = tpu.memref_slice %arg9[%dma_start3A_232, %dma_start3A_238] : memref<32x80xi32, #tpu.memory_space<vmem>> -> memref<1x80xi32, #tpu.memory_space<vmem>>
    %dma_start3A_240 = tpu.memref_squeeze %dma_start3A_239 : memref<1x80xi32, #tpu.memory_space<vmem>> -> memref<80xi32, #tpu.memory_space<vmem>>
    %dma_start3A_241 = arith.constant 0 : i32
    %dma_start3A_242 = arith.constant 0 : i32
    %dma_start3A_243 = tpu.memref_slice %arg5[%dma_start3A_241, %dma_start3A_242] : memref<100000x128xf32, #tpu.memory_space<hbm>> -> memref<100000x128xf32, #tpu.memory_space<hbm>>
    tpu.enqueue_indirect_dma source(%dma_start3A_243 : memref<100000x128xf32, #tpu.memory_space<hbm>>) target(%dma_start3A_237 : memref<80x128xf32, #tpu.memory_space<vmem>>) offsets(%dma_start3A_240 : memref<80xi32, #tpu.memory_space<vmem>>) semaphore(%arg13 : memref<!tpu.dma_semaphore, #tpu.memory_space<semaphore_mem>>)
    %dma_start3A_244 = arith.constant 2 : i32
    %dma_start3A_245 = arith.constant 2 : i32
    %dma_start3A_246 = arith.constant 0 : i32
    %dma_start3A_247 = arith.constant 0 : i32
    %dma_start3A_248 = tpu.memref_slice %arg11[%dma_start3A_245, %dma_start3A_246, %dma_start3A_247] : memref<8x80x128xf32, #tpu.memory_space<vmem>> -> memref<1x80x128xf32, #tpu.memory_space<vmem>>
    %dma_start3A_249 = tpu.memref_squeeze %dma_start3A_248 : memref<1x80x128xf32, #tpu.memory_space<vmem>> -> memref<80x128xf32, #tpu.memory_space<vmem>>
    %dma_start3A_250 = arith.constant 0 : i32
    %dma_start3A_251 = tpu.memref_slice %arg9[%dma_start3A_244, %dma_start3A_250] : memref<32x80xi32, #tpu.memory_space<vmem>> -> memref<1x80xi32, #tpu.memory_space<vmem>>
    %dma_start3A_252 = tpu.memref_squeeze %dma_start3A_251 : memref<1x80xi32, #tpu.memory_space<vmem>> -> memref<80xi32, #tpu.memory_space<vmem>>
    %dma_start3A_253 = arith.constant 0 : i32
    %dma_start3A_254 = arith.constant 0 : i32
    %dma_start3A_255 = tpu.memref_slice %arg5[%dma_start3A_253, %dma_start3A_254] : memref<100000x128xf32, #tpu.memory_space<hbm>> -> memref<100000x128xf32, #tpu.memory_space<hbm>>
    tpu.enqueue_indirect_dma source(%dma_start3A_255 : memref<100000x128xf32, #tpu.memory_space<hbm>>) target(%dma_start3A_249 : memref<80x128xf32, #tpu.memory_space<vmem>>) offsets(%dma_start3A_252 : memref<80xi32, #tpu.memory_space<vmem>>) semaphore(%arg14 : memref<!tpu.dma_semaphore, #tpu.memory_space<semaphore_mem>>)
    %dma_start3A_256 = arith.constant 3 : i32
    %dma_start3A_257 = arith.constant 3 : i32
    %dma_start3A_258 = arith.constant 0 : i32
    %dma_start3A_259 = arith.constant 0 : i32
    %dma_start3A_260 = tpu.memref_slice %arg11[%dma_start3A_257, %dma_start3A_258, %dma_start3A_259] : memref<8x80x128xf32, #tpu.memory_space<vmem>> -> memref<1x80x128xf32, #tpu.memory_space<vmem>>
    %dma_start3A_261 = tpu.memref_squeeze %dma_start3A_260 : memref<1x80x128xf32, #tpu.memory_space<vmem>> -> memref<80x128xf32, #tpu.memory_space<vmem>>
    %dma_start3A_262 = arith.constant 0 : i32
    %dma_start3A_263 = tpu.memref_slice %arg9[%dma_start3A_256, %dma_start3A_262] : memref<32x80xi32, #tpu.memory_space<vmem>> -> memref<1x80xi32, #tpu.memory_space<vmem>>
    %dma_start3A_264 = tpu.memref_squeeze %dma_start3A_263 : memref<1x80xi32, #tpu.memory_space<vmem>> -> memref<80xi32, #tpu.memory_space<vmem>>
    %dma_start3A_265 = arith.constant 0 : i32
    %dma_start3A_266 = arith.constant 0 : i32
    %dma_start3A_267 = tpu.memref_slice %arg5[%dma_start3A_265, %dma_start3A_266] : memref<100000x128xf32, #tpu.memory_space<hbm>> -> memref<100000x128xf32, #tpu.memory_space<hbm>>
    tpu.enqueue_indirect_dma source(%dma_start3A_267 : memref<100000x128xf32, #tpu.memory_space<hbm>>) target(%dma_start3A_261 : memref<80x128xf32, #tpu.memory_space<vmem>>) offsets(%dma_start3A_264 : memref<80xi32, #tpu.memory_space<vmem>>) semaphore(%arg15 : memref<!tpu.dma_semaphore, #tpu.memory_space<semaphore_mem>>)
    %dma_start3A_268 = arith.constant 4 : i32
    %dma_start3A_269 = arith.constant 4 : i32
    %dma_start3A_270 = arith.constant 0 : i32
    %dma_start3A_271 = arith.constant 0 : i32
    %dma_start3A_272 = tpu.memref_slice %arg11[%dma_start3A_269, %dma_start3A_270, %dma_start3A_271] : memref<8x80x128xf32, #tpu.memory_space<vmem>> -> memref<1x80x128xf32, #tpu.memory_space<vmem>>
    %dma_start3A_273 = tpu.memref_squeeze %dma_start3A_272 : memref<1x80x128xf32, #tpu.memory_space<vmem>> -> memref<80x128xf32, #tpu.memory_space<vmem>>
    %dma_start3A_274 = arith.constant 0 : i32
    %dma_start3A_275 = tpu.memref_slice %arg9[%dma_start3A_268, %dma_start3A_274] : memref<32x80xi32, #tpu.memory_space<vmem>> -> memref<1x80xi32, #tpu.memory_space<vmem>>
    %dma_start3A_276 = tpu.memref_squeeze %dma_start3A_275 : memref<1x80xi32, #tpu.memory_space<vmem>> -> memref<80xi32, #tpu.memory_space<vmem>>
    %dma_start3A_277 = arith.constant 0 : i32
    %dma_start3A_278 = arith.constant 0 : i32
    %dma_start3A_279 = tpu.memref_slice %arg5[%dma_start3A_277, %dma_start3A_278] : memref<100000x128xf32, #tpu.memory_space<hbm>> -> memref<100000x128xf32, #tpu.memory_space<hbm>>
    tpu.enqueue_indirect_dma source(%dma_start3A_279 : memref<100000x128xf32, #tpu.memory_space<hbm>>) target(%dma_start3A_273 : memref<80x128xf32, #tpu.memory_space<vmem>>) offsets(%dma_start3A_276 : memref<80xi32, #tpu.memory_space<vmem>>) semaphore(%arg16 : memref<!tpu.dma_semaphore, #tpu.memory_space<semaphore_mem>>)
    %dma_start3A_280 = arith.constant 5 : i32
    %dma_start3A_281 = arith.constant 5 : i32
    %dma_start3A_282 = arith.constant 0 : i32
    %dma_start3A_283 = arith.constant 0 : i32
    %dma_start3A_284 = tpu.memref_slice %arg11[%dma_start3A_281, %dma_start3A_282, %dma_start3A_283] : memref<8x80x128xf32, #tpu.memory_space<vmem>> -> memref<1x80x128xf32, #tpu.memory_space<vmem>>
    %dma_start3A_285 = tpu.memref_squeeze %dma_start3A_284 : memref<1x80x128xf32, #tpu.memory_space<vmem>> -> memref<80x128xf32, #tpu.memory_space<vmem>>
    %dma_start3A_286 = arith.constant 0 : i32
    %dma_start3A_287 = tpu.memref_slice %arg9[%dma_start3A_280, %dma_start3A_286] : memref<32x80xi32, #tpu.memory_space<vmem>> -> memref<1x80xi32, #tpu.memory_space<vmem>>
    %dma_start3A_288 = tpu.memref_squeeze %dma_start3A_287 : memref<1x80xi32, #tpu.memory_space<vmem>> -> memref<80xi32, #tpu.memory_space<vmem>>
    %dma_start3A_289 = arith.constant 0 : i32
    %dma_start3A_290 = arith.constant 0 : i32
    %dma_start3A_291 = tpu.memref_slice %arg5[%dma_start3A_289, %dma_start3A_290] : memref<100000x128xf32, #tpu.memory_space<hbm>> -> memref<100000x128xf32, #tpu.memory_space<hbm>>
    tpu.enqueue_indirect_dma source(%dma_start3A_291 : memref<100000x128xf32, #tpu.memory_space<hbm>>) target(%dma_start3A_285 : memref<80x128xf32, #tpu.memory_space<vmem>>) offsets(%dma_start3A_288 : memref<80xi32, #tpu.memory_space<vmem>>) semaphore(%arg17 : memref<!tpu.dma_semaphore, #tpu.memory_space<semaphore_mem>>)
    %scan3A_292 = arith.constant 0 : i32
    %scan3A_293 = arith.constant 0 : i32
    %scan3A_294 = arith.constant 4 : i32
    %scan3A_295 = arith.addi %scan3A_293, %scan3A_294 : i32
    %scan3A_296 = arith.constant 1 : i32
    scf.for %scan3A_394 = %scan3A_293 to %scan3A_295 step %scan3A_296  : i32 {
      %mul3A_395 = arith.constant 8 : i32
      %mul3A_396 = arith.muli %scan3A_394, %mul3A_395 : i32
      %add3A_397 = arith.constant 0 : i32
      %add3A_398 = arith.addi %mul3A_396, %add3A_397 : i32
      %add3A_399 = arith.constant 6 : i32
      %add3A_400 = arith.addi %add3A_398, %add3A_399 : i32
      %lt3A = arith.constant 32 : i32
      %lt3A_401 = arith.cmpi slt, %add3A_400, %lt3A : i32
      %convert_element_type3A = arith.extui %lt3A_401 : i1 to i32
      %cond3A = arith.constant 0 : i32
      %cond3A_402 = arith.cmpi ne, %convert_element_type3A, %cond3A : i32
      scf.if %cond3A_402 {
        %ge3A = arith.constant 2 : i32
        %ge3A_642 = arith.cmpi sge, %add3A_398, %ge3A : i32
        %convert_element_type3A_643 = arith.extui %ge3A_642 : i1 to i32
        %cond3A_644 = arith.constant 0 : i32
        %cond3A_645 = arith.cmpi ne, %convert_element_type3A_643, %cond3A_644 : i32
        scf.if %cond3A_645 {
          %sub3A = arith.constant 2 : i32
          %sub3A_657 = arith.subi %add3A_398, %sub3A : i32
          %dma_wait3A_658 = arith.constant 6 : i32
          %dma_wait3A_659 = arith.constant 0 : i32
          %dma_wait3A_660 = arith.constant 0 : i32
          %dma_wait3A_661 = tpu.memref_slice %arg11[%dma_wait3A_658, %dma_wait3A_659, %dma_wait3A_660] : memref<8x80x128xf32, #tpu.memory_space<vmem>> -> memref<1x80x128xf32, #tpu.memory_space<vmem>>
          %dma_wait3A_662 = tpu.memref_squeeze %dma_wait3A_661 : memref<1x80x128xf32, #tpu.memory_space<vmem>> -> memref<80x128xf32, #tpu.memory_space<vmem>>
          %dma_wait3A_663 = arith.constant 0 : i32
          %dma_wait3A_664 = tpu.memref_slice %arg10[%sub3A_657, %dma_wait3A_663] : memref<32x80xi32, #tpu.memory_space<vmem>> -> memref<1x80xi32, #tpu.memory_space<vmem>>
          %dma_wait3A_665 = tpu.memref_squeeze %dma_wait3A_664 : memref<1x80xi32, #tpu.memory_space<vmem>> -> memref<80xi32, #tpu.memory_space<vmem>>
          %dma_wait3A_666 = arith.constant 0 : i32
          %dma_wait3A_667 = arith.constant 0 : i32
          %dma_wait3A_668 = tpu.memref_slice %arg7[%dma_wait3A_666, %dma_wait3A_667] : memref<81920x128xf32, #tpu.memory_space<hbm>> -> memref<81920x128xf32, #tpu.memory_space<hbm>>
          tpu.wait_indirect_dma semaphore(%arg26 : memref<!tpu.dma_semaphore, #tpu.memory_space<semaphore_mem>>) src(%dma_wait3A_662 : memref<80x128xf32, #tpu.memory_space<vmem>>) dst(%dma_wait3A_668 : memref<81920x128xf32, #tpu.memory_space<hbm>>)
        } else {
        }
        %dma_start3A_646 = arith.constant 6 : i32
        %dma_start3A_647 = arith.constant 0 : i32
        %dma_start3A_648 = arith.constant 0 : i32
        %dma_start3A_649 = tpu.memref_slice %arg11[%dma_start3A_646, %dma_start3A_647, %dma_start3A_648] : memref<8x80x128xf32, #tpu.memory_space<vmem>> -> memref<1x80x128xf32, #tpu.memory_space<vmem>>
        %dma_start3A_650 = tpu.memref_squeeze %dma_start3A_649 : memref<1x80x128xf32, #tpu.memory_space<vmem>> -> memref<80x128xf32, #tpu.memory_space<vmem>>
        %dma_start3A_651 = arith.constant 0 : i32
        %dma_start3A_652 = tpu.memref_slice %arg9[%add3A_400, %dma_start3A_651] : memref<32x80xi32, #tpu.memory_space<vmem>> -> memref<1x80xi32, #tpu.memory_space<vmem>>
        %dma_start3A_653 = tpu.memref_squeeze %dma_start3A_652 : memref<1x80xi32, #tpu.memory_space<vmem>> -> memref<80xi32, #tpu.memory_space<vmem>>
        %dma_start3A_654 = arith.constant 0 : i32
        %dma_start3A_655 = arith.constant 0 : i32
        %dma_start3A_656 = tpu.memref_slice %arg5[%dma_start3A_654, %dma_start3A_655] : memref<100000x128xf32, #tpu.memory_space<hbm>> -> memref<100000x128xf32, #tpu.memory_space<hbm>>
        tpu.enqueue_indirect_dma source(%dma_start3A_656 : memref<100000x128xf32, #tpu.memory_space<hbm>>) target(%dma_start3A_650 : memref<80x128xf32, #tpu.memory_space<vmem>>) offsets(%dma_start3A_653 : memref<80xi32, #tpu.memory_space<vmem>>) semaphore(%arg18 : memref<!tpu.dma_semaphore, #tpu.memory_space<semaphore_mem>>)
      } else {
      }
      %dma_wait3A_403 = arith.constant 0 : i32
      %dma_wait3A_404 = arith.constant 0 : i32
      %dma_wait3A_405 = arith.constant 0 : i32
      %dma_wait3A_406 = tpu.memref_slice %arg11[%dma_wait3A_403, %dma_wait3A_404, %dma_wait3A_405] : memref<8x80x128xf32, #tpu.memory_space<vmem>> -> memref<1x80x128xf32, #tpu.memory_space<vmem>>
      %dma_wait3A_407 = tpu.memref_squeeze %dma_wait3A_406 : memref<1x80x128xf32, #tpu.memory_space<vmem>> -> memref<80x128xf32, #tpu.memory_space<vmem>>
      %dma_wait3A_408 = arith.constant 0 : i32
      %dma_wait3A_409 = tpu.memref_slice %arg9[%add3A_398, %dma_wait3A_408] : memref<32x80xi32, #tpu.memory_space<vmem>> -> memref<1x80xi32, #tpu.memory_space<vmem>>
      %dma_wait3A_410 = tpu.memref_squeeze %dma_wait3A_409 : memref<1x80xi32, #tpu.memory_space<vmem>> -> memref<80xi32, #tpu.memory_space<vmem>>
      %dma_wait3A_411 = arith.constant 0 : i32
      %dma_wait3A_412 = arith.constant 0 : i32
      %dma_wait3A_413 = tpu.memref_slice %arg5[%dma_wait3A_411, %dma_wait3A_412] : memref<100000x128xf32, #tpu.memory_space<hbm>> -> memref<100000x128xf32, #tpu.memory_space<hbm>>
      tpu.wait_indirect_dma semaphore(%arg12 : memref<!tpu.dma_semaphore, #tpu.memory_space<semaphore_mem>>) src(%dma_wait3A_413 : memref<100000x128xf32, #tpu.memory_space<hbm>>) dst(%dma_wait3A_407 : memref<80x128xf32, #tpu.memory_space<vmem>>)
      %dma_start3A_414 = arith.constant 0 : i32
      %dma_start3A_415 = arith.constant 0 : i32
      %dma_start3A_416 = arith.constant 0 : i32
      %dma_start3A_417 = tpu.memref_slice %arg11[%dma_start3A_414, %dma_start3A_415, %dma_start3A_416] : memref<8x80x128xf32, #tpu.memory_space<vmem>> -> memref<1x80x128xf32, #tpu.memory_space<vmem>>
      %dma_start3A_418 = tpu.memref_squeeze %dma_start3A_417 : memref<1x80x128xf32, #tpu.memory_space<vmem>> -> memref<80x128xf32, #tpu.memory_space<vmem>>
      %dma_start3A_419 = arith.constant 0 : i32
      %dma_start3A_420 = tpu.memref_slice %arg10[%add3A_398, %dma_start3A_419] : memref<32x80xi32, #tpu.memory_space<vmem>> -> memref<1x80xi32, #tpu.memory_space<vmem>>
      %dma_start3A_421 = tpu.memref_squeeze %dma_start3A_420 : memref<1x80xi32, #tpu.memory_space<vmem>> -> memref<80xi32, #tpu.memory_space<vmem>>
      %dma_start3A_422 = arith.constant 0 : i32
      %dma_start3A_423 = arith.constant 0 : i32
      %dma_start3A_424 = tpu.memref_slice %arg7[%dma_start3A_422, %dma_start3A_423] : memref<81920x128xf32, #tpu.memory_space<hbm>> -> memref<81920x128xf32, #tpu.memory_space<hbm>>
      tpu.enqueue_indirect_dma source(%dma_start3A_418 : memref<80x128xf32, #tpu.memory_space<vmem>>) target(%dma_start3A_424 : memref<81920x128xf32, #tpu.memory_space<hbm>>) offsets(%dma_start3A_421 : memref<80xi32, #tpu.memory_space<vmem>>) semaphore(%arg20 : memref<!tpu.dma_semaphore, #tpu.memory_space<semaphore_mem>>)
      %add3A_425 = arith.constant 1 : i32
      %add3A_426 = arith.addi %mul3A_396, %add3A_425 : i32
      %add3A_427 = arith.constant 6 : i32
      %add3A_428 = arith.addi %add3A_426, %add3A_427 : i32
      %lt3A_429 = arith.constant 32 : i32
      %lt3A_430 = arith.cmpi slt, %add3A_428, %lt3A_429 : i32
      %convert_element_type3A_431 = arith.extui %lt3A_430 : i1 to i32
      %cond3A_432 = arith.constant 0 : i32
      %cond3A_433 = arith.cmpi ne, %convert_element_type3A_431, %cond3A_432 : i32
      scf.if %cond3A_433 {
        %ge3A = arith.constant 2 : i32
        %ge3A_642 = arith.cmpi sge, %add3A_426, %ge3A : i32
        %convert_element_type3A_643 = arith.extui %ge3A_642 : i1 to i32
        %cond3A_644 = arith.constant 0 : i32
        %cond3A_645 = arith.cmpi ne, %convert_element_type3A_643, %cond3A_644 : i32
        scf.if %cond3A_645 {
          %sub3A = arith.constant 2 : i32
          %sub3A_657 = arith.subi %add3A_426, %sub3A : i32
          %dma_wait3A_658 = arith.constant 7 : i32
          %dma_wait3A_659 = arith.constant 0 : i32
          %dma_wait3A_660 = arith.constant 0 : i32
          %dma_wait3A_661 = tpu.memref_slice %arg11[%dma_wait3A_658, %dma_wait3A_659, %dma_wait3A_660] : memref<8x80x128xf32, #tpu.memory_space<vmem>> -> memref<1x80x128xf32, #tpu.memory_space<vmem>>
          %dma_wait3A_662 = tpu.memref_squeeze %dma_wait3A_661 : memref<1x80x128xf32, #tpu.memory_space<vmem>> -> memref<80x128xf32, #tpu.memory_space<vmem>>
          %dma_wait3A_663 = arith.constant 0 : i32
          %dma_wait3A_664 = tpu.memref_slice %arg10[%sub3A_657, %dma_wait3A_663] : memref<32x80xi32, #tpu.memory_space<vmem>> -> memref<1x80xi32, #tpu.memory_space<vmem>>
          %dma_wait3A_665 = tpu.memref_squeeze %dma_wait3A_664 : memref<1x80xi32, #tpu.memory_space<vmem>> -> memref<80xi32, #tpu.memory_space<vmem>>
          %dma_wait3A_666 = arith.constant 0 : i32
          %dma_wait3A_667 = arith.constant 0 : i32
          %dma_wait3A_668 = tpu.memref_slice %arg7[%dma_wait3A_666, %dma_wait3A_667] : memref<81920x128xf32, #tpu.memory_space<hbm>> -> memref<81920x128xf32, #tpu.memory_space<hbm>>
          tpu.wait_indirect_dma semaphore(%arg27 : memref<!tpu.dma_semaphore, #tpu.memory_space<semaphore_mem>>) src(%dma_wait3A_662 : memref<80x128xf32, #tpu.memory_space<vmem>>) dst(%dma_wait3A_668 : memref<81920x128xf32, #tpu.memory_space<hbm>>)
        } else {
        }
        %dma_start3A_646 = arith.constant 7 : i32
        %dma_start3A_647 = arith.constant 0 : i32
        %dma_start3A_648 = arith.constant 0 : i32
        %dma_start3A_649 = tpu.memref_slice %arg11[%dma_start3A_646, %dma_start3A_647, %dma_start3A_648] : memref<8x80x128xf32, #tpu.memory_space<vmem>> -> memref<1x80x128xf32, #tpu.memory_space<vmem>>
        %dma_start3A_650 = tpu.memref_squeeze %dma_start3A_649 : memref<1x80x128xf32, #tpu.memory_space<vmem>> -> memref<80x128xf32, #tpu.memory_space<vmem>>
        %dma_start3A_651 = arith.constant 0 : i32
        %dma_start3A_652 = tpu.memref_slice %arg9[%add3A_428, %dma_start3A_651] : memref<32x80xi32, #tpu.memory_space<vmem>> -> memref<1x80xi32, #tpu.memory_space<vmem>>
        %dma_start3A_653 = tpu.memref_squeeze %dma_start3A_652 : memref<1x80xi32, #tpu.memory_space<vmem>> -> memref<80xi32, #tpu.memory_space<vmem>>
        %dma_start3A_654 = arith.constant 0 : i32
        %dma_start3A_655 = arith.constant 0 : i32
        %dma_start3A_656 = tpu.memref_slice %arg5[%dma_start3A_654, %dma_start3A_655] : memref<100000x128xf32, #tpu.memory_space<hbm>> -> memref<100000x128xf32, #tpu.memory_space<hbm>>
        tpu.enqueue_indirect_dma source(%dma_start3A_656 : memref<100000x128xf32, #tpu.memory_space<hbm>>) target(%dma_start3A_650 : memref<80x128xf32, #tpu.memory_space<vmem>>) offsets(%dma_start3A_653 : memref<80xi32, #tpu.memory_space<vmem>>) semaphore(%arg19 : memref<!tpu.dma_semaphore, #tpu.memory_space<semaphore_mem>>)
      } else {
      }
      %dma_wait3A_434 = arith.constant 1 : i32
      %dma_wait3A_435 = arith.constant 0 : i32
      %dma_wait3A_436 = arith.constant 0 : i32
      %dma_wait3A_437 = tpu.memref_slice %arg11[%dma_wait3A_434, %dma_wait3A_435, %dma_wait3A_436] : memref<8x80x128xf32, #tpu.memory_space<vmem>> -> memref<1x80x128xf32, #tpu.memory_space<vmem>>
      %dma_wait3A_438 = tpu.memref_squeeze %dma_wait3A_437 : memref<1x80x128xf32, #tpu.memory_space<vmem>> -> memref<80x128xf32, #tpu.memory_space<vmem>>
      %dma_wait3A_439 = arith.constant 0 : i32
      %dma_wait3A_440 = tpu.memref_slice %arg9[%add3A_426, %dma_wait3A_439] : memref<32x80xi32, #tpu.memory_space<vmem>> -> memref<1x80xi32, #tpu.memory_space<vmem>>
      %dma_wait3A_441 = tpu.memref_squeeze %dma_wait3A_440 : memref<1x80xi32, #tpu.memory_space<vmem>> -> memref<80xi32, #tpu.memory_space<vmem>>
      %dma_wait3A_442 = arith.constant 0 : i32
      %dma_wait3A_443 = arith.constant 0 : i32
      %dma_wait3A_444 = tpu.memref_slice %arg5[%dma_wait3A_442, %dma_wait3A_443] : memref<100000x128xf32, #tpu.memory_space<hbm>> -> memref<100000x128xf32, #tpu.memory_space<hbm>>
      tpu.wait_indirect_dma semaphore(%arg13 : memref<!tpu.dma_semaphore, #tpu.memory_space<semaphore_mem>>) src(%dma_wait3A_444 : memref<100000x128xf32, #tpu.memory_space<hbm>>) dst(%dma_wait3A_438 : memref<80x128xf32, #tpu.memory_space<vmem>>)
      %dma_start3A_445 = arith.constant 1 : i32
      %dma_start3A_446 = arith.constant 0 : i32
      %dma_start3A_447 = arith.constant 0 : i32
      %dma_start3A_448 = tpu.memref_slice %arg11[%dma_start3A_445, %dma_start3A_446, %dma_start3A_447] : memref<8x80x128xf32, #tpu.memory_space<vmem>> -> memref<1x80x128xf32, #tpu.memory_space<vmem>>
      %dma_start3A_449 = tpu.memref_squeeze %dma_start3A_448 : memref<1x80x128xf32, #tpu.memory_space<vmem>> -> memref<80x128xf32, #tpu.memory_space<vmem>>
      %dma_start3A_450 = arith.constant 0 : i32
      %dma_start3A_451 = tpu.memref_slice %arg10[%add3A_426, %dma_start3A_450] : memref<32x80xi32, #tpu.memory_space<vmem>> -> memref<1x80xi32, #tpu.memory_space<vmem>>
      %dma_start3A_452 = tpu.memref_squeeze %dma_start3A_451 : memref<1x80xi32, #tpu.memory_space<vmem>> -> memref<80xi32, #tpu.memory_space<vmem>>
      %dma_start3A_453 = arith.constant 0 : i32
      %dma_start3A_454 = arith.constant 0 : i32
      %dma_start3A_455 = tpu.memref_slice %arg7[%dma_start3A_453, %dma_start3A_454] : memref<81920x128xf32, #tpu.memory_space<hbm>> -> memref<81920x128xf32, #tpu.memory_space<hbm>>
      tpu.enqueue_indirect_dma source(%dma_start3A_449 : memref<80x128xf32, #tpu.memory_space<vmem>>) target(%dma_start3A_455 : memref<81920x128xf32, #tpu.memory_space<hbm>>) offsets(%dma_start3A_452 : memref<80xi32, #tpu.memory_space<vmem>>) semaphore(%arg21 : memref<!tpu.dma_semaphore, #tpu.memory_space<semaphore_mem>>)
      %add3A_456 = arith.constant 2 : i32
      %add3A_457 = arith.addi %mul3A_396, %add3A_456 : i32
      %add3A_458 = arith.constant 6 : i32
      %add3A_459 = arith.addi %add3A_457, %add3A_458 : i32
      %lt3A_460 = arith.constant 32 : i32
      %lt3A_461 = arith.cmpi slt, %add3A_459, %lt3A_460 : i32
      %convert_element_type3A_462 = arith.extui %lt3A_461 : i1 to i32
      %cond3A_463 = arith.constant 0 : i32
      %cond3A_464 = arith.cmpi ne, %convert_element_type3A_462, %cond3A_463 : i32
      scf.if %cond3A_464 {
        %ge3A = arith.constant 2 : i32
        %ge3A_642 = arith.cmpi sge, %add3A_457, %ge3A : i32
        %convert_element_type3A_643 = arith.extui %ge3A_642 : i1 to i32
        %cond3A_644 = arith.constant 0 : i32
        %cond3A_645 = arith.cmpi ne, %convert_element_type3A_643, %cond3A_644 : i32
        scf.if %cond3A_645 {
          %sub3A = arith.constant 2 : i32
          %sub3A_657 = arith.subi %add3A_457, %sub3A : i32
          %dma_wait3A_658 = arith.constant 0 : i32
          %dma_wait3A_659 = arith.constant 0 : i32
          %dma_wait3A_660 = arith.constant 0 : i32
          %dma_wait3A_661 = tpu.memref_slice %arg11[%dma_wait3A_658, %dma_wait3A_659, %dma_wait3A_660] : memref<8x80x128xf32, #tpu.memory_space<vmem>> -> memref<1x80x128xf32, #tpu.memory_space<vmem>>
          %dma_wait3A_662 = tpu.memref_squeeze %dma_wait3A_661 : memref<1x80x128xf32, #tpu.memory_space<vmem>> -> memref<80x128xf32, #tpu.memory_space<vmem>>
          %dma_wait3A_663 = arith.constant 0 : i32
          %dma_wait3A_664 = tpu.memref_slice %arg10[%sub3A_657, %dma_wait3A_663] : memref<32x80xi32, #tpu.memory_space<vmem>> -> memref<1x80xi32, #tpu.memory_space<vmem>>
          %dma_wait3A_665 = tpu.memref_squeeze %dma_wait3A_664 : memref<1x80xi32, #tpu.memory_space<vmem>> -> memref<80xi32, #tpu.memory_space<vmem>>
          %dma_wait3A_666 = arith.constant 0 : i32
          %dma_wait3A_667 = arith.constant 0 : i32
          %dma_wait3A_668 = tpu.memref_slice %arg7[%dma_wait3A_666, %dma_wait3A_667] : memref<81920x128xf32, #tpu.memory_space<hbm>> -> memref<81920x128xf32, #tpu.memory_space<hbm>>
          tpu.wait_indirect_dma semaphore(%arg20 : memref<!tpu.dma_semaphore, #tpu.memory_space<semaphore_mem>>) src(%dma_wait3A_662 : memref<80x128xf32, #tpu.memory_space<vmem>>) dst(%dma_wait3A_668 : memref<81920x128xf32, #tpu.memory_space<hbm>>)
        } else {
        }
        %dma_start3A_646 = arith.constant 0 : i32
        %dma_start3A_647 = arith.constant 0 : i32
        %dma_start3A_648 = arith.constant 0 : i32
        %dma_start3A_649 = tpu.memref_slice %arg11[%dma_start3A_646, %dma_start3A_647, %dma_start3A_648] : memref<8x80x128xf32, #tpu.memory_space<vmem>> -> memref<1x80x128xf32, #tpu.memory_space<vmem>>
        %dma_start3A_650 = tpu.memref_squeeze %dma_start3A_649 : memref<1x80x128xf32, #tpu.memory_space<vmem>> -> memref<80x128xf32, #tpu.memory_space<vmem>>
        %dma_start3A_651 = arith.constant 0 : i32
        %dma_start3A_652 = tpu.memref_slice %arg9[%add3A_459, %dma_start3A_651] : memref<32x80xi32, #tpu.memory_space<vmem>> -> memref<1x80xi32, #tpu.memory_space<vmem>>
        %dma_start3A_653 = tpu.memref_squeeze %dma_start3A_652 : memref<1x80xi32, #tpu.memory_space<vmem>> -> memref<80xi32, #tpu.memory_space<vmem>>
        %dma_start3A_654 = arith.constant 0 : i32
        %dma_start3A_655 = arith.constant 0 : i32
        %dma_start3A_656 = tpu.memref_slice %arg5[%dma_start3A_654, %dma_start3A_655] : memref<100000x128xf32, #tpu.memory_space<hbm>> -> memref<100000x128xf32, #tpu.memory_space<hbm>>
        tpu.enqueue_indirect_dma source(%dma_start3A_656 : memref<100000x128xf32, #tpu.memory_space<hbm>>) target(%dma_start3A_650 : memref<80x128xf32, #tpu.memory_space<vmem>>) offsets(%dma_start3A_653 : memref<80xi32, #tpu.memory_space<vmem>>) semaphore(%arg12 : memref<!tpu.dma_semaphore, #tpu.memory_space<semaphore_mem>>)
      } else {
      }
      %dma_wait3A_465 = arith.constant 2 : i32
      %dma_wait3A_466 = arith.constant 0 : i32
      %dma_wait3A_467 = arith.constant 0 : i32
      %dma_wait3A_468 = tpu.memref_slice %arg11[%dma_wait3A_465, %dma_wait3A_466, %dma_wait3A_467] : memref<8x80x128xf32, #tpu.memory_space<vmem>> -> memref<1x80x128xf32, #tpu.memory_space<vmem>>
      %dma_wait3A_469 = tpu.memref_squeeze %dma_wait3A_468 : memref<1x80x128xf32, #tpu.memory_space<vmem>> -> memref<80x128xf32, #tpu.memory_space<vmem>>
      %dma_wait3A_470 = arith.constant 0 : i32
      %dma_wait3A_471 = tpu.memref_slice %arg9[%add3A_457, %dma_wait3A_470] : memref<32x80xi32, #tpu.memory_space<vmem>> -> memref<1x80xi32, #tpu.memory_space<vmem>>
      %dma_wait3A_472 = tpu.memref_squeeze %dma_wait3A_471 : memref<1x80xi32, #tpu.memory_space<vmem>> -> memref<80xi32, #tpu.memory_space<vmem>>
      %dma_wait3A_473 = arith.constant 0 : i32
      %dma_wait3A_474 = arith.constant 0 : i32
      %dma_wait3A_475 = tpu.memref_slice %arg5[%dma_wait3A_473, %dma_wait3A_474] : memref<100000x128xf32, #tpu.memory_space<hbm>> -> memref<100000x128xf32, #tpu.memory_space<hbm>>
      tpu.wait_indirect_dma semaphore(%arg14 : memref<!tpu.dma_semaphore, #tpu.memory_space<semaphore_mem>>) src(%dma_wait3A_475 : memref<100000x128xf32, #tpu.memory_space<hbm>>) dst(%dma_wait3A_469 : memref<80x128xf32, #tpu.memory_space<vmem>>)
      %dma_start3A_476 = arith.constant 2 : i32
      %dma_start3A_477 = arith.constant 0 : i32
      %dma_start3A_478 = arith.constant 0 : i32
      %dma_start3A_479 = tpu.memref_slice %arg11[%dma_start3A_476, %dma_start3A_477, %dma_start3A_478] : memref<8x80x128xf32, #tpu.memory_space<vmem>> -> memref<1x80x128xf32, #tpu.memory_space<vmem>>
      %dma_start3A_480 = tpu.memref_squeeze %dma_start3A_479 : memref<1x80x128xf32, #tpu.memory_space<vmem>> -> memref<80x128xf32, #tpu.memory_space<vmem>>
      %dma_start3A_481 = arith.constant 0 : i32
      %dma_start3A_482 = tpu.memref_slice %arg10[%add3A_457, %dma_start3A_481] : memref<32x80xi32, #tpu.memory_space<vmem>> -> memref<1x80xi32, #tpu.memory_space<vmem>>
      %dma_start3A_483 = tpu.memref_squeeze %dma_start3A_482 : memref<1x80xi32, #tpu.memory_space<vmem>> -> memref<80xi32, #tpu.memory_space<vmem>>
      %dma_start3A_484 = arith.constant 0 : i32
      %dma_start3A_485 = arith.constant 0 : i32
      %dma_start3A_486 = tpu.memref_slice %arg7[%dma_start3A_484, %dma_start3A_485] : memref<81920x128xf32, #tpu.memory_space<hbm>> -> memref<81920x128xf32, #tpu.memory_space<hbm>>
      tpu.enqueue_indirect_dma source(%dma_start3A_480 : memref<80x128xf32, #tpu.memory_space<vmem>>) target(%dma_start3A_486 : memref<81920x128xf32, #tpu.memory_space<hbm>>) offsets(%dma_start3A_483 : memref<80xi32, #tpu.memory_space<vmem>>) semaphore(%arg22 : memref<!tpu.dma_semaphore, #tpu.memory_space<semaphore_mem>>)
      %add3A_487 = arith.constant 3 : i32
      %add3A_488 = arith.addi %mul3A_396, %add3A_487 : i32
      %add3A_489 = arith.constant 6 : i32
      %add3A_490 = arith.addi %add3A_488, %add3A_489 : i32
      %lt3A_491 = arith.constant 32 : i32
      %lt3A_492 = arith.cmpi slt, %add3A_490, %lt3A_491 : i32
      %convert_element_type3A_493 = arith.extui %lt3A_492 : i1 to i32
      %cond3A_494 = arith.constant 0 : i32
      %cond3A_495 = arith.cmpi ne, %convert_element_type3A_493, %cond3A_494 : i32
      scf.if %cond3A_495 {
        %ge3A = arith.constant 2 : i32
        %ge3A_642 = arith.cmpi sge, %add3A_488, %ge3A : i32
        %convert_element_type3A_643 = arith.extui %ge3A_642 : i1 to i32
        %cond3A_644 = arith.constant 0 : i32
        %cond3A_645 = arith.cmpi ne, %convert_element_type3A_643, %cond3A_644 : i32
        scf.if %cond3A_645 {
          %sub3A = arith.constant 2 : i32
          %sub3A_657 = arith.subi %add3A_488, %sub3A : i32
          %dma_wait3A_658 = arith.constant 1 : i32
          %dma_wait3A_659 = arith.constant 0 : i32
          %dma_wait3A_660 = arith.constant 0 : i32
          %dma_wait3A_661 = tpu.memref_slice %arg11[%dma_wait3A_658, %dma_wait3A_659, %dma_wait3A_660] : memref<8x80x128xf32, #tpu.memory_space<vmem>> -> memref<1x80x128xf32, #tpu.memory_space<vmem>>
          %dma_wait3A_662 = tpu.memref_squeeze %dma_wait3A_661 : memref<1x80x128xf32, #tpu.memory_space<vmem>> -> memref<80x128xf32, #tpu.memory_space<vmem>>
          %dma_wait3A_663 = arith.constant 0 : i32
          %dma_wait3A_664 = tpu.memref_slice %arg10[%sub3A_657, %dma_wait3A_663] : memref<32x80xi32, #tpu.memory_space<vmem>> -> memref<1x80xi32, #tpu.memory_space<vmem>>
          %dma_wait3A_665 = tpu.memref_squeeze %dma_wait3A_664 : memref<1x80xi32, #tpu.memory_space<vmem>> -> memref<80xi32, #tpu.memory_space<vmem>>
          %dma_wait3A_666 = arith.constant 0 : i32
          %dma_wait3A_667 = arith.constant 0 : i32
          %dma_wait3A_668 = tpu.memref_slice %arg7[%dma_wait3A_666, %dma_wait3A_667] : memref<81920x128xf32, #tpu.memory_space<hbm>> -> memref<81920x128xf32, #tpu.memory_space<hbm>>
          tpu.wait_indirect_dma semaphore(%arg21 : memref<!tpu.dma_semaphore, #tpu.memory_space<semaphore_mem>>) src(%dma_wait3A_662 : memref<80x128xf32, #tpu.memory_space<vmem>>) dst(%dma_wait3A_668 : memref<81920x128xf32, #tpu.memory_space<hbm>>)
        } else {
        }
        %dma_start3A_646 = arith.constant 1 : i32
        %dma_start3A_647 = arith.constant 0 : i32
        %dma_start3A_648 = arith.constant 0 : i32
        %dma_start3A_649 = tpu.memref_slice %arg11[%dma_start3A_646, %dma_start3A_647, %dma_start3A_648] : memref<8x80x128xf32, #tpu.memory_space<vmem>> -> memref<1x80x128xf32, #tpu.memory_space<vmem>>
        %dma_start3A_650 = tpu.memref_squeeze %dma_start3A_649 : memref<1x80x128xf32, #tpu.memory_space<vmem>> -> memref<80x128xf32, #tpu.memory_space<vmem>>
        %dma_start3A_651 = arith.constant 0 : i32
        %dma_start3A_652 = tpu.memref_slice %arg9[%add3A_490, %dma_start3A_651] : memref<32x80xi32, #tpu.memory_space<vmem>> -> memref<1x80xi32, #tpu.memory_space<vmem>>
        %dma_start3A_653 = tpu.memref_squeeze %dma_start3A_652 : memref<1x80xi32, #tpu.memory_space<vmem>> -> memref<80xi32, #tpu.memory_space<vmem>>
        %dma_start3A_654 = arith.constant 0 : i32
        %dma_start3A_655 = arith.constant 0 : i32
        %dma_start3A_656 = tpu.memref_slice %arg5[%dma_start3A_654, %dma_start3A_655] : memref<100000x128xf32, #tpu.memory_space<hbm>> -> memref<100000x128xf32, #tpu.memory_space<hbm>>
        tpu.enqueue_indirect_dma source(%dma_start3A_656 : memref<100000x128xf32, #tpu.memory_space<hbm>>) target(%dma_start3A_650 : memref<80x128xf32, #tpu.memory_space<vmem>>) offsets(%dma_start3A_653 : memref<80xi32, #tpu.memory_space<vmem>>) semaphore(%arg13 : memref<!tpu.dma_semaphore, #tpu.memory_space<semaphore_mem>>)
      } else {
      }
      %dma_wait3A_496 = arith.constant 3 : i32
      %dma_wait3A_497 = arith.constant 0 : i32
      %dma_wait3A_498 = arith.constant 0 : i32
      %dma_wait3A_499 = tpu.memref_slice %arg11[%dma_wait3A_496, %dma_wait3A_497, %dma_wait3A_498] : memref<8x80x128xf32, #tpu.memory_space<vmem>> -> memref<1x80x128xf32, #tpu.memory_space<vmem>>
      %dma_wait3A_500 = tpu.memref_squeeze %dma_wait3A_499 : memref<1x80x128xf32, #tpu.memory_space<vmem>> -> memref<80x128xf32, #tpu.memory_space<vmem>>
      %dma_wait3A_501 = arith.constant 0 : i32
      %dma_wait3A_502 = tpu.memref_slice %arg9[%add3A_488, %dma_wait3A_501] : memref<32x80xi32, #tpu.memory_space<vmem>> -> memref<1x80xi32, #tpu.memory_space<vmem>>
      %dma_wait3A_503 = tpu.memref_squeeze %dma_wait3A_502 : memref<1x80xi32, #tpu.memory_space<vmem>> -> memref<80xi32, #tpu.memory_space<vmem>>
      %dma_wait3A_504 = arith.constant 0 : i32
      %dma_wait3A_505 = arith.constant 0 : i32
      %dma_wait3A_506 = tpu.memref_slice %arg5[%dma_wait3A_504, %dma_wait3A_505] : memref<100000x128xf32, #tpu.memory_space<hbm>> -> memref<100000x128xf32, #tpu.memory_space<hbm>>
      tpu.wait_indirect_dma semaphore(%arg15 : memref<!tpu.dma_semaphore, #tpu.memory_space<semaphore_mem>>) src(%dma_wait3A_506 : memref<100000x128xf32, #tpu.memory_space<hbm>>) dst(%dma_wait3A_500 : memref<80x128xf32, #tpu.memory_space<vmem>>)
      %dma_start3A_507 = arith.constant 3 : i32
      %dma_start3A_508 = arith.constant 0 : i32
      %dma_start3A_509 = arith.constant 0 : i32
      %dma_start3A_510 = tpu.memref_slice %arg11[%dma_start3A_507, %dma_start3A_508, %dma_start3A_509] : memref<8x80x128xf32, #tpu.memory_space<vmem>> -> memref<1x80x128xf32, #tpu.memory_space<vmem>>
      %dma_start3A_511 = tpu.memref_squeeze %dma_start3A_510 : memref<1x80x128xf32, #tpu.memory_space<vmem>> -> memref<80x128xf32, #tpu.memory_space<vmem>>
      %dma_start3A_512 = arith.constant 0 : i32
      %dma_start3A_513 = tpu.memref_slice %arg10[%add3A_488, %dma_start3A_512] : memref<32x80xi32, #tpu.memory_space<vmem>> -> memref<1x80xi32, #tpu.memory_space<vmem>>
      %dma_start3A_514 = tpu.memref_squeeze %dma_start3A_513 : memref<1x80xi32, #tpu.memory_space<vmem>> -> memref<80xi32, #tpu.memory_space<vmem>>
      %dma_start3A_515 = arith.constant 0 : i32
      %dma_start3A_516 = arith.constant 0 : i32
      %dma_start3A_517 = tpu.memref_slice %arg7[%dma_start3A_515, %dma_start3A_516] : memref<81920x128xf32, #tpu.memory_space<hbm>> -> memref<81920x128xf32, #tpu.memory_space<hbm>>
      tpu.enqueue_indirect_dma source(%dma_start3A_511 : memref<80x128xf32, #tpu.memory_space<vmem>>) target(%dma_start3A_517 : memref<81920x128xf32, #tpu.memory_space<hbm>>) offsets(%dma_start3A_514 : memref<80xi32, #tpu.memory_space<vmem>>) semaphore(%arg23 : memref<!tpu.dma_semaphore, #tpu.memory_space<semaphore_mem>>)
      %add3A_518 = arith.constant 4 : i32
      %add3A_519 = arith.addi %mul3A_396, %add3A_518 : i32
      %add3A_520 = arith.constant 6 : i32
      %add3A_521 = arith.addi %add3A_519, %add3A_520 : i32
      %lt3A_522 = arith.constant 32 : i32
      %lt3A_523 = arith.cmpi slt, %add3A_521, %lt3A_522 : i32
      %convert_element_type3A_524 = arith.extui %lt3A_523 : i1 to i32
      %cond3A_525 = arith.constant 0 : i32
      %cond3A_526 = arith.cmpi ne, %convert_element_type3A_524, %cond3A_525 : i32
      scf.if %cond3A_526 {
        %ge3A = arith.constant 2 : i32
        %ge3A_642 = arith.cmpi sge, %add3A_519, %ge3A : i32
        %convert_element_type3A_643 = arith.extui %ge3A_642 : i1 to i32
        %cond3A_644 = arith.constant 0 : i32
        %cond3A_645 = arith.cmpi ne, %convert_element_type3A_643, %cond3A_644 : i32
        scf.if %cond3A_645 {
          %sub3A = arith.constant 2 : i32
          %sub3A_657 = arith.subi %add3A_519, %sub3A : i32
          %dma_wait3A_658 = arith.constant 2 : i32
          %dma_wait3A_659 = arith.constant 0 : i32
          %dma_wait3A_660 = arith.constant 0 : i32
          %dma_wait3A_661 = tpu.memref_slice %arg11[%dma_wait3A_658, %dma_wait3A_659, %dma_wait3A_660] : memref<8x80x128xf32, #tpu.memory_space<vmem>> -> memref<1x80x128xf32, #tpu.memory_space<vmem>>
          %dma_wait3A_662 = tpu.memref_squeeze %dma_wait3A_661 : memref<1x80x128xf32, #tpu.memory_space<vmem>> -> memref<80x128xf32, #tpu.memory_space<vmem>>
          %dma_wait3A_663 = arith.constant 0 : i32
          %dma_wait3A_664 = tpu.memref_slice %arg10[%sub3A_657, %dma_wait3A_663] : memref<32x80xi32, #tpu.memory_space<vmem>> -> memref<1x80xi32, #tpu.memory_space<vmem>>
          %dma_wait3A_665 = tpu.memref_squeeze %dma_wait3A_664 : memref<1x80xi32, #tpu.memory_space<vmem>> -> memref<80xi32, #tpu.memory_space<vmem>>
          %dma_wait3A_666 = arith.constant 0 : i32
          %dma_wait3A_667 = arith.constant 0 : i32
          %dma_wait3A_668 = tpu.memref_slice %arg7[%dma_wait3A_666, %dma_wait3A_667] : memref<81920x128xf32, #tpu.memory_space<hbm>> -> memref<81920x128xf32, #tpu.memory_space<hbm>>
          tpu.wait_indirect_dma semaphore(%arg22 : memref<!tpu.dma_semaphore, #tpu.memory_space<semaphore_mem>>) src(%dma_wait3A_662 : memref<80x128xf32, #tpu.memory_space<vmem>>) dst(%dma_wait3A_668 : memref<81920x128xf32, #tpu.memory_space<hbm>>)
        } else {
        }
        %dma_start3A_646 = arith.constant 2 : i32
        %dma_start3A_647 = arith.constant 0 : i32
        %dma_start3A_648 = arith.constant 0 : i32
        %dma_start3A_649 = tpu.memref_slice %arg11[%dma_start3A_646, %dma_start3A_647, %dma_start3A_648] : memref<8x80x128xf32, #tpu.memory_space<vmem>> -> memref<1x80x128xf32, #tpu.memory_space<vmem>>
        %dma_start3A_650 = tpu.memref_squeeze %dma_start3A_649 : memref<1x80x128xf32, #tpu.memory_space<vmem>> -> memref<80x128xf32, #tpu.memory_space<vmem>>
        %dma_start3A_651 = arith.constant 0 : i32
        %dma_start3A_652 = tpu.memref_slice %arg9[%add3A_521, %dma_start3A_651] : memref<32x80xi32, #tpu.memory_space<vmem>> -> memref<1x80xi32, #tpu.memory_space<vmem>>
        %dma_start3A_653 = tpu.memref_squeeze %dma_start3A_652 : memref<1x80xi32, #tpu.memory_space<vmem>> -> memref<80xi32, #tpu.memory_space<vmem>>
        %dma_start3A_654 = arith.constant 0 : i32
        %dma_start3A_655 = arith.constant 0 : i32
        %dma_start3A_656 = tpu.memref_slice %arg5[%dma_start3A_654, %dma_start3A_655] : memref<100000x128xf32, #tpu.memory_space<hbm>> -> memref<100000x128xf32, #tpu.memory_space<hbm>>
        tpu.enqueue_indirect_dma source(%dma_start3A_656 : memref<100000x128xf32, #tpu.memory_space<hbm>>) target(%dma_start3A_650 : memref<80x128xf32, #tpu.memory_space<vmem>>) offsets(%dma_start3A_653 : memref<80xi32, #tpu.memory_space<vmem>>) semaphore(%arg14 : memref<!tpu.dma_semaphore, #tpu.memory_space<semaphore_mem>>)
      } else {
      }
      %dma_wait3A_527 = arith.constant 4 : i32
      %dma_wait3A_528 = arith.constant 0 : i32
      %dma_wait3A_529 = arith.constant 0 : i32
      %dma_wait3A_530 = tpu.memref_slice %arg11[%dma_wait3A_527, %dma_wait3A_528, %dma_wait3A_529] : memref<8x80x128xf32, #tpu.memory_space<vmem>> -> memref<1x80x128xf32, #tpu.memory_space<vmem>>
      %dma_wait3A_531 = tpu.memref_squeeze %dma_wait3A_530 : memref<1x80x128xf32, #tpu.memory_space<vmem>> -> memref<80x128xf32, #tpu.memory_space<vmem>>
      %dma_wait3A_532 = arith.constant 0 : i32
      %dma_wait3A_533 = tpu.memref_slice %arg9[%add3A_519, %dma_wait3A_532] : memref<32x80xi32, #tpu.memory_space<vmem>> -> memref<1x80xi32, #tpu.memory_space<vmem>>
      %dma_wait3A_534 = tpu.memref_squeeze %dma_wait3A_533 : memref<1x80xi32, #tpu.memory_space<vmem>> -> memref<80xi32, #tpu.memory_space<vmem>>
      %dma_wait3A_535 = arith.constant 0 : i32
      %dma_wait3A_536 = arith.constant 0 : i32
      %dma_wait3A_537 = tpu.memref_slice %arg5[%dma_wait3A_535, %dma_wait3A_536] : memref<100000x128xf32, #tpu.memory_space<hbm>> -> memref<100000x128xf32, #tpu.memory_space<hbm>>
      tpu.wait_indirect_dma semaphore(%arg16 : memref<!tpu.dma_semaphore, #tpu.memory_space<semaphore_mem>>) src(%dma_wait3A_537 : memref<100000x128xf32, #tpu.memory_space<hbm>>) dst(%dma_wait3A_531 : memref<80x128xf32, #tpu.memory_space<vmem>>)
      %dma_start3A_538 = arith.constant 4 : i32
      %dma_start3A_539 = arith.constant 0 : i32
      %dma_start3A_540 = arith.constant 0 : i32
      %dma_start3A_541 = tpu.memref_slice %arg11[%dma_start3A_538, %dma_start3A_539, %dma_start3A_540] : memref<8x80x128xf32, #tpu.memory_space<vmem>> -> memref<1x80x128xf32, #tpu.memory_space<vmem>>
      %dma_start3A_542 = tpu.memref_squeeze %dma_start3A_541 : memref<1x80x128xf32, #tpu.memory_space<vmem>> -> memref<80x128xf32, #tpu.memory_space<vmem>>
      %dma_start3A_543 = arith.constant 0 : i32
      %dma_start3A_544 = tpu.memref_slice %arg10[%add3A_519, %dma_start3A_543] : memref<32x80xi32, #tpu.memory_space<vmem>> -> memref<1x80xi32, #tpu.memory_space<vmem>>
      %dma_start3A_545 = tpu.memref_squeeze %dma_start3A_544 : memref<1x80xi32, #tpu.memory_space<vmem>> -> memref<80xi32, #tpu.memory_space<vmem>>
      %dma_start3A_546 = arith.constant 0 : i32
      %dma_start3A_547 = arith.constant 0 : i32
      %dma_start3A_548 = tpu.memref_slice %arg7[%dma_start3A_546, %dma_start3A_547] : memref<81920x128xf32, #tpu.memory_space<hbm>> -> memref<81920x128xf32, #tpu.memory_space<hbm>>
      tpu.enqueue_indirect_dma source(%dma_start3A_542 : memref<80x128xf32, #tpu.memory_space<vmem>>) target(%dma_start3A_548 : memref<81920x128xf32, #tpu.memory_space<hbm>>) offsets(%dma_start3A_545 : memref<80xi32, #tpu.memory_space<vmem>>) semaphore(%arg24 : memref<!tpu.dma_semaphore, #tpu.memory_space<semaphore_mem>>)
      %add3A_549 = arith.constant 5 : i32
      %add3A_550 = arith.addi %mul3A_396, %add3A_549 : i32
      %add3A_551 = arith.constant 6 : i32
      %add3A_552 = arith.addi %add3A_550, %add3A_551 : i32
      %lt3A_553 = arith.constant 32 : i32
      %lt3A_554 = arith.cmpi slt, %add3A_552, %lt3A_553 : i32
      %convert_element_type3A_555 = arith.extui %lt3A_554 : i1 to i32
      %cond3A_556 = arith.constant 0 : i32
      %cond3A_557 = arith.cmpi ne, %convert_element_type3A_555, %cond3A_556 : i32
      scf.if %cond3A_557 {
        %ge3A = arith.constant 2 : i32
        %ge3A_642 = arith.cmpi sge, %add3A_550, %ge3A : i32
        %convert_element_type3A_643 = arith.extui %ge3A_642 : i1 to i32
        %cond3A_644 = arith.constant 0 : i32
        %cond3A_645 = arith.cmpi ne, %convert_element_type3A_643, %cond3A_644 : i32
        scf.if %cond3A_645 {
          %sub3A = arith.constant 2 : i32
          %sub3A_657 = arith.subi %add3A_550, %sub3A : i32
          %dma_wait3A_658 = arith.constant 3 : i32
          %dma_wait3A_659 = arith.constant 0 : i32
          %dma_wait3A_660 = arith.constant 0 : i32
          %dma_wait3A_661 = tpu.memref_slice %arg11[%dma_wait3A_658, %dma_wait3A_659, %dma_wait3A_660] : memref<8x80x128xf32, #tpu.memory_space<vmem>> -> memref<1x80x128xf32, #tpu.memory_space<vmem>>
          %dma_wait3A_662 = tpu.memref_squeeze %dma_wait3A_661 : memref<1x80x128xf32, #tpu.memory_space<vmem>> -> memref<80x128xf32, #tpu.memory_space<vmem>>
          %dma_wait3A_663 = arith.constant 0 : i32
          %dma_wait3A_664 = tpu.memref_slice %arg10[%sub3A_657, %dma_wait3A_663] : memref<32x80xi32, #tpu.memory_space<vmem>> -> memref<1x80xi32, #tpu.memory_space<vmem>>
          %dma_wait3A_665 = tpu.memref_squeeze %dma_wait3A_664 : memref<1x80xi32, #tpu.memory_space<vmem>> -> memref<80xi32, #tpu.memory_space<vmem>>
          %dma_wait3A_666 = arith.constant 0 : i32
          %dma_wait3A_667 = arith.constant 0 : i32
          %dma_wait3A_668 = tpu.memref_slice %arg7[%dma_wait3A_666, %dma_wait3A_667] : memref<81920x128xf32, #tpu.memory_space<hbm>> -> memref<81920x128xf32, #tpu.memory_space<hbm>>
          tpu.wait_indirect_dma semaphore(%arg23 : memref<!tpu.dma_semaphore, #tpu.memory_space<semaphore_mem>>) src(%dma_wait3A_662 : memref<80x128xf32, #tpu.memory_space<vmem>>) dst(%dma_wait3A_668 : memref<81920x128xf32, #tpu.memory_space<hbm>>)
        } else {
        }
        %dma_start3A_646 = arith.constant 3 : i32
        %dma_start3A_647 = arith.constant 0 : i32
        %dma_start3A_648 = arith.constant 0 : i32
        %dma_start3A_649 = tpu.memref_slice %arg11[%dma_start3A_646, %dma_start3A_647, %dma_start3A_648] : memref<8x80x128xf32, #tpu.memory_space<vmem>> -> memref<1x80x128xf32, #tpu.memory_space<vmem>>
        %dma_start3A_650 = tpu.memref_squeeze %dma_start3A_649 : memref<1x80x128xf32, #tpu.memory_space<vmem>> -> memref<80x128xf32, #tpu.memory_space<vmem>>
        %dma_start3A_651 = arith.constant 0 : i32
        %dma_start3A_652 = tpu.memref_slice %arg9[%add3A_552, %dma_start3A_651] : memref<32x80xi32, #tpu.memory_space<vmem>> -> memref<1x80xi32, #tpu.memory_space<vmem>>
        %dma_start3A_653 = tpu.memref_squeeze %dma_start3A_652 : memref<1x80xi32, #tpu.memory_space<vmem>> -> memref<80xi32, #tpu.memory_space<vmem>>
        %dma_start3A_654 = arith.constant 0 : i32
        %dma_start3A_655 = arith.constant 0 : i32
        %dma_start3A_656 = tpu.memref_slice %arg5[%dma_start3A_654, %dma_start3A_655] : memref<100000x128xf32, #tpu.memory_space<hbm>> -> memref<100000x128xf32, #tpu.memory_space<hbm>>
        tpu.enqueue_indirect_dma source(%dma_start3A_656 : memref<100000x128xf32, #tpu.memory_space<hbm>>) target(%dma_start3A_650 : memref<80x128xf32, #tpu.memory_space<vmem>>) offsets(%dma_start3A_653 : memref<80xi32, #tpu.memory_space<vmem>>) semaphore(%arg15 : memref<!tpu.dma_semaphore, #tpu.memory_space<semaphore_mem>>)
      } else {
      }
      %dma_wait3A_558 = arith.constant 5 : i32
      %dma_wait3A_559 = arith.constant 0 : i32
      %dma_wait3A_560 = arith.constant 0 : i32
      %dma_wait3A_561 = tpu.memref_slice %arg11[%dma_wait3A_558, %dma_wait3A_559, %dma_wait3A_560] : memref<8x80x128xf32, #tpu.memory_space<vmem>> -> memref<1x80x128xf32, #tpu.memory_space<vmem>>
      %dma_wait3A_562 = tpu.memref_squeeze %dma_wait3A_561 : memref<1x80x128xf32, #tpu.memory_space<vmem>> -> memref<80x128xf32, #tpu.memory_space<vmem>>
      %dma_wait3A_563 = arith.constant 0 : i32
      %dma_wait3A_564 = tpu.memref_slice %arg9[%add3A_550, %dma_wait3A_563] : memref<32x80xi32, #tpu.memory_space<vmem>> -> memref<1x80xi32, #tpu.memory_space<vmem>>
      %dma_wait3A_565 = tpu.memref_squeeze %dma_wait3A_564 : memref<1x80xi32, #tpu.memory_space<vmem>> -> memref<80xi32, #tpu.memory_space<vmem>>
      %dma_wait3A_566 = arith.constant 0 : i32
      %dma_wait3A_567 = arith.constant 0 : i32
      %dma_wait3A_568 = tpu.memref_slice %arg5[%dma_wait3A_566, %dma_wait3A_567] : memref<100000x128xf32, #tpu.memory_space<hbm>> -> memref<100000x128xf32, #tpu.memory_space<hbm>>
      tpu.wait_indirect_dma semaphore(%arg17 : memref<!tpu.dma_semaphore, #tpu.memory_space<semaphore_mem>>) src(%dma_wait3A_568 : memref<100000x128xf32, #tpu.memory_space<hbm>>) dst(%dma_wait3A_562 : memref<80x128xf32, #tpu.memory_space<vmem>>)
      %dma_start3A_569 = arith.constant 5 : i32
      %dma_start3A_570 = arith.constant 0 : i32
      %dma_start3A_571 = arith.constant 0 : i32
      %dma_start3A_572 = tpu.memref_slice %arg11[%dma_start3A_569, %dma_start3A_570, %dma_start3A_571] : memref<8x80x128xf32, #tpu.memory_space<vmem>> -> memref<1x80x128xf32, #tpu.memory_space<vmem>>
      %dma_start3A_573 = tpu.memref_squeeze %dma_start3A_572 : memref<1x80x128xf32, #tpu.memory_space<vmem>> -> memref<80x128xf32, #tpu.memory_space<vmem>>
      %dma_start3A_574 = arith.constant 0 : i32
      %dma_start3A_575 = tpu.memref_slice %arg10[%add3A_550, %dma_start3A_574] : memref<32x80xi32, #tpu.memory_space<vmem>> -> memref<1x80xi32, #tpu.memory_space<vmem>>
      %dma_start3A_576 = tpu.memref_squeeze %dma_start3A_575 : memref<1x80xi32, #tpu.memory_space<vmem>> -> memref<80xi32, #tpu.memory_space<vmem>>
      %dma_start3A_577 = arith.constant 0 : i32
      %dma_start3A_578 = arith.constant 0 : i32
      %dma_start3A_579 = tpu.memref_slice %arg7[%dma_start3A_577, %dma_start3A_578] : memref<81920x128xf32, #tpu.memory_space<hbm>> -> memref<81920x128xf32, #tpu.memory_space<hbm>>
      tpu.enqueue_indirect_dma source(%dma_start3A_573 : memref<80x128xf32, #tpu.memory_space<vmem>>) target(%dma_start3A_579 : memref<81920x128xf32, #tpu.memory_space<hbm>>) offsets(%dma_start3A_576 : memref<80xi32, #tpu.memory_space<vmem>>) semaphore(%arg25 : memref<!tpu.dma_semaphore, #tpu.memory_space<semaphore_mem>>)
      %add3A_580 = arith.constant 6 : i32
      %add3A_581 = arith.addi %mul3A_396, %add3A_580 : i32
      %add3A_582 = arith.constant 6 : i32
      %add3A_583 = arith.addi %add3A_581, %add3A_582 : i32
      %lt3A_584 = arith.constant 32 : i32
      %lt3A_585 = arith.cmpi slt, %add3A_583, %lt3A_584 : i32
      %convert_element_type3A_586 = arith.extui %lt3A_585 : i1 to i32
      %cond3A_587 = arith.constant 0 : i32
      %cond3A_588 = arith.cmpi ne, %convert_element_type3A_586, %cond3A_587 : i32
      scf.if %cond3A_588 {
        %ge3A = arith.constant 2 : i32
        %ge3A_642 = arith.cmpi sge, %add3A_581, %ge3A : i32
        %convert_element_type3A_643 = arith.extui %ge3A_642 : i1 to i32
        %cond3A_644 = arith.constant 0 : i32
        %cond3A_645 = arith.cmpi ne, %convert_element_type3A_643, %cond3A_644 : i32
        scf.if %cond3A_645 {
          %sub3A = arith.constant 2 : i32
          %sub3A_657 = arith.subi %add3A_581, %sub3A : i32
          %dma_wait3A_658 = arith.constant 4 : i32
          %dma_wait3A_659 = arith.constant 0 : i32
          %dma_wait3A_660 = arith.constant 0 : i32
          %dma_wait3A_661 = tpu.memref_slice %arg11[%dma_wait3A_658, %dma_wait3A_659, %dma_wait3A_660] : memref<8x80x128xf32, #tpu.memory_space<vmem>> -> memref<1x80x128xf32, #tpu.memory_space<vmem>>
          %dma_wait3A_662 = tpu.memref_squeeze %dma_wait3A_661 : memref<1x80x128xf32, #tpu.memory_space<vmem>> -> memref<80x128xf32, #tpu.memory_space<vmem>>
          %dma_wait3A_663 = arith.constant 0 : i32
          %dma_wait3A_664 = tpu.memref_slice %arg10[%sub3A_657, %dma_wait3A_663] : memref<32x80xi32, #tpu.memory_space<vmem>> -> memref<1x80xi32, #tpu.memory_space<vmem>>
          %dma_wait3A_665 = tpu.memref_squeeze %dma_wait3A_664 : memref<1x80xi32, #tpu.memory_space<vmem>> -> memref<80xi32, #tpu.memory_space<vmem>>
          %dma_wait3A_666 = arith.constant 0 : i32
          %dma_wait3A_667 = arith.constant 0 : i32
          %dma_wait3A_668 = tpu.memref_slice %arg7[%dma_wait3A_666, %dma_wait3A_667] : memref<81920x128xf32, #tpu.memory_space<hbm>> -> memref<81920x128xf32, #tpu.memory_space<hbm>>
          tpu.wait_indirect_dma semaphore(%arg24 : memref<!tpu.dma_semaphore, #tpu.memory_space<semaphore_mem>>) src(%dma_wait3A_662 : memref<80x128xf32, #tpu.memory_space<vmem>>) dst(%dma_wait3A_668 : memref<81920x128xf32, #tpu.memory_space<hbm>>)
        } else {
        }
        %dma_start3A_646 = arith.constant 4 : i32
        %dma_start3A_647 = arith.constant 0 : i32
        %dma_start3A_648 = arith.constant 0 : i32
        %dma_start3A_649 = tpu.memref_slice %arg11[%dma_start3A_646, %dma_start3A_647, %dma_start3A_648] : memref<8x80x128xf32, #tpu.memory_space<vmem>> -> memref<1x80x128xf32, #tpu.memory_space<vmem>>
        %dma_start3A_650 = tpu.memref_squeeze %dma_start3A_649 : memref<1x80x128xf32, #tpu.memory_space<vmem>> -> memref<80x128xf32, #tpu.memory_space<vmem>>
        %dma_start3A_651 = arith.constant 0 : i32
        %dma_start3A_652 = tpu.memref_slice %arg9[%add3A_583, %dma_start3A_651] : memref<32x80xi32, #tpu.memory_space<vmem>> -> memref<1x80xi32, #tpu.memory_space<vmem>>
        %dma_start3A_653 = tpu.memref_squeeze %dma_start3A_652 : memref<1x80xi32, #tpu.memory_space<vmem>> -> memref<80xi32, #tpu.memory_space<vmem>>
        %dma_start3A_654 = arith.constant 0 : i32
        %dma_start3A_655 = arith.constant 0 : i32
        %dma_start3A_656 = tpu.memref_slice %arg5[%dma_start3A_654, %dma_start3A_655] : memref<100000x128xf32, #tpu.memory_space<hbm>> -> memref<100000x128xf32, #tpu.memory_space<hbm>>
        tpu.enqueue_indirect_dma source(%dma_start3A_656 : memref<100000x128xf32, #tpu.memory_space<hbm>>) target(%dma_start3A_650 : memref<80x128xf32, #tpu.memory_space<vmem>>) offsets(%dma_start3A_653 : memref<80xi32, #tpu.memory_space<vmem>>) semaphore(%arg16 : memref<!tpu.dma_semaphore, #tpu.memory_space<semaphore_mem>>)
      } else {
      }
      %dma_wait3A_589 = arith.constant 6 : i32
      %dma_wait3A_590 = arith.constant 0 : i32
      %dma_wait3A_591 = arith.constant 0 : i32
      %dma_wait3A_592 = tpu.memref_slice %arg11[%dma_wait3A_589, %dma_wait3A_590, %dma_wait3A_591] : memref<8x80x128xf32, #tpu.memory_space<vmem>> -> memref<1x80x128xf32, #tpu.memory_space<vmem>>
      %dma_wait3A_593 = tpu.memref_squeeze %dma_wait3A_592 : memref<1x80x128xf32, #tpu.memory_space<vmem>> -> memref<80x128xf32, #tpu.memory_space<vmem>>
      %dma_wait3A_594 = arith.constant 0 : i32
      %dma_wait3A_595 = tpu.memref_slice %arg9[%add3A_581, %dma_wait3A_594] : memref<32x80xi32, #tpu.memory_space<vmem>> -> memref<1x80xi32, #tpu.memory_space<vmem>>
      %dma_wait3A_596 = tpu.memref_squeeze %dma_wait3A_595 : memref<1x80xi32, #tpu.memory_space<vmem>> -> memref<80xi32, #tpu.memory_space<vmem>>
      %dma_wait3A_597 = arith.constant 0 : i32
      %dma_wait3A_598 = arith.constant 0 : i32
      %dma_wait3A_599 = tpu.memref_slice %arg5[%dma_wait3A_597, %dma_wait3A_598] : memref<100000x128xf32, #tpu.memory_space<hbm>> -> memref<100000x128xf32, #tpu.memory_space<hbm>>
      tpu.wait_indirect_dma semaphore(%arg18 : memref<!tpu.dma_semaphore, #tpu.memory_space<semaphore_mem>>) src(%dma_wait3A_599 : memref<100000x128xf32, #tpu.memory_space<hbm>>) dst(%dma_wait3A_593 : memref<80x128xf32, #tpu.memory_space<vmem>>)
      %dma_start3A_600 = arith.constant 6 : i32
      %dma_start3A_601 = arith.constant 0 : i32
      %dma_start3A_602 = arith.constant 0 : i32
      %dma_start3A_603 = tpu.memref_slice %arg11[%dma_start3A_600, %dma_start3A_601, %dma_start3A_602] : memref<8x80x128xf32, #tpu.memory_space<vmem>> -> memref<1x80x128xf32, #tpu.memory_space<vmem>>
      %dma_start3A_604 = tpu.memref_squeeze %dma_start3A_603 : memref<1x80x128xf32, #tpu.memory_space<vmem>> -> memref<80x128xf32, #tpu.memory_space<vmem>>
      %dma_start3A_605 = arith.constant 0 : i32
      %dma_start3A_606 = tpu.memref_slice %arg10[%add3A_581, %dma_start3A_605] : memref<32x80xi32, #tpu.memory_space<vmem>> -> memref<1x80xi32, #tpu.memory_space<vmem>>
      %dma_start3A_607 = tpu.memref_squeeze %dma_start3A_606 : memref<1x80xi32, #tpu.memory_space<vmem>> -> memref<80xi32, #tpu.memory_space<vmem>>
      %dma_start3A_608 = arith.constant 0 : i32
      %dma_start3A_609 = arith.constant 0 : i32
      %dma_start3A_610 = tpu.memref_slice %arg7[%dma_start3A_608, %dma_start3A_609] : memref<81920x128xf32, #tpu.memory_space<hbm>> -> memref<81920x128xf32, #tpu.memory_space<hbm>>
      tpu.enqueue_indirect_dma source(%dma_start3A_604 : memref<80x128xf32, #tpu.memory_space<vmem>>) target(%dma_start3A_610 : memref<81920x128xf32, #tpu.memory_space<hbm>>) offsets(%dma_start3A_607 : memref<80xi32, #tpu.memory_space<vmem>>) semaphore(%arg26 : memref<!tpu.dma_semaphore, #tpu.memory_space<semaphore_mem>>)
      %add3A_611 = arith.constant 7 : i32
      %add3A_612 = arith.addi %mul3A_396, %add3A_611 : i32
      %add3A_613 = arith.constant 6 : i32
      %add3A_614 = arith.addi %add3A_612, %add3A_613 : i32
      %lt3A_615 = arith.constant 32 : i32
      %lt3A_616 = arith.cmpi slt, %add3A_614, %lt3A_615 : i32
      %convert_element_type3A_617 = arith.extui %lt3A_616 : i1 to i32
      %cond3A_618 = arith.constant 0 : i32
      %cond3A_619 = arith.cmpi ne, %convert_element_type3A_617, %cond3A_618 : i32
      scf.if %cond3A_619 {
        %ge3A = arith.constant 2 : i32
        %ge3A_642 = arith.cmpi sge, %add3A_612, %ge3A : i32
        %convert_element_type3A_643 = arith.extui %ge3A_642 : i1 to i32
        %cond3A_644 = arith.constant 0 : i32
        %cond3A_645 = arith.cmpi ne, %convert_element_type3A_643, %cond3A_644 : i32
        scf.if %cond3A_645 {
          %sub3A = arith.constant 2 : i32
          %sub3A_657 = arith.subi %add3A_612, %sub3A : i32
          %dma_wait3A_658 = arith.constant 5 : i32
          %dma_wait3A_659 = arith.constant 0 : i32
          %dma_wait3A_660 = arith.constant 0 : i32
          %dma_wait3A_661 = tpu.memref_slice %arg11[%dma_wait3A_658, %dma_wait3A_659, %dma_wait3A_660] : memref<8x80x128xf32, #tpu.memory_space<vmem>> -> memref<1x80x128xf32, #tpu.memory_space<vmem>>
          %dma_wait3A_662 = tpu.memref_squeeze %dma_wait3A_661 : memref<1x80x128xf32, #tpu.memory_space<vmem>> -> memref<80x128xf32, #tpu.memory_space<vmem>>
          %dma_wait3A_663 = arith.constant 0 : i32
          %dma_wait3A_664 = tpu.memref_slice %arg10[%sub3A_657, %dma_wait3A_663] : memref<32x80xi32, #tpu.memory_space<vmem>> -> memref<1x80xi32, #tpu.memory_space<vmem>>
          %dma_wait3A_665 = tpu.memref_squeeze %dma_wait3A_664 : memref<1x80xi32, #tpu.memory_space<vmem>> -> memref<80xi32, #tpu.memory_space<vmem>>
          %dma_wait3A_666 = arith.constant 0 : i32
          %dma_wait3A_667 = arith.constant 0 : i32
          %dma_wait3A_668 = tpu.memref_slice %arg7[%dma_wait3A_666, %dma_wait3A_667] : memref<81920x128xf32, #tpu.memory_space<hbm>> -> memref<81920x128xf32, #tpu.memory_space<hbm>>
          tpu.wait_indirect_dma semaphore(%arg25 : memref<!tpu.dma_semaphore, #tpu.memory_space<semaphore_mem>>) src(%dma_wait3A_662 : memref<80x128xf32, #tpu.memory_space<vmem>>) dst(%dma_wait3A_668 : memref<81920x128xf32, #tpu.memory_space<hbm>>)
        } else {
        }
        %dma_start3A_646 = arith.constant 5 : i32
        %dma_start3A_647 = arith.constant 0 : i32
        %dma_start3A_648 = arith.constant 0 : i32
        %dma_start3A_649 = tpu.memref_slice %arg11[%dma_start3A_646, %dma_start3A_647, %dma_start3A_648] : memref<8x80x128xf32, #tpu.memory_space<vmem>> -> memref<1x80x128xf32, #tpu.memory_space<vmem>>
        %dma_start3A_650 = tpu.memref_squeeze %dma_start3A_649 : memref<1x80x128xf32, #tpu.memory_space<vmem>> -> memref<80x128xf32, #tpu.memory_space<vmem>>
        %dma_start3A_651 = arith.constant 0 : i32
        %dma_start3A_652 = tpu.memref_slice %arg9[%add3A_614, %dma_start3A_651] : memref<32x80xi32, #tpu.memory_space<vmem>> -> memref<1x80xi32, #tpu.memory_space<vmem>>
        %dma_start3A_653 = tpu.memref_squeeze %dma_start3A_652 : memref<1x80xi32, #tpu.memory_space<vmem>> -> memref<80xi32, #tpu.memory_space<vmem>>
        %dma_start3A_654 = arith.constant 0 : i32
        %dma_start3A_655 = arith.constant 0 : i32
        %dma_start3A_656 = tpu.memref_slice %arg5[%dma_start3A_654, %dma_start3A_655] : memref<100000x128xf32, #tpu.memory_space<hbm>> -> memref<100000x128xf32, #tpu.memory_space<hbm>>
        tpu.enqueue_indirect_dma source(%dma_start3A_656 : memref<100000x128xf32, #tpu.memory_space<hbm>>) target(%dma_start3A_650 : memref<80x128xf32, #tpu.memory_space<vmem>>) offsets(%dma_start3A_653 : memref<80xi32, #tpu.memory_space<vmem>>) semaphore(%arg17 : memref<!tpu.dma_semaphore, #tpu.memory_space<semaphore_mem>>)
      } else {
      }
      %dma_wait3A_620 = arith.constant 7 : i32
      %dma_wait3A_621 = arith.constant 0 : i32
      %dma_wait3A_622 = arith.constant 0 : i32
      %dma_wait3A_623 = tpu.memref_slice %arg11[%dma_wait3A_620, %dma_wait3A_621, %dma_wait3A_622] : memref<8x80x128xf32, #tpu.memory_space<vmem>> -> memref<1x80x128xf32, #tpu.memory_space<vmem>>
      %dma_wait3A_624 = tpu.memref_squeeze %dma_wait3A_623 : memref<1x80x128xf32, #tpu.memory_space<vmem>> -> memref<80x128xf32, #tpu.memory_space<vmem>>
      %dma_wait3A_625 = arith.constant 0 : i32
      %dma_wait3A_626 = tpu.memref_slice %arg9[%add3A_612, %dma_wait3A_625] : memref<32x80xi32, #tpu.memory_space<vmem>> -> memref<1x80xi32, #tpu.memory_space<vmem>>
      %dma_wait3A_627 = tpu.memref_squeeze %dma_wait3A_626 : memref<1x80xi32, #tpu.memory_space<vmem>> -> memref<80xi32, #tpu.memory_space<vmem>>
      %dma_wait3A_628 = arith.constant 0 : i32
      %dma_wait3A_629 = arith.constant 0 : i32
      %dma_wait3A_630 = tpu.memref_slice %arg5[%dma_wait3A_628, %dma_wait3A_629] : memref<100000x128xf32, #tpu.memory_space<hbm>> -> memref<100000x128xf32, #tpu.memory_space<hbm>>
      tpu.wait_indirect_dma semaphore(%arg19 : memref<!tpu.dma_semaphore, #tpu.memory_space<semaphore_mem>>) src(%dma_wait3A_630 : memref<100000x128xf32, #tpu.memory_space<hbm>>) dst(%dma_wait3A_624 : memref<80x128xf32, #tpu.memory_space<vmem>>)
      %dma_start3A_631 = arith.constant 7 : i32
      %dma_start3A_632 = arith.constant 0 : i32
      %dma_start3A_633 = arith.constant 0 : i32
      %dma_start3A_634 = tpu.memref_slice %arg11[%dma_start3A_631, %dma_start3A_632, %dma_start3A_633] : memref<8x80x128xf32, #tpu.memory_space<vmem>> -> memref<1x80x128xf32, #tpu.memory_space<vmem>>
      %dma_start3A_635 = tpu.memref_squeeze %dma_start3A_634 : memref<1x80x128xf32, #tpu.memory_space<vmem>> -> memref<80x128xf32, #tpu.memory_space<vmem>>
      %dma_start3A_636 = arith.constant 0 : i32
      %dma_start3A_637 = tpu.memref_slice %arg10[%add3A_612, %dma_start3A_636] : memref<32x80xi32, #tpu.memory_space<vmem>> -> memref<1x80xi32, #tpu.memory_space<vmem>>
      %dma_start3A_638 = tpu.memref_squeeze %dma_start3A_637 : memref<1x80xi32, #tpu.memory_space<vmem>> -> memref<80xi32, #tpu.memory_space<vmem>>
      %dma_start3A_639 = arith.constant 0 : i32
      %dma_start3A_640 = arith.constant 0 : i32
      %dma_start3A_641 = tpu.memref_slice %arg7[%dma_start3A_639, %dma_start3A_640] : memref<81920x128xf32, #tpu.memory_space<hbm>> -> memref<81920x128xf32, #tpu.memory_space<hbm>>
      tpu.enqueue_indirect_dma source(%dma_start3A_635 : memref<80x128xf32, #tpu.memory_space<vmem>>) target(%dma_start3A_641 : memref<81920x128xf32, #tpu.memory_space<hbm>>) offsets(%dma_start3A_638 : memref<80xi32, #tpu.memory_space<vmem>>) semaphore(%arg27 : memref<!tpu.dma_semaphore, #tpu.memory_space<semaphore_mem>>)
    }
    %scan3A_297 = arith.constant 4 : i32
    %dma_wait3A_298 = arith.constant 0 : i32
    %dma_wait3A_299 = arith.constant 24 : i32
    %dma_wait3A_300 = arith.constant 0 : i32
    %dma_wait3A_301 = arith.constant 0 : i32
    %dma_wait3A_302 = tpu.memref_slice %arg11[%dma_wait3A_298, %dma_wait3A_300, %dma_wait3A_301] : memref<8x80x128xf32, #tpu.memory_space<vmem>> -> memref<1x80x128xf32, #tpu.memory_space<vmem>>
    %dma_wait3A_303 = tpu.memref_squeeze %dma_wait3A_302 : memref<1x80x128xf32, #tpu.memory_space<vmem>> -> memref<80x128xf32, #tpu.memory_space<vmem>>
    %dma_wait3A_304 = arith.constant 0 : i32
    %dma_wait3A_305 = tpu.memref_slice %arg10[%dma_wait3A_299, %dma_wait3A_304] : memref<32x80xi32, #tpu.memory_space<vmem>> -> memref<1x80xi32, #tpu.memory_space<vmem>>
    %dma_wait3A_306 = tpu.memref_squeeze %dma_wait3A_305 : memref<1x80xi32, #tpu.memory_space<vmem>> -> memref<80xi32, #tpu.memory_space<vmem>>
    %dma_wait3A_307 = arith.constant 0 : i32
    %dma_wait3A_308 = arith.constant 0 : i32
    %dma_wait3A_309 = tpu.memref_slice %arg7[%dma_wait3A_307, %dma_wait3A_308] : memref<81920x128xf32, #tpu.memory_space<hbm>> -> memref<81920x128xf32, #tpu.memory_space<hbm>>
    tpu.wait_indirect_dma semaphore(%arg20 : memref<!tpu.dma_semaphore, #tpu.memory_space<semaphore_mem>>) src(%dma_wait3A_303 : memref<80x128xf32, #tpu.memory_space<vmem>>) dst(%dma_wait3A_309 : memref<81920x128xf32, #tpu.memory_space<hbm>>)
    %dma_wait3A_310 = arith.constant 1 : i32
    %dma_wait3A_311 = arith.constant 25 : i32
    %dma_wait3A_312 = arith.constant 0 : i32
    %dma_wait3A_313 = arith.constant 0 : i32
    %dma_wait3A_314 = tpu.memref_slice %arg11[%dma_wait3A_310, %dma_wait3A_312, %dma_wait3A_313] : memref<8x80x128xf32, #tpu.memory_space<vmem>> -> memref<1x80x128xf32, #tpu.memory_space<vmem>>
    %dma_wait3A_315 = tpu.memref_squeeze %dma_wait3A_314 : memref<1x80x128xf32, #tpu.memory_space<vmem>> -> memref<80x128xf32, #tpu.memory_space<vmem>>
    %dma_wait3A_316 = arith.constant 0 : i32
    %dma_wait3A_317 = tpu.memref_slice %arg10[%dma_wait3A_311, %dma_wait3A_316] : memref<32x80xi32, #tpu.memory_space<vmem>> -> memref<1x80xi32, #tpu.memory_space<vmem>>
    %dma_wait3A_318 = tpu.memref_squeeze %dma_wait3A_317 : memref<1x80xi32, #tpu.memory_space<vmem>> -> memref<80xi32, #tpu.memory_space<vmem>>
    %dma_wait3A_319 = arith.constant 0 : i32
    %dma_wait3A_320 = arith.constant 0 : i32
    %dma_wait3A_321 = tpu.memref_slice %arg7[%dma_wait3A_319, %dma_wait3A_320] : memref<81920x128xf32, #tpu.memory_space<hbm>> -> memref<81920x128xf32, #tpu.memory_space<hbm>>
    tpu.wait_indirect_dma semaphore(%arg21 : memref<!tpu.dma_semaphore, #tpu.memory_space<semaphore_mem>>) src(%dma_wait3A_315 : memref<80x128xf32, #tpu.memory_space<vmem>>) dst(%dma_wait3A_321 : memref<81920x128xf32, #tpu.memory_space<hbm>>)
    %dma_wait3A_322 = arith.constant 2 : i32
    %dma_wait3A_323 = arith.constant 26 : i32
    %dma_wait3A_324 = arith.constant 0 : i32
    %dma_wait3A_325 = arith.constant 0 : i32
    %dma_wait3A_326 = tpu.memref_slice %arg11[%dma_wait3A_322, %dma_wait3A_324, %dma_wait3A_325] : memref<8x80x128xf32, #tpu.memory_space<vmem>> -> memref<1x80x128xf32, #tpu.memory_space<vmem>>
    %dma_wait3A_327 = tpu.memref_squeeze %dma_wait3A_326 : memref<1x80x128xf32, #tpu.memory_space<vmem>> -> memref<80x128xf32, #tpu.memory_space<vmem>>
    %dma_wait3A_328 = arith.constant 0 : i32
    %dma_wait3A_329 = tpu.memref_slice %arg10[%dma_wait3A_323, %dma_wait3A_328] : memref<32x80xi32, #tpu.memory_space<vmem>> -> memref<1x80xi32, #tpu.memory_space<vmem>>
    %dma_wait3A_330 = tpu.memref_squeeze %dma_wait3A_329 : memref<1x80xi32, #tpu.memory_space<vmem>> -> memref<80xi32, #tpu.memory_space<vmem>>
    %dma_wait3A_331 = arith.constant 0 : i32
    %dma_wait3A_332 = arith.constant 0 : i32
    %dma_wait3A_333 = tpu.memref_slice %arg7[%dma_wait3A_331, %dma_wait3A_332] : memref<81920x128xf32, #tpu.memory_space<hbm>> -> memref<81920x128xf32, #tpu.memory_space<hbm>>
    tpu.wait_indirect_dma semaphore(%arg22 : memref<!tpu.dma_semaphore, #tpu.memory_space<semaphore_mem>>) src(%dma_wait3A_327 : memref<80x128xf32, #tpu.memory_space<vmem>>) dst(%dma_wait3A_333 : memref<81920x128xf32, #tpu.memory_space<hbm>>)
    %dma_wait3A_334 = arith.constant 3 : i32
    %dma_wait3A_335 = arith.constant 27 : i32
    %dma_wait3A_336 = arith.constant 0 : i32
    %dma_wait3A_337 = arith.constant 0 : i32
    %dma_wait3A_338 = tpu.memref_slice %arg11[%dma_wait3A_334, %dma_wait3A_336, %dma_wait3A_337] : memref<8x80x128xf32, #tpu.memory_space<vmem>> -> memref<1x80x128xf32, #tpu.memory_space<vmem>>
    %dma_wait3A_339 = tpu.memref_squeeze %dma_wait3A_338 : memref<1x80x128xf32, #tpu.memory_space<vmem>> -> memref<80x128xf32, #tpu.memory_space<vmem>>
    %dma_wait3A_340 = arith.constant 0 : i32
    %dma_wait3A_341 = tpu.memref_slice %arg10[%dma_wait3A_335, %dma_wait3A_340] : memref<32x80xi32, #tpu.memory_space<vmem>> -> memref<1x80xi32, #tpu.memory_space<vmem>>
    %dma_wait3A_342 = tpu.memref_squeeze %dma_wait3A_341 : memref<1x80xi32, #tpu.memory_space<vmem>> -> memref<80xi32, #tpu.memory_space<vmem>>
    %dma_wait3A_343 = arith.constant 0 : i32
    %dma_wait3A_344 = arith.constant 0 : i32
    %dma_wait3A_345 = tpu.memref_slice %arg7[%dma_wait3A_343, %dma_wait3A_344] : memref<81920x128xf32, #tpu.memory_space<hbm>> -> memref<81920x128xf32, #tpu.memory_space<hbm>>
    tpu.wait_indirect_dma semaphore(%arg23 : memref<!tpu.dma_semaphore, #tpu.memory_space<semaphore_mem>>) src(%dma_wait3A_339 : memref<80x128xf32, #tpu.memory_space<vmem>>) dst(%dma_wait3A_345 : memref<81920x128xf32, #tpu.memory_space<hbm>>)
    %dma_wait3A_346 = arith.constant 4 : i32
    %dma_wait3A_347 = arith.constant 28 : i32
    %dma_wait3A_348 = arith.constant 0 : i32
    %dma_wait3A_349 = arith.constant 0 : i32
    %dma_wait3A_350 = tpu.memref_slice %arg11[%dma_wait3A_346, %dma_wait3A_348, %dma_wait3A_349] : memref<8x80x128xf32, #tpu.memory_space<vmem>> -> memref<1x80x128xf32, #tpu.memory_space<vmem>>
    %dma_wait3A_351 = tpu.memref_squeeze %dma_wait3A_350 : memref<1x80x128xf32, #tpu.memory_space<vmem>> -> memref<80x128xf32, #tpu.memory_space<vmem>>
    %dma_wait3A_352 = arith.constant 0 : i32
    %dma_wait3A_353 = tpu.memref_slice %arg10[%dma_wait3A_347, %dma_wait3A_352] : memref<32x80xi32, #tpu.memory_space<vmem>> -> memref<1x80xi32, #tpu.memory_space<vmem>>
    %dma_wait3A_354 = tpu.memref_squeeze %dma_wait3A_353 : memref<1x80xi32, #tpu.memory_space<vmem>> -> memref<80xi32, #tpu.memory_space<vmem>>
    %dma_wait3A_355 = arith.constant 0 : i32
    %dma_wait3A_356 = arith.constant 0 : i32
    %dma_wait3A_357 = tpu.memref_slice %arg7[%dma_wait3A_355, %dma_wait3A_356] : memref<81920x128xf32, #tpu.memory_space<hbm>> -> memref<81920x128xf32, #tpu.memory_space<hbm>>
    tpu.wait_indirect_dma semaphore(%arg24 : memref<!tpu.dma_semaphore, #tpu.memory_space<semaphore_mem>>) src(%dma_wait3A_351 : memref<80x128xf32, #tpu.memory_space<vmem>>) dst(%dma_wait3A_357 : memref<81920x128xf32, #tpu.memory_space<hbm>>)
    %dma_wait3A_358 = arith.constant 5 : i32
    %dma_wait3A_359 = arith.constant 29 : i32
    %dma_wait3A_360 = arith.constant 0 : i32
    %dma_wait3A_361 = arith.constant 0 : i32
    %dma_wait3A_362 = tpu.memref_slice %arg11[%dma_wait3A_358, %dma_wait3A_360, %dma_wait3A_361] : memref<8x80x128xf32, #tpu.memory_space<vmem>> -> memref<1x80x128xf32, #tpu.memory_space<vmem>>
    %dma_wait3A_363 = tpu.memref_squeeze %dma_wait3A_362 : memref<1x80x128xf32, #tpu.memory_space<vmem>> -> memref<80x128xf32, #tpu.memory_space<vmem>>
    %dma_wait3A_364 = arith.constant 0 : i32
    %dma_wait3A_365 = tpu.memref_slice %arg10[%dma_wait3A_359, %dma_wait3A_364] : memref<32x80xi32, #tpu.memory_space<vmem>> -> memref<1x80xi32, #tpu.memory_space<vmem>>
    %dma_wait3A_366 = tpu.memref_squeeze %dma_wait3A_365 : memref<1x80xi32, #tpu.memory_space<vmem>> -> memref<80xi32, #tpu.memory_space<vmem>>
    %dma_wait3A_367 = arith.constant 0 : i32
    %dma_wait3A_368 = arith.constant 0 : i32
    %dma_wait3A_369 = tpu.memref_slice %arg7[%dma_wait3A_367, %dma_wait3A_368] : memref<81920x128xf32, #tpu.memory_space<hbm>> -> memref<81920x128xf32, #tpu.memory_space<hbm>>
    tpu.wait_indirect_dma semaphore(%arg25 : memref<!tpu.dma_semaphore, #tpu.memory_space<semaphore_mem>>) src(%dma_wait3A_363 : memref<80x128xf32, #tpu.memory_space<vmem>>) dst(%dma_wait3A_369 : memref<81920x128xf32, #tpu.memory_space<hbm>>)
    %dma_wait3A_370 = arith.constant 6 : i32
    %dma_wait3A_371 = arith.constant 30 : i32
    %dma_wait3A_372 = arith.constant 0 : i32
    %dma_wait3A_373 = arith.constant 0 : i32
    %dma_wait3A_374 = tpu.memref_slice %arg11[%dma_wait3A_370, %dma_wait3A_372, %dma_wait3A_373] : memref<8x80x128xf32, #tpu.memory_space<vmem>> -> memref<1x80x128xf32, #tpu.memory_space<vmem>>
    %dma_wait3A_375 = tpu.memref_squeeze %dma_wait3A_374 : memref<1x80x128xf32, #tpu.memory_space<vmem>> -> memref<80x128xf32, #tpu.memory_space<vmem>>
    %dma_wait3A_376 = arith.constant 0 : i32
    %dma_wait3A_377 = tpu.memref_slice %arg10[%dma_wait3A_371, %dma_wait3A_376] : memref<32x80xi32, #tpu.memory_space<vmem>> -> memref<1x80xi32, #tpu.memory_space<vmem>>
    %dma_wait3A_378 = tpu.memref_squeeze %dma_wait3A_377 : memref<1x80xi32, #tpu.memory_space<vmem>> -> memref<80xi32, #tpu.memory_space<vmem>>
    %dma_wait3A_379 = arith.constant 0 : i32
    %dma_wait3A_380 = arith.constant 0 : i32
    %dma_wait3A_381 = tpu.memref_slice %arg7[%dma_wait3A_379, %dma_wait3A_380] : memref<81920x128xf32, #tpu.memory_space<hbm>> -> memref<81920x128xf32, #tpu.memory_space<hbm>>
    tpu.wait_indirect_dma semaphore(%arg26 : memref<!tpu.dma_semaphore, #tpu.memory_space<semaphore_mem>>) src(%dma_wait3A_375 : memref<80x128xf32, #tpu.memory_space<vmem>>) dst(%dma_wait3A_381 : memref<81920x128xf32, #tpu.memory_space<hbm>>)
    %dma_wait3A_382 = arith.constant 7 : i32
    %dma_wait3A_383 = arith.constant 31 : i32
    %dma_wait3A_384 = arith.constant 0 : i32
    %dma_wait3A_385 = arith.constant 0 : i32
    %dma_wait3A_386 = tpu.memref_slice %arg11[%dma_wait3A_382, %dma_wait3A_384, %dma_wait3A_385] : memref<8x80x128xf32, #tpu.memory_space<vmem>> -> memref<1x80x128xf32, #tpu.memory_space<vmem>>
    %dma_wait3A_387 = tpu.memref_squeeze %dma_wait3A_386 : memref<1x80x128xf32, #tpu.memory_space<vmem>> -> memref<80x128xf32, #tpu.memory_space<vmem>>
    %dma_wait3A_388 = arith.constant 0 : i32
    %dma_wait3A_389 = tpu.memref_slice %arg10[%dma_wait3A_383, %dma_wait3A_388] : memref<32x80xi32, #tpu.memory_space<vmem>> -> memref<1x80xi32, #tpu.memory_space<vmem>>
    %dma_wait3A_390 = tpu.memref_squeeze %dma_wait3A_389 : memref<1x80xi32, #tpu.memory_space<vmem>> -> memref<80xi32, #tpu.memory_space<vmem>>
    %dma_wait3A_391 = arith.constant 0 : i32
    %dma_wait3A_392 = arith.constant 0 : i32
    %dma_wait3A_393 = tpu.memref_slice %arg7[%dma_wait3A_391, %dma_wait3A_392] : memref<81920x128xf32, #tpu.memory_space<hbm>> -> memref<81920x128xf32, #tpu.memory_space<hbm>>
    tpu.wait_indirect_dma semaphore(%arg27 : memref<!tpu.dma_semaphore, #tpu.memory_space<semaphore_mem>>) src(%dma_wait3A_387 : memref<80x128xf32, #tpu.memory_space<vmem>>) dst(%dma_wait3A_393 : memref<81920x128xf32, #tpu.memory_space<hbm>>)
    return
  }
}

</mosaic_0001>

<sc_bundles>
// kernel: kernel.3.cloned.1.call-start
scs
__scs_entry_jumppad:
0x0: {  	(pc) =	sbr.rel $0x88, $3  }
0x1: {  	(tag) =	ssettag $0x0;
	lr =	simm.s32 $0x1  }
0x2: {  	[smem:$0x3F9E] =	sst lr;
	_ =	strace $0xD0000000  }
0x3: {  	_ = 	snop  }
0x4: {  	_ = 	snop  }
0x5: {  	_ = 	snop  }
0x6: {  	_ = 	snop  }
0x7: {  	_ = 	snop  }
__scs_overlays_trampoline_lowered:
0x8: {  	[smem:$0x3FAD] =	sst s0  }
0x9: {  	[smem:$0x3FAE] =	sst s1  }
0xa: {  	[smem:$0x3FAF] =	sst s2  }
0xb: {  	[smem:$0x3FB0] =	sst s3  }
0xc: {  	[smem:$0x3FB1] =	sst s4  }
0xd: {  	[smem:$0x3FB2] =	sst s5  }
0xe: {  	[smem:$0x3FB3] =	sst s6  }
0xf: {  	[smem:$0x3FB4] =	sst s7  }
0x10: {  	[smem:$0x3FB5] =	sst s8  }
0x11: {  	[smem:$0x3FB6] =	sst s9;
	s0 =	simm.s32 @!p0 $0x0  }
0x12: {  	s1 =	sld [smem:$0x3F9C];
	s0 =	simm.s32 @p0 $0x1  }
0x13: {  	[smem:$0x3FB7] =	sst s0;
	s0 =	simm.s32 @!p1 $0x0  }
0x14: {  	s2 =	sld [smem:$0x3F9B];
	s0 =	simm.s32 @p1 $0x1  }
0x15: {  	[smem:$0x3FB8] =	sst s0;
	s0 =	simm.s32 @!p2 $0x0  }
0x16: {  	s3 =	sld [smem:$0x3FDB];
	s0 =	simm.s32 @p2 $0x1  }
0x17: {  	s4 =	simm.s32 $0x1BF5;
	[smem:$0x3FBA] =	sst s0  }
0x18: {  	s0 =	sld [smem:$0x3F9D];
	_ =	swait.ge [sflag:s4], $0x0  }
0x19: {  	s7 =	sld [smem:$0x3F9E]  }
0x1a: {  	s8 =	sadd.s32 $0xFFFFE003, lr  }
0x1b: {  	s9 =	sadd.s32 $0xFFFFFEF7, lr;
	s5 =	simm.s32 $0xFFFFFFFF;
	p2 =	slt.u32 s8, $0xFFFFF086  }
0x1c: {  	p1 =	slt.u32 s9, $0xF7A;
	s5 =	simm.s32 @!p2 $0x0  }
0x1d: {  	s5 =	simm.s32 @p1 $0x1;
	p0 =	seq.s32 s7, s2  }
0x1e: {  	s7 =	smul.u32 @!p0 $0xF7A, s2;
	p2 =	seq.s32 @!p0 s5, $0x0  }
0x1f: {  	s9 =	smul.u32 $0xF7A, s1;
	s8 =	simm.s32 @!p0 $0x1BF5;
	p2 =	por !p2, p0  }
0x20: {  	[sflag:s8] =	ssyncset.s32 @!p0 $0xFFFFF086;
	s6 =	sadd.s32 @!p0 s3, s7;
	s7 =	simm.s32 @!p0 $0x108  }
0x21: {  	s3 =	sadd.s32 s3, s9;
	s6 =	sadd.s32 @!p0 $0x88, s6;
	s7 =	simm.s32 @p2 $0x1082  }
0x22: {  	[simem:s7], [sflag:s8] =	dma.local @!p0 [hbm:s6], $0xF7A  }
0x23: {  	s9 =	sor.u32 $0xD0000000, s2;
	s6 =	simm.s32 $0x108;
	_ =	swait.ge @!p0 [sflag:s8], $0x0  }
0x24: {  	s3 =	sadd.s32 $0x88, s3;
	s6 =	simm.s32 @!p1 $0x1082;
	[sflag:s4] =	ssyncset.s32 $0xFFFFF086  }
0x25: {  	[simem:s6], [sflag:s4] =	dma.local [hbm:s3], $0xF7A  }
0x26: {  	[smem:$0x3F9E] =	sst s1;
	(tag) =	ssettag s2;
	_ =	strace s9  }
0x27: {  	s1 =	sld [smem:$0x3FAE]  }
0x28: {  	s2 =	sld [smem:$0x3FAF]  }
0x29: {  	s4 =	sld [smem:$0x3FB1]  }
0x2a: {  	p0 =	seq.s32 s5, $0x0;
	s5 =	sld [smem:$0x3FB2]  }
0x2b: {  	s6 =	sld [smem:$0x3FB3]  }
0x2c: {  	s7 =	sld [smem:$0x3FB4]  }
0x2d: {  	s3 =	simm.s32 $0x108;
	s8 =	sld [smem:$0x3FB5]  }
0x2e: {  	s3 =	simm.s32 @!p0 $0x1082;
	s9 =	sld [smem:$0x3FB6]  }
0x2f: {  	lr =	sadd.s32 s0, s3;
	s0 =	sld [smem:$0x3FAD]  }
0x30: {  	s3 =	sld [smem:$0x3FB0]  }
0x31: {  	[smem:$0x3FB9] =	sst s10  }
0x32: {  	s10 =	sld [smem:$0x3FB7];
	_ =	sdelay $0x3  }
0x33: {  	p0 =	seq.s32 s10, $0x1;
	s10 =	sld [smem:$0x3FB9];
	_ =	sdelay $0x3  }
0x34: {  	[smem:$0x3FB9] =	sst s10  }
0x35: {  	s10 =	sld [smem:$0x3FB8];
	_ =	sdelay $0x3  }
0x36: {  	p1 =	seq.s32 s10, $0x1;
	s10 =	sld [smem:$0x3FB9];
	_ =	sdelay $0x3  }
0x37: {  	[smem:$0x3FB9] =	sst s10  }
0x38: {  	s10 =	sld [smem:$0x3FBA]  }
0x39: {  	_ = 	snop;
	(pc) =	sbr.ind lr, $3  }
0x3a: {  	_ = 	snop  }
0x3b: {  	_ = 	snop  }
0x3c: {  	p2 =	seq.s32 s10, $0x1;
	s10 =	sld [smem:$0x3FB9]  }
0x3d: {  	_ =	shalt  }
0x3e: {  	_ =	shalt  }
0x3f: {  	_ =	shalt  }
0x40: {  	_ =	shalt  }
0x41: {  	_ =	shalt  }
0x42: {  	_ =	shalt  }
0x43: {  	_ =	shalt  }
0x44: {  	_ =	shalt  }
0x45: {  	_ =	shalt  }
0x46: {  	_ =	shalt  }
0x47: {  	_ =	shalt  }
0x48: {  	_ =	shalt  }
0x49: {  	_ =	shalt  }
0x4a: {  	_ =	shalt  }
0x4b: {  	_ =	shalt  }
0x4c: {  	_ =	shalt  }
0x4d: {  	_ =	shalt  }
0x4e: {  	_ =	shalt  }
0x4f: {  	_ =	shalt  }
0x50: {  	_ =	shalt  }
0x51: {  	_ =	shalt  }
0x52: {  	_ =	shalt  }
0x53: {  	_ =	shalt  }
0x54: {  	_ =	shalt  }
0x55: {  	_ =	shalt  }
0x56: {  	_ =	shalt  }
0x57: {  	_ =	shalt  }
0x58: {  	_ =	shalt  }
0x59: {  	_ =	shalt  }
0x5a: {  	_ =	shalt  }
0x5b: {  	_ =	shalt  }
0x5c: {  	_ =	shalt  }
0x5d: {  	_ =	shalt  }
0x5e: {  	_ =	shalt  }
0x5f: {  	_ =	shalt  }
0x60: {  	_ =	shalt  }
0x61: {  	_ =	shalt  }
0x62: {  	_ =	shalt  }
0x63: {  	_ =	shalt  }
0x64: {  	_ =	shalt  }
0x65: {  	_ =	shalt  }
0x66: {  	_ =	shalt  }
0x67: {  	_ =	shalt  }
0x68: {  	_ =	shalt  }
0x69: {  	_ =	shalt  }
0x6a: {  	_ =	shalt  }
0x6b: {  	_ =	shalt  }
0x6c: {  	_ =	shalt  }
0x6d: {  	_ =	shalt  }
0x6e: {  	_ =	shalt  }
0x6f: {  	_ =	shalt  }
0x70: {  	_ =	shalt  }
0x71: {  	_ =	shalt  }
0x72: {  	_ =	shalt  }
0x73: {  	_ =	shalt  }
0x74: {  	_ =	shalt  }
0x75: {  	_ =	shalt  }
0x76: {  	_ =	shalt  }
0x77: {  	_ =	shalt  }
0x78: {  	_ =	shalt  }
0x79: {  	_ =	shalt  }
0x7a: {  	_ =	shalt  }
0x7b: {  	_ =	shalt  }
0x7c: {  	_ =	shalt  }
0x7d: {  	_ =	shalt  }
0x7e: {  	_ =	shalt  }
0x7f: {  	_ =	shalt  }
0x80: {  	_ =	shalt  }
0x81: {  	_ =	shalt  }
0x82: {  	_ =	shalt  }
0x83: {  	_ =	shalt  }
0x84: {  	_ =	shalt  }
0x85: {  	_ =	shalt  }
0x86: {  	_ =	shalt  }
0x87: {  	_ =	shalt  }
.Lfunc_end0:
.L_simem_size_0:
called_computation_lowered:
.L_overlay_start_0:
0x88: {  	s2 =	sld [smem:$0x3FD9]  }
0x89: {  	s3 =	sld [smem:$0x3FFE];
	_ =	sdelay $0x1  }
0x8a: {  	s1 =	srdreg.scid  }
0x8b: {  	s0 =	sand.u32 $0x1, s1  }
0x8c: {  	s14 =	sshll.u32 s0, $0xA;
	s2 =	sadd.s32 s3, s2  }
0x8d: {  	s2 =	sadd.s32 s2, s14  }
0x8e: {  	[smem:$0x3FC5] =	sst s2  }
0x8f: {  	_ = 	snop  }
0x90: {  	s2 =	sld [smem:$0x3FD0];
	_ =	sdelay $0x2  }
0x91: {  	s4 =	simm.s32 $0xA;
	s5 =	simm.s32 $0x10;
	s15 =	sld [smem:$0x3FC7]  }
0x92: {  	[smem:s5], [sflag:s4] =	dma.local [hbm:s2], $0x1  }
0x93: {  	_ =	swait.eq [sflag:s4], $0x1  }
0x94: {  	[sflag:s4] =	ssyncset.done $0x0  }
0x95: {  	s16 =	sld [smem:$0x10];
	[sflag:s4] =	ssyncadd.s32 $0xFFFFFFFF  }
0x96: {  	s17 =	sld [smem:$0x11];
	(tm) =	ssettm $0x1  }
0x97: {  	s18 =	sld [smem:$0x3FFB];
	_ =	sdelay $0x3  }
0x98: {  	_ =	strace s18  }
0x99: {  	s5 =	sld [smem:$0x3FFC];
	_ =	sdelay $0x3  }
0x9a: {  	_ =	strace s5  }
0x9b: {  	s5 =	sld [smem:$0x3FFD];
	_ =	sdelay $0x3  }
0x9c: {  	_ =	strace s5  }
0x9d: {  	_ =	strace $0x8FFFFFFF  }
0x9e: {  	s19 =	sld [smem:$0x3FDB];
	_ =	sdelay $0x1  }
0x9f: {  	s6 =	simm.s32 $_scs_section_size  }
0xa0: {  	s7 =	simm.s32 $_size__tile_overlayer_lowered;
	s8 =	simm.s32 $_tile_overlayer_lowered  }
0xa1: {  	s22 =	simm.s32 $0x1BFF;
	s21 =	sshll.u32 s8, $0x1;
	s5 =	sadd.s32 s6, s19  }
0xa2: {  	s9 =	simm.s32 $0x0;
	s20 =	sshll.u32 s7, $0x1;
	s7 =	sadd.s32 s21, s5  }
0xa3: {  	[timem:s9], [sflag:s22] =	dma.local [hbm:s7], s20  }
0xa4: {  	_ =	swait.ge [sflag:s22], s20  }
0xa5: {  	s6 =	ssub.s32 $0x0, s20;
	[sflag:s22] =	ssyncset.done $0x0  }
0xa6: {  	[sflag:s22] =	ssyncadd.s32 s6;
	_ =	sdelay $0x1  }
0xa7: {  	s23 =	simm.s32 $0x1B8B  }
0xa8: {  	_ =	swait.ge [sflag:s23], $0x1  }
0xa9: {  	[sflag:s23] =	ssyncset.done $0x0  }
0xaa: {  	s25 =	simm.s32 $0x1B8E;
	s24 =	sld [smem:$0x3FFE];
	[sflag:s23] =	ssyncadd.s32 $0xFFFFFFFF  }
0xab: {  	s26 =	simm.s32 $execute0_lowered;
	[smem:$0x3FD2] =	sst s25  }
0xac: {  	s7 =	sshll.u32 s26, $0x1;
	_ =	strace $0x80000046;
	[dreg:$0x1] =	wrdreg $0xFFFFFFFF  }
0xad: {  	s28 =	simm.s32 $_size_execute0_lowered;
	s5 =	sadd.s32 s5, s7;
	[dreg:$0x0] =	wrdreg $0x0  }
0xae: {  	s7 =	sshll.u32 s28, $0x1;
	[dreg:$0x2] =	wrdreg s5  }
0xaf: {  	[dreg:$0x3] =	wrdreg s7  }
0xb0: {  	[dreg:$0x4] =	wrdreg $0xC0  }
0xb1: {  	_ =	task [dreg:s9], $0x5FFFF  }
0xb2: {  	[dreg:$0x1] =	wrdreg $0xFFFFFFFF  }
0xb3: {  	[dreg:$0x0] =	wrdreg $0x60  }
0xb4: {  	[dreg:$0x2] =	wrdreg s24  }
0xb5: {  	[dreg:$0x3] =	wrdreg s15  }
0xb6: {  	[dreg:$0x4] =	wrdreg s16  }
0xb7: {  	[dreg:$0x5] =	wrdreg s17  }
0xb8: {  	[dreg:$0x6] =	wrdreg $0x9  }
0xb9: {  	_ =	task.clear_ibuf [dreg:s9], $0x7FFFF;
	_ =	strace $0x90000046  }
0xba: {  	s29 =	simm.s32 $0x9;
	_ =	strace $0x80000048  }
0xbb: {  	_ =	swait.ge [sflag:s29], $0x1  }
0xbc: {  	[sflag:s29] =	ssyncadd.s32 $0xFFFFFFFF  }
0xbd: {  	_ =	strace $0x90000048  }
0xbe: {  	_ =	sfence  }
0xbf: {  	s30 =	sld [smem:$0x0];
	_ =	sdelay $0x2  }
0xc0: {  	s31 =	sshll.u32 s1, $0xD;
	s1 =	sshrl.u32 s1, $0x2  }
0xc1: {  	s3 =	sand.u32 $0x4000, s31;
	s1 =	sadd.s32 s1, s30  }
0xc2: {  	s0 =	sor.u32 s3, s0;
	s1 =	sshll.u32 s1, $0x11  }
0xc3: {  	s0 =	sor.u32 s1, s0  }
0xc4: {  	s0 =	sadd.s32 $0x8F2B, s0  }
0xc5: {  	[sflag:s0] =	ssyncadd.remote.s32 $0x1  }
0xc6: {  	_ =	sfence.sel $0xFFFF  }
0xc7: {  	[dreg:$0x0] =	wrdreg $0xFFFFFFFF;
	(pc) =	sbr.abs _section_cstart, $3  }
0xc8: {  	[dreg:$0x1] =	wrdreg $0xFFFFFFFF  }
0xc9: {  	_ =	task.clear_ibuf [dreg:s9], $0x2FFFF;
	_ =	strace $0x9FFFFFFF  }
0xca: {  	(tm) =	ssettm $0x7FFFFFFF  }
0xcb: {  	_ =	shalt  }
tec
execute0_lowered:
.L_overlay_start_1:
0x0: {  	(tag) =	ssettag $0x1  }
0x1: {  	s0 =	rddreg [dreg:$0x0]  }
0x2: {  	s1 =	rddreg [dreg:$0x1];
	s2 =	srdreg.scid  }
0x3: {  	s9 =	stileid.u32;
	s12 =	rddreg [dreg:$0x2]  }
0x4: {  	s4 =	rddreg [dreg:$0x3];
	s5 =	simm.s32 $0x0;
	s28 =	simm.s32 $0x1D800  }
0x5: {  	s29 =	simm.s32 $0x2;
	s30 =	simm.s32 $0x4;
	s2 =	sand.u32 $0x1, s2  }
0x6: {  	s3 =	sshll.u32 s9, $0x1;
	[smem:$0x7FF] =	sst s5;
	s10 =	smul.u32 $0x640000, s9  }
0x7: {  	s3 =	sor.u32 s2, s3;
	s8 =	ssub.s32 $0x2, s2;
	s2 =	smul.u32 $0x320000, s2  }
0x8: {  	s31 =	simm.s32 $0x6;
	_ =	strace $0x80000047;
	s6 =	smul.u32 $0x1400, s3  }
0x9: {  	s7 =	smul.u32 $0x320000, s3;
	s3 =	sshll.u32 s3, $0x9;
	s11 =	sshrl.u32 s8, $0x1  }
0xa: {  	s26 =	ssub.s32 s8, s11;
	s2 =	sadd.s32 s2, s10;
	s6 =	sadd.s32 s6, s0  }
0xb: {  	s7 =	sshrl.u32 s7, $0x3;
	s0 =	sadd.s32 s3, s0;
	s22 =	sshrl.u32 s2, $0x3  }
0xc: {  	s11 =	sor.u32 $0xC800, s2;
	s26 =	smax.u32 s26, $0x1;
	[dreg:$0xc] =	wrdreg s22  }
0xd: {  	s13 =	sor.u32 $0xA000, s2;
	s6 =	sadd.s32 $0x4A00, s6;
	[dreg:$0x12] =	wrdreg s26  }
0xe: {  	s7 =	sadd.s32 s12, s7;
	s12 =	sshrl.u32 s11, $0x3;
	[dreg:$0xf] =	wrdreg s6  }
0xf: {  	s15 =	sor.u32 $0x7800, s2;
	s14 =	sshrl.u32 s13, $0x3;
	[dreg:$0x7] =	wrdreg s12  }
0x10: {  	s17 =	sor.u32 $0x5000, s2;
	s16 =	sshrl.u32 s15, $0x3;
	[dreg:$0x8] =	wrdreg s14  }
0x11: {  	s19 =	sor.u32 $0x2800, s2;
	s20 =	sadd.s32 $0xA00, s0;
	[dreg:$0x9] =	wrdreg s16  }
0x12: {  	s23 =	sor.u32 $0x11800, s2;
	s18 =	sshrl.u32 s17, $0x3;
	[dreg:$0x10] =	wrdreg s20  }
0x13: {  	s2 =	sor.u32 $0xF000, s2;
	s21 =	sshrl.u32 s19, $0x3;
	[dreg:$0xa] =	wrdreg s18  }
0x14: {  	s24 =	sshrl.u32 s23, $0x3;
	s0 =	sadd.s32 $0x2CA00, s0;
	[dreg:$0xb] =	wrdreg s21  }
0x15: {  	s25 =	sshrl.u32 s2, $0x3;
	s2 =	simm.s32 $0xA000;
	[dreg:$0x11] =	wrdreg s0  }
0x16: {  	s13 =	simm.s32 $0x50;
	s26 =	simm.s32 $0x1;
	[dreg:$0xd] =	wrdreg s24  }
0x17: {  	s9 =	sadd.s32 $0x62200, s7;
	s10 =	sadd.s32 $0x62C00, s7;
	[dreg:$0xe] =	wrdreg s25  }
0x18: {  	s16 =	simm.s32 $0xC000;
	s20 =	simm.s32 $0xE800;
	s24 =	simm.s32 $0x11000  }
0x19: {  	s25 =	simm.s32 $0x13800;
	s14 =	simm.s32 $0x7;
	[dreg:$0x5] =	wrdreg s9  }
0x1a: {  	s0 =	simm.s32 $0x8;
	s6 =	simm.s32 $0x0;
	[dreg:$0x6] =	wrdreg s10  }
.LBB2_1:
0x1b: {  	[dreg:$0x13] =	wrdreg s6  }
0x1c: {  	s3 =	rddreg [dreg:$0xf];
	s22 =	simm.s32 $0x11  }
0x1d: {  	[tilespmem:s5], [sflag:$0x11] =	stream.linear.gather [hbm4b:s3+s5], $0xA000, $0x38;
	v63 =	vld [tilespmem:$0x0]  }
0x1e: {  	_ =	swait.ge [sflag:s22], $0xA000  }
0x1f: {  	[sflag:s22] =	ssyncset.done $0x0  }
0x20: {  	s23 =	rddreg [dreg:$0x10];
	[sflag:s22] =	ssyncadd.s32 $0xFFFF6000  }
0x21: {  	[tilespmem:s2], [sflag:$0x11] =	stream.linear.gather [hbm4b:s23+s5], $0x1000, $0x38;
	v63 =	vld [tilespmem:$0x0]  }
0x22: {  	_ =	swait.ge [sflag:s22], $0x1000  }
0x23: {  	[sflag:s22] =	ssyncset.done $0x0  }
0x24: {  	s7 =	simm.s32 $0xB000;
	s2 =	rddreg [dreg:$0x11];
	[sflag:s22] =	ssyncadd.s32 $0xFFFFF000  }
0x25: {  	[tilespmem:s7], [sflag:$0x11] =	stream.linear.gather [hbm4b:s2+s5], $0x1000, $0x38;
	v63 =	vld [tilespmem:$0x0]  }
0x26: {  	_ =	swait.ge [sflag:s22], $0x1000  }
0x27: {  	[sflag:s22] =	ssyncset.done $0x0  }
0x28: {  	[sflag:s22] =	ssyncadd.s32 $0xFFFFF000  }
0x29: {  	[tilespmem:s16], [sflag:$0x1] =	stream.indirect.gather [hbm4b:s1+s13], $0x80, s5, s13, $0xb8;
	v63 =	vld [tilespmem:$0x0]  }
0x2a: {  	s7 =	simm.s32 $0x80  }
0x2b: {  	[tilespmem:s20], [sflag:$0x2] =	stream.indirect.gather [hbm4b:s1+s13], $0x80, s7, s13, $0xb8;
	v63 =	vld [tilespmem:$0x0]  }
0x2c: {  	s8 =	simm.s32 $0x100  }
0x2d: {  	[tilespmem:s24], [sflag:$0x3] =	stream.indirect.gather [hbm4b:s1+s13], $0x80, s8, s13, $0xb8;
	v63 =	vld [tilespmem:$0x0]  }
0x2e: {  	s9 =	simm.s32 $0x180;
	p0 =	por $0x1, $0x1  }
0x2f: {  	[tilespmem:s25], [sflag:$0x4] =	stream.indirect.gather [hbm4b:s1+s13], $0x80, s9, s13, $0xb8;
	v63 =	vld [tilespmem:$0x0]  }
0x30: {  	s10 =	simm.s32 $0x200;
	s11 =	simm.s32 $0x16000;
	p0 =	por p0, p0  }
0x31: {  	[tilespmem:s11], [sflag:$0x5] =	stream.indirect.gather [hbm4b:s1+s13], $0x80, s10, s13, $0xb8;
	v63 =	vld [tilespmem:$0x0]  }
0x32: {  	s12 =	simm.s32 $0x280;
	s3 =	simm.s32 @!p0 $0xF;
	s9 =	simm.s32 $0x18800  }
0x33: {  	[tilespmem:s9], [sflag:$0x6] =	stream.indirect.gather [hbm4b:s1+s13], $0x80, s12, s13, $0xb8;
	v63 =	vld [tilespmem:$0x0]  }
0x34: {  	_ =	swait.ge @!p0 [sflag:s3], $0x2800  }
0x35: {  	[sflag:s3] =	ssyncset.done @!p0 $0x0  }
0x36: {  	s15 =	simm.s32 $0x300;
	s10 =	simm.s32 $0x1B000;
	[sflag:s3] =	ssyncadd.s32 @!p0 $0xFFFFD800  }
0x37: {  	[tilespmem:s10], [sflag:$0x7] =	stream.indirect.gather [hbm4b:s1+s13], $0x80, s15, s13, $0xb8;
	v63 =	vld [tilespmem:$0x0]  }
0x38: {  	_ =	swait.ge [sflag:s26], $0x2800  }
0x39: {  	[sflag:s26] =	ssyncset.done $0x0  }
0x3a: {  	s17 =	rddreg [dreg:$0xc];
	[sflag:s26] =	ssyncadd.s32 $0xFFFFD800  }
0x3b: {  	s7 =	rddreg [dreg:$0x2]  }
0x3c: {  	s6 =	simm.s32 @!p0 $0x10;
	s3 =	sadd.s32 s7, s17  }
0x3d: {  	[hbm4b:s3+s5] =	stream.linear.scatter [tilespmem:s16], [sflag:$0x9], $0x2800, $0x38;
	v63 =	vld [tilespmem:$0x0]  }
0x3e: {  	_ =	swait.ge @!p0 [sflag:s6], $0x2800  }
0x3f: {  	[sflag:s6] =	ssyncset.done @!p0 $0x0  }
0x40: {  	s18 =	simm.s32 $0x380;
	[sflag:s6] =	ssyncadd.s32 @!p0 $0xFFFFD800  }
0x41: {  	[tilespmem:s28], [sflag:$0x8] =	stream.indirect.gather [hbm4b:s1+s13], $0x80, s18, s13, $0xb8;
	v63 =	vld [tilespmem:$0x0]  }
0x42: {  	_ =	swait.ge [sflag:s29], $0x2800  }
0x43: {  	s19 =	rddreg [dreg:$0xb];
	[sflag:s29] =	ssyncset.done $0x0  }
0x44: {  	p0 =	por $0x0, $0x0;
	[sflag:s29] =	ssyncadd.s32 $0xFFFFD800;
	s3 =	sadd.s32 s7, s19  }
0x45: {  	[hbm4b:s3+s5] =	stream.linear.scatter [tilespmem:s20], [sflag:$0xA], $0x2800, $0x38;
	v63 =	vld [tilespmem:$0x0]  }
0x46: {  	s3 =	simm.s32 @p0 $0x3  }
0x47: {  	_ =	swait.ge @p0 [sflag:s3], $0x2800  }
0x48: {  	s8 =	simm.s32 @p0 $0x0;
	s11 =	simm.s32 @!p0 $0x9;
	[sflag:s3] =	ssyncset.done @p0 $0x0  }
0x49: {  	s6 =	rddreg [dreg:$0x5];
	[sflag:s3] =	ssyncadd.s32 @p0 $0xFFFFD800;
	s3 =	simm.s32 @p0 $0x11000  }
0x4a: {  	[hbm4b:s6+s8] =	stream.linear.scatter @p0 [tilespmem:s3], [sflag:$0xB], $0x2800, $0x38;
	v63 =	vld [tilespmem:$0x0]  }
0x4b: {  	_ =	swait.ge @!p0 [sflag:s11], $0x2800  }
0x4c: {  	s12 =	simm.s32 @!p0 $0xC000;
	s6 =	simm.s32 @!p0 $0x400;
	[sflag:s11] =	ssyncset.done @!p0 $0x0  }
0x4d: {  	s3 =	simm.s32 @!p0 $0x50;
	[sflag:s11] =	ssyncadd.s32 @!p0 $0xFFFFD800;
	s11 =	simm.s32 @!p0 $0x3  }
0x4e: {  	[tilespmem:s12], [sflag:$0x1] =	stream.indirect.gather @!p0 [hbm4b:s1+s3], $0x80, s6, s3, $0xb8;
	v63 =	vld [tilespmem:$0x0]  }
0x4f: {  	s15 =	simm.s32 @!p0 $0xA;
	_ =	swait.ge @!p0 [sflag:s11], $0x2800  }
0x50: {  	s12 =	simm.s32 @!p0 $0x11000;
	s6 =	rddreg [dreg:$0xa];
	[sflag:s11] =	ssyncset.done @!p0 $0x0  }
0x51: {  	[sflag:s11] =	ssyncadd.s32 @!p0 $0xFFFFD800;
	s11 =	simm.s32 @!p0 $0x0;
	s6 =	sadd.s32 @!p0 s7, s6  }
0x52: {  	[hbm4b:s6+s11] =	stream.linear.scatter @!p0 [tilespmem:s12], [sflag:$0xB], $0x2800, $0x38;
	v63 =	vld [tilespmem:$0x0]  }
0x53: {  	_ =	swait.ge @!p0 [sflag:s15], $0x2800  }
0x54: {  	[sflag:s15] =	ssyncset.done @!p0 $0x0  }
0x55: {  	s6 =	simm.s32 @!p0 $0x480;
	[sflag:s15] =	ssyncadd.s32 @!p0 $0xFFFFD800;
	s15 =	simm.s32 @!p0 $0xE800  }
0x56: {  	[tilespmem:s15], [sflag:$0x2] =	stream.indirect.gather @!p0 [hbm4b:s1+s3], $0x80, s6, s3, $0xb8;
	v63 =	vld [tilespmem:$0x0]  }
0x57: {  	_ =	swait.ge [sflag:s30], $0x2800  }
0x58: {  	s21 =	rddreg [dreg:$0x9];
	[sflag:s30] =	ssyncset.done $0x0  }
0x59: {  	s15 =	simm.s32 @p0 $0x5;
	[sflag:s30] =	ssyncadd.s32 $0xFFFFD800;
	s6 =	sadd.s32 s7, s21  }
0x5a: {  	[hbm4b:s6+s5] =	stream.linear.scatter [tilespmem:s25], [sflag:$0xC], $0x2800, $0x38;
	v63 =	vld [tilespmem:$0x0]  }
0x5b: {  	_ =	swait.ge @p0 [sflag:s15], $0x2800  }
0x5c: {  	[sflag:s15] =	ssyncset.done @p0 $0x0  }
0x5d: {  	s6 =	rddreg [dreg:$0x6];
	[sflag:s15] =	ssyncadd.s32 @p0 $0xFFFFD800;
	s15 =	simm.s32 @p0 $0x16000  }
0x5e: {  	[hbm4b:s6+s8] =	stream.linear.scatter @p0 [tilespmem:s15], [sflag:$0xD], $0x2800, $0x38;
	v63 =	vld [tilespmem:$0x0]  }
0x5f: {  	s6 =	simm.s32 @!p0 $0xB  }
0x60: {  	_ =	swait.ge @!p0 [sflag:s6], $0x2800  }
0x61: {  	[sflag:s6] =	ssyncset.done @!p0 $0x0  }
0x62: {  	s8 =	simm.s32 @!p0 $0x500;
	[sflag:s6] =	ssyncadd.s32 @!p0 $0xFFFFD800;
	s6 =	simm.s32 @!p0 $0x5  }
0x63: {  	[tilespmem:s12], [sflag:$0x3] =	stream.indirect.gather @!p0 [hbm4b:s1+s3], $0x80, s8, s3, $0xb8;
	v63 =	vld [tilespmem:$0x0]  }
0x64: {  	_ =	swait.ge @!p0 [sflag:s6], $0x2800  }
0x65: {  	s12 =	simm.s32 @!p0 $0xC;
	s8 =	rddreg [dreg:$0x8];
	[sflag:s6] =	ssyncset.done @!p0 $0x0  }
0x66: {  	[sflag:s6] =	ssyncadd.s32 @!p0 $0xFFFFD800;
	s6 =	simm.s32 @!p0 $0x16000;
	s8 =	sadd.s32 @!p0 s7, s8  }
0x67: {  	[hbm4b:s8+s11] =	stream.linear.scatter @!p0 [tilespmem:s6], [sflag:$0xD], $0x2800, $0x38;
	v63 =	vld [tilespmem:$0x0]  }
0x68: {  	_ =	swait.ge @!p0 [sflag:s12], $0x2800  }
0x69: {  	[sflag:s12] =	ssyncset.done @!p0 $0x0  }
0x6a: {  	s8 =	simm.s32 @!p0 $0x580;
	s11 =	simm.s32 @!p0 $0x13800;
	[sflag:s12] =	ssyncadd.s32 @!p0 $0xFFFFD800  }
0x6b: {  	[tilespmem:s11], [sflag:$0x4] =	stream.indirect.gather @!p0 [hbm4b:s1+s3], $0x80, s8, s3, $0xb8;
	v63 =	vld [tilespmem:$0x0]  }
0x6c: {  	_ =	swait.ge [sflag:s31], $0x2800  }
0x6d: {  	s22 =	rddreg [dreg:$0x7];
	[sflag:s31] =	ssyncset.done $0x0  }
0x6e: {  	s11 =	simm.s32 @!p0 $0xD;
	[sflag:s31] =	ssyncadd.s32 $0xFFFFD800;
	s8 =	sadd.s32 s7, s22  }
0x6f: {  	[hbm4b:s8+s5] =	stream.linear.scatter [tilespmem:s9], [sflag:$0xE], $0x2800, $0x38;
	v63 =	vld [tilespmem:$0x0]  }
0x70: {  	_ =	swait.ge @!p0 [sflag:s11], $0x2800  }
0x71: {  	[sflag:s11] =	ssyncset.done @!p0 $0x0  }
0x72: {  	s8 =	simm.s32 @!p0 $0x600;
	[sflag:s11] =	ssyncadd.s32 @!p0 $0xFFFFD800  }
0x73: {  	[tilespmem:s6], [sflag:$0x5] =	stream.indirect.gather @!p0 [hbm4b:s1+s3], $0x80, s8, s3, $0xb8;
	v63 =	vld [tilespmem:$0x0]  }
0x74: {  	_ =	swait.ge [sflag:s14], $0x2800  }
0x75: {  	s23 =	rddreg [dreg:$0xe];
	[sflag:s14] =	ssyncset.done $0x0  }
0x76: {  	s11 =	simm.s32 @!p0 $0xE;
	[sflag:s14] =	ssyncadd.s32 $0xFFFFD800;
	s6 =	sadd.s32 s7, s23  }
0x77: {  	[hbm4b:s6+s5] =	stream.linear.scatter [tilespmem:s10], [sflag:$0xF], $0x2800, $0x38;
	v63 =	vld [tilespmem:$0x0]  }
0x78: {  	p6 =	por $0x0, $0x0;
	_ =	swait.ge @!p0 [sflag:s11], $0x2800  }
0x79: {  	s2 =	simm.s32 $0x18800;
	s18 =	sadd.s32 $0x2800, s7;
	[sflag:s11] =	ssyncset.done @!p0 $0x0  }
0x7a: {  	s12 =	simm.s32 @!p0 $0x18800;
	s6 =	simm.s32 @!p0 $0x680;
	[sflag:s11] =	ssyncadd.s32 @!p0 $0xFFFFD800  }
0x7b: {  	[tilespmem:s12], [sflag:$0x6] =	stream.indirect.gather @!p0 [hbm4b:s1+s3], $0x80, s6, s3, $0xb8;
	v63 =	vld [tilespmem:$0x0]  }
0x7c: {  	s22 =	simm.s32 $0x2000;
	s8 =	simm.s32 $0x1000;
	_ =	swait.ge [sflag:s0], $0x2800  }
0x7d: {  	p0 =	por p6, p6;
	s3 =	smov.u32 s7;
	[sflag:s0] =	ssyncset.done $0x0  }
0x7e: {  	s6 =	simm.s32 @!p0 $0xF;
	s11 =	rddreg [dreg:$0xd];
	[sflag:s0] =	ssyncadd.s32 $0xFFFFD800  }
.LBB2_2:
0x7f: {  	s11 =	sadd.s32 s3, s11  }
0x80: {  	[hbm4b:s11+s5] =	stream.linear.scatter [tilespmem:s28], [sflag:$0x10], $0x2800, $0x38;
	v63 =	vld [tilespmem:$0x0]  }
0x81: {  	_ =	swait.ge @!p0 [sflag:s6], $0x2800  }
0x82: {  	s17 =	sshra.s32 s8, $0x2;
	[sflag:s6] =	ssyncset.done @!p0 $0x0  }
0x83: {  	s14 =	simm.s32 $0x1B000;
	s19 =	sadd.s32 $0x300, s17;
	[sflag:s6] =	ssyncadd.s32 @!p0 $0xFFFFD800  }
0x84: {  	[tilespmem:s14], [sflag:$0x7] =	stream.indirect.gather [hbm4b:s1+s13], $0x80, s19, s13, $0xb8;
	v63 =	vld [tilespmem:$0x0]  }
0x85: {  	_ =	swait.ge [sflag:s26], $0x2800  }
0x86: {  	s21 =	rddreg [dreg:$0xc];
	[sflag:s26] =	ssyncset.done $0x0  }
0x87: {  	s15 =	simm.s32 @!p0 $0x10;
	[sflag:s26] =	ssyncadd.s32 $0xFFFFD800;
	s6 =	sadd.s32 s18, s21  }
0x88: {  	[hbm4b:s6+s5] =	stream.linear.scatter [tilespmem:s16], [sflag:$0x9], $0x2800, $0x38;
	v63 =	vld [tilespmem:$0x0]  }
0x89: {  	p2 =	seq.s32 s22, $0x0;
	_ =	swait.ge @!p0 [sflag:s15], $0x2800  }
0x8a: {  	s12 =	smov.u32 s22;
	s23 =	sadd.s32 $0x380, s17;
	[sflag:s15] =	ssyncset.done @!p0 $0x0  }
0x8b: {  	[sflag:s15] =	ssyncadd.s32 @!p0 $0xFFFFD800;
	p0 =	por p2, p2;
	p2 =	seq.s32 s8, $0x27000  }
0x8c: {  	[tilespmem:s28], [sflag:$0x8] =	stream.indirect.gather [hbm4b:s1+s13], $0x80, s23, s13, $0xb8;
	v63 =	vld [tilespmem:$0x0]  }
0x8d: {  	s11 =	simm.s32 @p2 $0x3;
	s15 =	sshra.s32 @!p2 s8, $0x2;
	_ =	swait.ge [sflag:s29], $0x2800  }
0x8e: {  	s8 =	smov.u32 s12;
	s7 =	rddreg [dreg:$0xb];
	[sflag:s29] =	ssyncset.done $0x0  }
0x8f: {  	s21 =	simm.s32 @p2 $0x0;
	[sflag:s29] =	ssyncadd.s32 $0xFFFFD800;
	s6 =	sadd.s32 s18, s7  }
0x90: {  	[hbm4b:s6+s5] =	stream.linear.scatter [tilespmem:s20], [sflag:$0xA], $0x2800, $0x38;
	v63 =	vld [tilespmem:$0x0]  }
0x91: {  	s10 =	simm.s32 @!p2 $0x9;
	s23 =	sadd.s32 @!p2 $0x400, s15;
	_ =	swait.ge @p2 [sflag:s11], $0x2800  }
0x92: {  	s9 =	sadd.s32 @!p2 $0x480, s15;
	s19 =	sadd.s32 @!p2 $0x580, s15;
	[sflag:s11] =	ssyncset.done @p2 $0x0  }
0x93: {  	s12 =	rddreg [dreg:$0x5];
	[sflag:s11] =	ssyncadd.s32 @p2 $0xFFFFD800;
	s11 =	simm.s32 @p2 $0x11000  }
0x94: {  	[hbm4b:s12+s21] =	stream.linear.scatter @p2 [tilespmem:s11], [sflag:$0xB], $0x2800, $0x38;
	v63 =	vld [tilespmem:$0x0]  }
0x95: {  	s17 =	sadd.s32 @!p2 $0x600, s15;
	s6 =	sadd.s32 @!p2 $0x500, s15;
	_ =	swait.ge @!p2 [sflag:s10], $0x2800  }
0x96: {  	s12 =	sadd.s32 @!p2 $0x680, s15;
	s15 =	simm.s32 @!p2 $0x50;
	[sflag:s10] =	ssyncset.done @!p2 $0x0  }
0x97: {  	s11 =	simm.s32 @!p2 $0xC000;
	[sflag:s10] =	ssyncadd.s32 @!p2 $0xFFFFD800;
	s10 =	simm.s32 @!p2 $0x3  }
0x98: {  	[tilespmem:s11], [sflag:$0x1] =	stream.indirect.gather @!p2 [hbm4b:s1+s15], $0x80, s23, s15, $0xb8;
	v63 =	vld [tilespmem:$0x0]  }
0x99: {  	s7 =	simm.s32 @!p2 $0xA;
	_ =	swait.ge @!p2 [sflag:s10], $0x2800  }
0x9a: {  	s11 =	simm.s32 @!p2 $0x0;
	[sflag:s10] =	ssyncset.done @!p2 $0x0;
	s23 =	rddreg [dreg:$0xa]  }
0x9b: {  	[sflag:s10] =	ssyncadd.s32 @!p2 $0xFFFFD800;
	s10 =	simm.s32 @!p2 $0x11000;
	s23 =	sadd.s32 @!p2 s18, s23  }
0x9c: {  	[hbm4b:s23+s11] =	stream.linear.scatter @!p2 [tilespmem:s10], [sflag:$0xB], $0x2800, $0x38;
	v63 =	vld [tilespmem:$0x0]  }
0x9d: {  	_ =	swait.ge @!p2 [sflag:s7], $0x2800  }
0x9e: {  	[sflag:s7] =	ssyncset.done @!p2 $0x0  }
0x9f: {  	s23 =	simm.s32 @!p2 $0xE800;
	[sflag:s7] =	ssyncadd.s32 @!p2 $0xFFFFD800  }
0xa0: {  	[tilespmem:s23], [sflag:$0x2] =	stream.indirect.gather @!p2 [hbm4b:s1+s15], $0x80, s9, s15, $0xb8;
	v63 =	vld [tilespmem:$0x0]  }
0xa1: {  	_ =	swait.ge [sflag:s30], $0x2800  }
0xa2: {  	s9 =	rddreg [dreg:$0x9];
	[sflag:s30] =	ssyncset.done $0x0  }
0xa3: {  	[sflag:s30] =	ssyncadd.s32 $0xFFFFD800;
	s7 =	sadd.s32 s18, s9;
	s9 =	simm.s32 @p2 $0x5  }
0xa4: {  	[hbm4b:s7+s5] =	stream.linear.scatter [tilespmem:s25], [sflag:$0xC], $0x2800, $0x38;
	v63 =	vld [tilespmem:$0x0]  }
0xa5: {  	_ =	swait.ge @p2 [sflag:s9], $0x2800  }
0xa6: {  	s23 =	simm.s32 @!p2 $0xB;
	[sflag:s9] =	ssyncset.done @p2 $0x0  }
0xa7: {  	s7 =	rddreg [dreg:$0x6];
	[sflag:s9] =	ssyncadd.s32 @p2 $0xFFFFD800;
	s9 =	simm.s32 @p2 $0x16000  }
0xa8: {  	[hbm4b:s7+s21] =	stream.linear.scatter @p2 [tilespmem:s9], [sflag:$0xD], $0x2800, $0x38;
	v63 =	vld [tilespmem:$0x0]  }
0xa9: {  	_ =	swait.ge @!p2 [sflag:s23], $0x2800  }
0xaa: {  	[sflag:s23] =	ssyncset.done @!p2 $0x0  }
0xab: {  	s7 =	simm.s32 @!p2 $0x5;
	[sflag:s23] =	ssyncadd.s32 @!p2 $0xFFFFD800  }
0xac: {  	[tilespmem:s10], [sflag:$0x3] =	stream.indirect.gather @!p2 [hbm4b:s1+s15], $0x80, s6, s15, $0xb8;
	v63 =	vld [tilespmem:$0x0]  }
0xad: {  	_ =	swait.ge @!p2 [sflag:s7], $0x2800  }
0xae: {  	s9 =	simm.s32 @!p2 $0xC;
	[sflag:s7] =	ssyncset.done @!p2 $0x0;
	s6 =	rddreg [dreg:$0x8]  }
0xaf: {  	[sflag:s7] =	ssyncadd.s32 @!p2 $0xFFFFD800;
	s7 =	simm.s32 @!p2 $0x16000;
	s6 =	sadd.s32 @!p2 s18, s6  }
0xb0: {  	[hbm4b:s6+s11] =	stream.linear.scatter @!p2 [tilespmem:s7], [sflag:$0xD], $0x2800, $0x38;
	v63 =	vld [tilespmem:$0x0]  }
0xb1: {  	_ =	swait.ge @!p2 [sflag:s9], $0x2800  }
0xb2: {  	[sflag:s9] =	ssyncset.done @!p2 $0x0  }
0xb3: {  	s6 =	simm.s32 @!p2 $0x13800;
	[sflag:s9] =	ssyncadd.s32 @!p2 $0xFFFFD800  }
0xb4: {  	[tilespmem:s6], [sflag:$0x4] =	stream.indirect.gather @!p2 [hbm4b:s1+s15], $0x80, s19, s15, $0xb8;
	v63 =	vld [tilespmem:$0x0]  }
0xb5: {  	_ =	swait.ge [sflag:s31], $0x2800  }
0xb6: {  	s21 =	rddreg [dreg:$0x7];
	[sflag:s31] =	ssyncset.done $0x0  }
0xb7: {  	s9 =	simm.s32 @!p2 $0xD;
	[sflag:s31] =	ssyncadd.s32 $0xFFFFD800;
	s6 =	sadd.s32 s18, s21  }
0xb8: {  	[hbm4b:s6+s5] =	stream.linear.scatter [tilespmem:s2], [sflag:$0xE], $0x2800, $0x38;
	v63 =	vld [tilespmem:$0x0]  }
0xb9: {  	_ =	swait.ge @!p2 [sflag:s9], $0x2800  }
0xba: {  	[sflag:s9] =	ssyncset.done @!p2 $0x0  }
0xbb: {  	[sflag:s9] =	ssyncadd.s32 @!p2 $0xFFFFD800  }
0xbc: {  	[tilespmem:s7], [sflag:$0x5] =	stream.indirect.gather @!p2 [hbm4b:s1+s15], $0x80, s17, s15, $0xb8;
	v63 =	vld [tilespmem:$0x0]  }
0xbd: {  	s17 =	simm.s32 $0x7  }
0xbe: {  	_ =	swait.ge [sflag:s17], $0x2800  }
0xbf: {  	s23 =	rddreg [dreg:$0xe];
	[sflag:s17] =	ssyncset.done $0x0  }
0xc0: {  	s7 =	simm.s32 @!p2 $0xE;
	[sflag:s17] =	ssyncadd.s32 $0xFFFFD800;
	s6 =	sadd.s32 s18, s23  }
0xc1: {  	[hbm4b:s6+s5] =	stream.linear.scatter [tilespmem:s14], [sflag:$0xF], $0x2800, $0x38;
	v63 =	vld [tilespmem:$0x0]  }
0xc2: {  	s22 =	sadd.s32 $0x1000, s22;
	_ =	swait.ge @!p2 [sflag:s7], $0x2800  }
0xc3: {  	p1 =	sne.s32 s22, $0x28000;
	[sflag:s7] =	ssyncset.done @!p2 $0x0  }
.Ltmp0:
0xc4: {  	s6 =	simm.s32 @!p2 $0x18800;
	[sflag:s7] =	ssyncadd.s32 @!p2 $0xFFFFD800;
	(pc) =	sbr.rel @p1 .LBB2_2-.Ltmp0, $4  }
0xc5: {  	[tilespmem:s6], [sflag:$0x6] =	stream.indirect.gather @!p2 [hbm4b:s1+s15], $0x80, s12, s15, $0xb8;
	v63 =	vld [tilespmem:$0x0]  }
0xc6: {  	_ =	swait.ge [sflag:s0], $0x2800  }
0xc7: {  	s3 =	smov.u32 s18;
	s18 =	sadd.s32 $0x2800, s18;
	[sflag:s0] =	ssyncset.done $0x0  }
0xc8: {  	s6 =	simm.s32 @!p0 $0xF;
	s11 =	rddreg [dreg:$0xd];
	[sflag:s0] =	ssyncadd.s32 $0xFFFFD800  }
0xc9: {  	s3 =	sadd.s32 s3, s11  }
0xca: {  	[hbm4b:s3+s5] =	stream.linear.scatter [tilespmem:s28], [sflag:$0x10], $0x2800, $0x38;
	v63 =	vld [tilespmem:$0x0]  }
0xcb: {  	_ =	swait.ge @!p0 [sflag:s6], $0x2800  }
0xcc: {  	s2 =	sshra.s32 s8, $0x2;
	[sflag:s6] =	ssyncset.done @!p0 $0x0  }
0xcd: {  	s12 =	simm.s32 $0x1B000;
	s7 =	sadd.s32 $0x300, s2;
	[sflag:s6] =	ssyncadd.s32 @!p0 $0xFFFFD800  }
0xce: {  	[tilespmem:s12], [sflag:$0x7] =	stream.indirect.gather [hbm4b:s1+s13], $0x80, s7, s13, $0xb8;
	v63 =	vld [tilespmem:$0x0]  }
0xcf: {  	_ =	swait.ge [sflag:s26], $0x2800  }
0xd0: {  	s9 =	rddreg [dreg:$0xc];
	[sflag:s26] =	ssyncset.done $0x0  }
0xd1: {  	s7 =	simm.s32 @!p0 $0x10;
	[sflag:s26] =	ssyncadd.s32 $0xFFFFD800;
	s6 =	sadd.s32 s18, s9  }
0xd2: {  	[hbm4b:s6+s5] =	stream.linear.scatter [tilespmem:s16], [sflag:$0x9], $0x2800, $0x38;
	v63 =	vld [tilespmem:$0x0]  }
0xd3: {  	_ =	swait.ge @!p0 [sflag:s7], $0x2800  }
0xd4: {  	[sflag:s7] =	ssyncset.done @!p0 $0x0  }
0xd5: {  	s3 =	sadd.s32 $0x380, s2;
	[sflag:s7] =	ssyncadd.s32 @!p0 $0xFFFFD800  }
0xd6: {  	[tilespmem:s28], [sflag:$0x8] =	stream.indirect.gather [hbm4b:s1+s13], $0x80, s3, s13, $0xb8;
	v63 =	vld [tilespmem:$0x0]  }
0xd7: {  	_ =	swait.ge [sflag:s29], $0x2800  }
0xd8: {  	s10 =	rddreg [dreg:$0xb];
	[sflag:s29] =	ssyncset.done $0x0  }
0xd9: {  	p0 =	seq.s32 s8, $0x27000;
	[sflag:s29] =	ssyncadd.s32 $0xFFFFD800;
	s3 =	sadd.s32 s18, s10  }
0xda: {  	[hbm4b:s3+s5] =	stream.linear.scatter [tilespmem:s20], [sflag:$0xA], $0x2800, $0x38;
	v63 =	vld [tilespmem:$0x0]  }
0xdb: {  	s3 =	simm.s32 @p0 $0x3  }
0xdc: {  	_ =	swait.ge @p0 [sflag:s3], $0x2800  }
0xdd: {  	s7 =	simm.s32 @p0 $0x0;
	s9 =	simm.s32 @!p0 $0x9;
	[sflag:s3] =	ssyncset.done @p0 $0x0  }
0xde: {  	s6 =	rddreg [dreg:$0x5];
	[sflag:s3] =	ssyncadd.s32 @p0 $0xFFFFD800;
	s3 =	simm.s32 @p0 $0x11000  }
0xdf: {  	[hbm4b:s6+s7] =	stream.linear.scatter @p0 [tilespmem:s3], [sflag:$0xB], $0x2800, $0x38;
	v63 =	vld [tilespmem:$0x0]  }
0xe0: {  	s10 =	simm.s32 @!p0 $0xC000;
	_ =	swait.ge @!p0 [sflag:s9], $0x2800  }
0xe1: {  	s3 =	sshra.s32 @!p0 s8, $0x2;
	s6 =	simm.s32 @!p0 $0x50;
	[sflag:s9] =	ssyncset.done @!p0 $0x0  }
0xe2: {  	s8 =	sadd.s32 @!p0 $0x400, s3;
	[sflag:s9] =	ssyncadd.s32 @!p0 $0xFFFFD800;
	s9 =	simm.s32 @!p0 $0x3  }
0xe3: {  	[tilespmem:s10], [sflag:$0x1] =	stream.indirect.gather @!p0 [hbm4b:s1+s6], $0x80, s8, s6, $0xb8;
	v63 =	vld [tilespmem:$0x0]  }
0xe4: {  	s11 =	simm.s32 @!p0 $0xA;
	_ =	swait.ge @!p0 [sflag:s9], $0x2800  }
0xe5: {  	s10 =	simm.s32 @!p0 $0x11000;
	s8 =	rddreg [dreg:$0xa];
	[sflag:s9] =	ssyncset.done @!p0 $0x0  }
0xe6: {  	[sflag:s9] =	ssyncadd.s32 @!p0 $0xFFFFD800;
	s9 =	simm.s32 @!p0 $0x0;
	s8 =	sadd.s32 @!p0 s18, s8  }
0xe7: {  	[hbm4b:s8+s9] =	stream.linear.scatter @!p0 [tilespmem:s10], [sflag:$0xB], $0x2800, $0x38;
	v63 =	vld [tilespmem:$0x0]  }
0xe8: {  	_ =	swait.ge @!p0 [sflag:s11], $0x2800  }
0xe9: {  	[sflag:s11] =	ssyncset.done @!p0 $0x0  }
0xea: {  	s8 =	sadd.s32 @!p0 $0x480, s3;
	[sflag:s11] =	ssyncadd.s32 @!p0 $0xFFFFD800;
	s11 =	simm.s32 @!p0 $0xE800  }
0xeb: {  	[tilespmem:s11], [sflag:$0x2] =	stream.indirect.gather @!p0 [hbm4b:s1+s6], $0x80, s8, s6, $0xb8;
	v63 =	vld [tilespmem:$0x0]  }
0xec: {  	_ =	swait.ge [sflag:s30], $0x2800  }
0xed: {  	s11 =	rddreg [dreg:$0x9];
	[sflag:s30] =	ssyncset.done $0x0  }
0xee: {  	[sflag:s30] =	ssyncadd.s32 $0xFFFFD800;
	s8 =	sadd.s32 s18, s11;
	s11 =	simm.s32 @p0 $0x5  }
0xef: {  	[hbm4b:s8+s5] =	stream.linear.scatter [tilespmem:s25], [sflag:$0xC], $0x2800, $0x38;
	v63 =	vld [tilespmem:$0x0]  }
0xf0: {  	_ =	swait.ge @p0 [sflag:s11], $0x2800  }
0xf1: {  	[sflag:s11] =	ssyncset.done @p0 $0x0  }
0xf2: {  	s8 =	rddreg [dreg:$0x6];
	[sflag:s11] =	ssyncadd.s32 @p0 $0xFFFFD800;
	s11 =	simm.s32 @p0 $0x16000  }
0xf3: {  	[hbm4b:s8+s7] =	stream.linear.scatter @p0 [tilespmem:s11], [sflag:$0xD], $0x2800, $0x38;
	v63 =	vld [tilespmem:$0x0]  }
0xf4: {  	s7 =	simm.s32 @!p0 $0xB  }
0xf5: {  	_ =	swait.ge @!p0 [sflag:s7], $0x2800  }
0xf6: {  	[sflag:s7] =	ssyncset.done @!p0 $0x0  }
0xf7: {  	[sflag:s7] =	ssyncadd.s32 @!p0 $0xFFFFD800;
	s7 =	sadd.s32 @!p0 $0x500, s3  }
0xf8: {  	[tilespmem:s10], [sflag:$0x3] =	stream.indirect.gather @!p0 [hbm4b:s1+s6], $0x80, s7, s6, $0xb8;
	v63 =	vld [tilespmem:$0x0]  }
0xf9: {  	s7 =	simm.s32 @!p0 $0x5  }
0xfa: {  	_ =	swait.ge @!p0 [sflag:s7], $0x2800  }
0xfb: {  	s8 =	rddreg [dreg:$0x8];
	[sflag:s7] =	ssyncset.done @!p0 $0x0  }
0xfc: {  	[sflag:s7] =	ssyncadd.s32 @!p0 $0xFFFFD800;
	s7 =	simm.s32 @!p0 $0x16000;
	s8 =	sadd.s32 @!p0 s18, s8  }
0xfd: {  	[hbm4b:s8+s9] =	stream.linear.scatter @!p0 [tilespmem:s7], [sflag:$0xD], $0x2800, $0x38;
	v63 =	vld [tilespmem:$0x0]  }
0xfe: {  	s8 =	simm.s32 @!p0 $0xC  }
0xff: {  	_ =	swait.ge @!p0 [sflag:s8], $0x2800  }
0x100: {  	[sflag:s8] =	ssyncset.done @!p0 $0x0  }
0x101: {  	s9 =	sadd.s32 @!p0 $0x580, s3;
	[sflag:s8] =	ssyncadd.s32 @!p0 $0xFFFFD800;
	s8 =	simm.s32 @!p0 $0x13800  }
0x102: {  	[tilespmem:s8], [sflag:$0x4] =	stream.indirect.gather @!p0 [hbm4b:s1+s6], $0x80, s9, s6, $0xb8;
	v63 =	vld [tilespmem:$0x0]  }
0x103: {  	_ =	swait.ge [sflag:s31], $0x2800  }
0x104: {  	s14 =	rddreg [dreg:$0x7];
	[sflag:s31] =	ssyncset.done $0x0  }
0x105: {  	s10 =	simm.s32 $0x18800;
	[sflag:s31] =	ssyncadd.s32 $0xFFFFD800;
	s8 =	sadd.s32 s18, s14  }
0x106: {  	[hbm4b:s8+s5] =	stream.linear.scatter [tilespmem:s10], [sflag:$0xE], $0x2800, $0x38;
	v63 =	vld [tilespmem:$0x0]  }
0x107: {  	s8 =	simm.s32 @!p0 $0xD  }
0x108: {  	_ =	swait.ge @!p0 [sflag:s8], $0x2800  }
0x109: {  	[sflag:s8] =	ssyncset.done @!p0 $0x0  }
0x10a: {  	[sflag:s8] =	ssyncadd.s32 @!p0 $0xFFFFD800;
	s8 =	sadd.s32 @!p0 $0x600, s3  }
0x10b: {  	[tilespmem:s7], [sflag:$0x5] =	stream.indirect.gather @!p0 [hbm4b:s1+s6], $0x80, s8, s6, $0xb8;
	v63 =	vld [tilespmem:$0x0]  }
0x10c: {  	_ =	swait.ge [sflag:s17], $0x2800  }
0x10d: {  	s15 =	rddreg [dreg:$0xe];
	[sflag:s17] =	ssyncset.done $0x0  }
0x10e: {  	s8 =	simm.s32 @!p0 $0xE;
	[sflag:s17] =	ssyncadd.s32 $0xFFFFD800;
	s7 =	sadd.s32 s18, s15  }
0x10f: {  	[hbm4b:s7+s5] =	stream.linear.scatter [tilespmem:s12], [sflag:$0xF], $0x2800, $0x38;
	v63 =	vld [tilespmem:$0x0]  }
0x110: {  	_ =	swait.ge @!p0 [sflag:s8], $0x2800  }
0x111: {  	[sflag:s8] =	ssyncset.done @!p0 $0x0  }
0x112: {  	s3 =	sadd.s32 @!p0 $0x680, s3;
	s7 =	simm.s32 @!p0 $0x18800;
	[sflag:s8] =	ssyncadd.s32 @!p0 $0xFFFFD800  }
0x113: {  	[tilespmem:s7], [sflag:$0x6] =	stream.indirect.gather @!p0 [hbm4b:s1+s6], $0x80, s3, s6, $0xb8;
	v63 =	vld [tilespmem:$0x0]  }
0x114: {  	_ =	swait.ge [sflag:s0], $0x2800  }
0x115: {  	s17 =	rddreg [dreg:$0xd];
	[sflag:s0] =	ssyncset.done $0x0  }
0x116: {  	s2 =	simm.s32 $0x9;
	[sflag:s0] =	ssyncadd.s32 $0xFFFFD800;
	s3 =	sadd.s32 s18, s17  }
0x117: {  	[hbm4b:s3+s5] =	stream.linear.scatter [tilespmem:s28], [sflag:$0x10], $0x2800, $0x38;
	v63 =	vld [tilespmem:$0x0]  }
0x118: {  	_ =	swait.ge [sflag:s2], $0x2800  }
0x119: {  	[sflag:s2] =	ssyncset.done $0x0  }
0x11a: {  	s19 =	simm.s32 $0xA;
	[sflag:s2] =	ssyncadd.s32 $0xFFFFD800  }
0x11b: {  	_ =	swait.ge [sflag:s19], $0x2800  }
0x11c: {  	[sflag:s19] =	ssyncset.done $0x0  }
0x11d: {  	s21 =	simm.s32 $0xB;
	[sflag:s19] =	ssyncadd.s32 $0xFFFFD800  }
0x11e: {  	_ =	swait.ge [sflag:s21], $0x2800  }
0x11f: {  	[sflag:s21] =	ssyncset.done $0x0  }
0x120: {  	s22 =	simm.s32 $0xC;
	[sflag:s21] =	ssyncadd.s32 $0xFFFFD800  }
0x121: {  	_ =	swait.ge [sflag:s22], $0x2800  }
0x122: {  	[sflag:s22] =	ssyncset.done $0x0  }
0x123: {  	s23 =	simm.s32 $0xD;
	[sflag:s22] =	ssyncadd.s32 $0xFFFFD800  }
0x124: {  	_ =	swait.ge [sflag:s23], $0x2800  }
0x125: {  	[sflag:s23] =	ssyncset.done $0x0  }
0x126: {  	s3 =	simm.s32 $0xE;
	[sflag:s23] =	ssyncadd.s32 $0xFFFFD800  }
0x127: {  	_ =	swait.ge [sflag:s3], $0x2800  }
0x128: {  	[sflag:s3] =	ssyncset.done $0x0  }
0x129: {  	s6 =	simm.s32 $0xF;
	[sflag:s3] =	ssyncadd.s32 $0xFFFFD800  }
0x12a: {  	_ =	swait.ge [sflag:s6], $0x2800  }
0x12b: {  	[sflag:s6] =	ssyncset.done $0x0  }
0x12c: {  	s7 =	simm.s32 $0x10;
	[sflag:s6] =	ssyncadd.s32 $0xFFFFD800  }
0x12d: {  	_ =	swait.ge [sflag:s7], $0x2800  }
0x12e: {  	[sflag:s7] =	ssyncset.done $0x0  }
0x12f: {  	s8 =	simm.s32 $0xA000;
	[sflag:s7] =	ssyncadd.s32 $0xFFFFD800  }
0x130: {  	[tilespmem:s16], [sflag:$0x1] =	stream.indirect.gather [hbm4b:s1+s13], $0x80, s8, s13, $0xb8;
	v63 =	vld [tilespmem:$0x0]  }
0x131: {  	s9 =	simm.s32 $0xA080  }
0x132: {  	[tilespmem:s20], [sflag:$0x2] =	stream.indirect.gather [hbm4b:s1+s13], $0x80, s9, s13, $0xb8;
	v63 =	vld [tilespmem:$0x0]  }
0x133: {  	s11 =	simm.s32 $0xA100  }
0x134: {  	[tilespmem:s24], [sflag:$0x3] =	stream.indirect.gather [hbm4b:s1+s13], $0x80, s11, s13, $0xb8;
	v63 =	vld [tilespmem:$0x0]  }
0x135: {  	s14 =	simm.s32 $0xA180  }
0x136: {  	[tilespmem:s25], [sflag:$0x4] =	stream.indirect.gather [hbm4b:s1+s13], $0x80, s14, s13, $0xb8;
	v63 =	vld [tilespmem:$0x0]  }
0x137: {  	s15 =	simm.s32 $0x16000;
	p0 =	por $0x1, $0x1;
	s17 =	simm.s32 $0xA200  }
0x138: {  	[tilespmem:s15], [sflag:$0x5] =	stream.indirect.gather [hbm4b:s1+s13], $0x80, s17, s13, $0xb8;
	v63 =	vld [tilespmem:$0x0]  }
0x139: {  	s18 =	simm.s32 $0xA280;
	s3 =	simm.s32 @!p0 $0xF  }
0x13a: {  	[tilespmem:s10], [sflag:$0x6] =	stream.indirect.gather [hbm4b:s1+s13], $0x80, s18, s13, $0xb8;
	v63 =	vld [tilespmem:$0x0]  }
0x13b: {  	_ =	swait.ge @!p0 [sflag:s3], $0x2800  }
0x13c: {  	[sflag:s3] =	ssyncset.done @!p0 $0x0  }
0x13d: {  	s19 =	simm.s32 $0xA300;
	[sflag:s3] =	ssyncadd.s32 @!p0 $0xFFFFD800  }
0x13e: {  	[tilespmem:s12], [sflag:$0x7] =	stream.indirect.gather [hbm4b:s1+s13], $0x80, s19, s13, $0xb8;
	v63 =	vld [tilespmem:$0x0]  }
0x13f: {  	_ =	swait.ge [sflag:s26], $0x2800  }
0x140: {  	[sflag:s26] =	ssyncset.done $0x0  }
0x141: {  	s21 =	simm.s32 $0xB000;
	s6 =	simm.s32 @!p0 $0x10;
	[sflag:s26] =	ssyncadd.s32 $0xFFFFD800  }
0x142: {  	[hbm4b:s4+s13] =	stream.indirect.scatter [tilespmem:s16], [sflag:$0x9], $0x80, s21, s13, $0xb8;
	v63 =	vld [tilespmem:$0x0]  }
0x143: {  	_ =	swait.ge @!p0 [sflag:s6], $0x2800  }
0x144: {  	[sflag:s6] =	ssyncset.done @!p0 $0x0  }
0x145: {  	s22 =	simm.s32 $0xA380;
	[sflag:s6] =	ssyncadd.s32 @!p0 $0xFFFFD800  }
0x146: {  	[tilespmem:s28], [sflag:$0x8] =	stream.indirect.gather [hbm4b:s1+s13], $0x80, s22, s13, $0xb8;
	v63 =	vld [tilespmem:$0x0]  }
0x147: {  	_ =	swait.ge [sflag:s29], $0x2800  }
0x148: {  	p0 =	por $0x0, $0x0;
	[sflag:s29] =	ssyncset.done $0x0  }
0x149: {  	s23 =	simm.s32 $0xB080;
	s7 =	simm.s32 @p0 $0x3;
	[sflag:s29] =	ssyncadd.s32 $0xFFFFD800  }
0x14a: {  	[hbm4b:s4+s13] =	stream.indirect.scatter [tilespmem:s20], [sflag:$0xA], $0x80, s23, s13, $0xb8;
	v63 =	vld [tilespmem:$0x0]  }
0x14b: {  	_ =	swait.ge @p0 [sflag:s7], $0x2800  }
0x14c: {  	s3 =	simm.s32 @p0 $0xB100;
	s6 =	simm.s32 @p0 $0x50;
	[sflag:s7] =	ssyncset.done @p0 $0x0  }
0x14d: {  	s8 =	simm.s32 @p0 $0x11000;
	[sflag:s7] =	ssyncadd.s32 @p0 $0xFFFFD800;
	s7 =	simm.s32 @!p0 $0x9  }
0x14e: {  	[hbm4b:s4+s6] =	stream.indirect.scatter @p0 [tilespmem:s8], [sflag:$0xB], $0x80, s3, s6, $0xb8;
	v63 =	vld [tilespmem:$0x0]  }
0x14f: {  	_ =	swait.ge @!p0 [sflag:s7], $0x2800  }
0x150: {  	s9 =	simm.s32 @!p0 $0xC000;
	s8 =	simm.s32 @!p0 $0xA400;
	[sflag:s7] =	ssyncset.done @!p0 $0x0  }
0x151: {  	s3 =	simm.s32 @!p0 $0x50;
	[sflag:s7] =	ssyncadd.s32 @!p0 $0xFFFFD800;
	s7 =	simm.s32 @!p0 $0x3  }
0x152: {  	[tilespmem:s9], [sflag:$0x1] =	stream.indirect.gather @!p0 [hbm4b:s1+s3], $0x80, s8, s3, $0xb8;
	v63 =	vld [tilespmem:$0x0]  }
0x153: {  	_ =	swait.ge @!p0 [sflag:s7], $0x2800  }
0x154: {  	s8 =	simm.s32 @!p0 $0xB100;
	[sflag:s7] =	ssyncset.done @!p0 $0x0  }
0x155: {  	s9 =	simm.s32 @!p0 $0x11000;
	[sflag:s7] =	ssyncadd.s32 @!p0 $0xFFFFD800;
	s7 =	simm.s32 @!p0 $0xA  }
0x156: {  	[hbm4b:s4+s3] =	stream.indirect.scatter @!p0 [tilespmem:s9], [sflag:$0xB], $0x80, s8, s3, $0xb8;
	v63 =	vld [tilespmem:$0x0]  }
0x157: {  	_ =	swait.ge @!p0 [sflag:s7], $0x2800  }
0x158: {  	[sflag:s7] =	ssyncset.done @!p0 $0x0  }
0x159: {  	s8 =	simm.s32 @!p0 $0xA480;
	[sflag:s7] =	ssyncadd.s32 @!p0 $0xFFFFD800;
	s7 =	simm.s32 @!p0 $0xE800  }
0x15a: {  	[tilespmem:s7], [sflag:$0x2] =	stream.indirect.gather @!p0 [hbm4b:s1+s3], $0x80, s8, s3, $0xb8;
	v63 =	vld [tilespmem:$0x0]  }
0x15b: {  	_ =	swait.ge [sflag:s30], $0x2800  }
0x15c: {  	[sflag:s30] =	ssyncset.done $0x0  }
0x15d: {  	s24 =	simm.s32 $0xB180;
	s8 =	simm.s32 @p0 $0x5;
	[sflag:s30] =	ssyncadd.s32 $0xFFFFD800  }
0x15e: {  	[hbm4b:s4+s13] =	stream.indirect.scatter [tilespmem:s25], [sflag:$0xC], $0x80, s24, s13, $0xb8;
	v63 =	vld [tilespmem:$0x0]  }
0x15f: {  	_ =	swait.ge @p0 [sflag:s8], $0x2800  }
0x160: {  	[sflag:s8] =	ssyncset.done @p0 $0x0  }
0x161: {  	s7 =	simm.s32 @p0 $0xB200;
	[sflag:s8] =	ssyncadd.s32 @p0 $0xFFFFD800;
	s8 =	simm.s32 @p0 $0x16000  }
0x162: {  	[hbm4b:s4+s6] =	stream.indirect.scatter @p0 [tilespmem:s8], [sflag:$0xD], $0x80, s7, s6, $0xb8;
	v63 =	vld [tilespmem:$0x0]  }
0x163: {  	s7 =	simm.s32 @!p0 $0xB  }
0x164: {  	_ =	swait.ge @!p0 [sflag:s7], $0x2800  }
0x165: {  	[sflag:s7] =	ssyncset.done @!p0 $0x0  }
0x166: {  	s8 =	simm.s32 @!p0 $0xA500;
	[sflag:s7] =	ssyncadd.s32 @!p0 $0xFFFFD800;
	s7 =	simm.s32 @!p0 $0x5  }
0x167: {  	[tilespmem:s9], [sflag:$0x3] =	stream.indirect.gather @!p0 [hbm4b:s1+s3], $0x80, s8, s3, $0xb8;
	v63 =	vld [tilespmem:$0x0]  }
0x168: {  	_ =	swait.ge @!p0 [sflag:s7], $0x2800  }
0x169: {  	s8 =	simm.s32 @!p0 $0xB200;
	[sflag:s7] =	ssyncset.done @!p0 $0x0  }
0x16a: {  	s9 =	simm.s32 @!p0 $0x16000;
	[sflag:s7] =	ssyncadd.s32 @!p0 $0xFFFFD800;
	s7 =	simm.s32 @!p0 $0xC  }
0x16b: {  	[hbm4b:s4+s3] =	stream.indirect.scatter @!p0 [tilespmem:s9], [sflag:$0xD], $0x80, s8, s3, $0xb8;
	v63 =	vld [tilespmem:$0x0]  }
0x16c: {  	_ =	swait.ge @!p0 [sflag:s7], $0x2800  }
0x16d: {  	[sflag:s7] =	ssyncset.done @!p0 $0x0  }
0x16e: {  	s8 =	simm.s32 @!p0 $0xA580;
	[sflag:s7] =	ssyncadd.s32 @!p0 $0xFFFFD800;
	s7 =	simm.s32 @!p0 $0x13800  }
0x16f: {  	[tilespmem:s7], [sflag:$0x4] =	stream.indirect.gather @!p0 [hbm4b:s1+s3], $0x80, s8, s3, $0xb8;
	v63 =	vld [tilespmem:$0x0]  }
0x170: {  	_ =	swait.ge [sflag:s31], $0x2800  }
0x171: {  	[sflag:s31] =	ssyncset.done $0x0  }
0x172: {  	s25 =	simm.s32 $0xB280;
	s8 =	simm.s32 @p0 $0x7;
	[sflag:s31] =	ssyncadd.s32 $0xFFFFD800  }
0x173: {  	[hbm4b:s4+s13] =	stream.indirect.scatter [tilespmem:s10], [sflag:$0xE], $0x80, s25, s13, $0xb8;
	v63 =	vld [tilespmem:$0x0]  }
0x174: {  	_ =	swait.ge @p0 [sflag:s8], $0x2800  }
0x175: {  	[sflag:s8] =	ssyncset.done @p0 $0x0  }
0x176: {  	s7 =	simm.s32 @p0 $0xB300;
	[sflag:s8] =	ssyncadd.s32 @p0 $0xFFFFD800;
	s8 =	simm.s32 @p0 $0x1B000  }
0x177: {  	[hbm4b:s4+s6] =	stream.indirect.scatter @p0 [tilespmem:s8], [sflag:$0xF], $0x80, s7, s6, $0xb8;
	v63 =	vld [tilespmem:$0x0]  }
0x178: {  	s6 =	simm.s32 @!p0 $0xD  }
0x179: {  	_ =	swait.ge @!p0 [sflag:s6], $0x2800  }
0x17a: {  	[sflag:s6] =	ssyncset.done @!p0 $0x0  }
0x17b: {  	[sflag:s6] =	ssyncadd.s32 @!p0 $0xFFFFD800;
	s6 =	simm.s32 @!p0 $0xA600  }
0x17c: {  	[tilespmem:s9], [sflag:$0x5] =	stream.indirect.gather @!p0 [hbm4b:s1+s3], $0x80, s6, s3, $0xb8;
	v63 =	vld [tilespmem:$0x0]  }
0x17d: {  	s6 =	simm.s32 @!p0 $0x7  }
0x17e: {  	_ =	swait.ge @!p0 [sflag:s6], $0x2800  }
0x17f: {  	[sflag:s6] =	ssyncset.done @!p0 $0x0  }
0x180: {  	s7 =	simm.s32 @!p0 $0xB300;
	[sflag:s6] =	ssyncadd.s32 @!p0 $0xFFFFD800;
	s6 =	simm.s32 @!p0 $0x1B000  }
0x181: {  	[hbm4b:s4+s3] =	stream.indirect.scatter @!p0 [tilespmem:s6], [sflag:$0xF], $0x80, s7, s3, $0xb8;
	v63 =	vld [tilespmem:$0x0]  }
0x182: {  	s6 =	simm.s32 @!p0 $0xE  }
0x183: {  	p1 =	por $0x0, $0x0;
	_ =	swait.ge @!p0 [sflag:s6], $0x2800  }
0x184: {  	s2 =	simm.s32 $0x13800;
	s18 =	simm.s32 $0x1000;
	[sflag:s6] =	ssyncset.done @!p0 $0x0  }
0x185: {  	s7 =	simm.s32 @!p0 $0xA680;
	[sflag:s6] =	ssyncadd.s32 @!p0 $0xFFFFD800;
	s6 =	simm.s32 @!p0 $0x18800  }
0x186: {  	[tilespmem:s6], [sflag:$0x6] =	stream.indirect.gather @!p0 [hbm4b:s1+s3], $0x80, s7, s3, $0xb8;
	v63 =	vld [tilespmem:$0x0]  }
0x187: {  	s8 =	simm.s32 $0xB380;
	s3 =	simm.s32 $0x2000;
	_ =	swait.ge [sflag:s0], $0x2800  }
.LBB2_4:
0x188: {  	s6 =	simm.s32 @!p1 $0xF  }
0x189: {  	[sflag:s0] =	ssyncset.done $0x0;
	s17 =	smov.u32 s3;
	s3 =	sadd.s32 $0x1000, s3  }
0x18a: {  	p0 =	sne.s32 s3, $0x4000;
	[sflag:s0] =	ssyncadd.s32 $0xFFFFD800  }
0x18b: {  	[hbm4b:s4+s13] =	stream.indirect.scatter [tilespmem:s28], [sflag:$0x10], $0x80, s8, s13, $0xb8;
	v63 =	vld [tilespmem:$0x0]  }
0x18c: {  	s22 =	sshra.s32 s18, $0x2;
	_ =	swait.ge @!p1 [sflag:s6], $0x2800  }
0x18d: {  	s7 =	sadd.s32 $0xA300, s22;
	s8 =	sadd.s32 $0xB380, s22;
	[sflag:s6] =	ssyncset.done @!p1 $0x0  }
0x18e: {  	[sflag:s6] =	ssyncadd.s32 @!p1 $0xFFFFD800;
	s6 =	simm.s32 $0x1B000  }
0x18f: {  	[tilespmem:s6], [sflag:$0x7] =	stream.indirect.gather [hbm4b:s1+s13], $0x80, s7, s13, $0xb8;
	v63 =	vld [tilespmem:$0x0]  }
0x190: {  	_ =	swait.ge [sflag:s26], $0x2800  }
0x191: {  	s6 =	sadd.s32 $0xB000, s22;
	s7 =	simm.s32 @!p1 $0x10;
	[sflag:s26] =	ssyncset.done $0x0  }
0x192: {  	[sflag:s26] =	ssyncadd.s32 $0xFFFFD800  }
0x193: {  	[hbm4b:s4+s13] =	stream.indirect.scatter [tilespmem:s16], [sflag:$0x9], $0x80, s6, s13, $0xb8;
	v63 =	vld [tilespmem:$0x0]  }
0x194: {  	_ =	swait.ge @!p1 [sflag:s7], $0x2800  }
0x195: {  	s6 =	sadd.s32 $0xA380, s22;
	[sflag:s7] =	ssyncset.done @!p1 $0x0  }
0x196: {  	[sflag:s7] =	ssyncadd.s32 @!p1 $0xFFFFD800  }
0x197: {  	[tilespmem:s28], [sflag:$0x8] =	stream.indirect.gather [hbm4b:s1+s13], $0x80, s6, s13, $0xb8;
	v63 =	vld [tilespmem:$0x0]  }
0x198: {  	_ =	swait.ge [sflag:s29], $0x2800  }
0x199: {  	p1 =	seq.s32 s18, $0x3000;
	s6 =	sadd.s32 $0xB080, s22;
	[sflag:s29] =	ssyncset.done $0x0  }
0x19a: {  	s7 =	simm.s32 @p1 $0x3;
	s9 =	sshra.s32 @p1 s18, $0x2;
	[sflag:s29] =	ssyncadd.s32 $0xFFFFD800  }
0x19b: {  	[hbm4b:s4+s13] =	stream.indirect.scatter [tilespmem:s20], [sflag:$0xA], $0x80, s6, s13, $0xb8;
	v63 =	vld [tilespmem:$0x0]  }
0x19c: {  	s10 =	sshra.s32 @!p1 s18, $0x2;
	s6 =	sadd.s32 @p1 $0xB100, s9;
	_ =	swait.ge @p1 [sflag:s7], $0x2800  }
0x19d: {  	s15 =	simm.s32 @p1 $0x50;
	s11 =	simm.s32 @p1 $0x11000;
	[sflag:s7] =	ssyncset.done @p1 $0x0  }
0x19e: {  	s18 =	sadd.s32 @!p1 $0xA400, s10;
	[sflag:s7] =	ssyncadd.s32 @p1 $0xFFFFD800;
	s7 =	simm.s32 @!p1 $0x9  }
0x19f: {  	[hbm4b:s4+s15] =	stream.indirect.scatter @p1 [tilespmem:s11], [sflag:$0xB], $0x80, s6, s15, $0xb8;
	v63 =	vld [tilespmem:$0x0]  }
0x1a0: {  	s19 =	sadd.s32 @!p1 $0xB100, s10;
	s14 =	sadd.s32 @!p1 $0xA480, s10;
	_ =	swait.ge @!p1 [sflag:s7], $0x2800  }
0x1a1: {  	s12 =	simm.s32 @!p1 $0x50;
	s6 =	simm.s32 @!p1 $0xC000;
	[sflag:s7] =	ssyncset.done @!p1 $0x0  }
0x1a2: {  	s16 =	sadd.s32 @p1 $0xB200, s9;
	[sflag:s7] =	ssyncadd.s32 @!p1 $0xFFFFD800;
	s7 =	simm.s32 @!p1 $0x3  }
0x1a3: {  	[tilespmem:s6], [sflag:$0x1] =	stream.indirect.gather @!p1 [hbm4b:s1+s12], $0x80, s18, s12, $0xb8;
	v63 =	vld [tilespmem:$0x0]  }
0x1a4: {  	s24 =	sadd.s32 @!p1 $0xB200, s10;
	s20 =	sadd.s32 @!p1 $0xA500, s10;
	_ =	swait.ge @!p1 [sflag:s7], $0x2800  }
0x1a5: {  	s25 =	simm.s32 @!p1 $0x11000;
	s11 =	sadd.s32 @!p1 $0xA580, s10;
	[sflag:s7] =	ssyncset.done @!p1 $0x0  }
0x1a6: {  	s6 =	sadd.s32 @p1 $0xB300, s9;
	[sflag:s7] =	ssyncadd.s32 @!p1 $0xFFFFD800;
	s7 =	simm.s32 @!p1 $0xA  }
0x1a7: {  	[hbm4b:s4+s12] =	stream.indirect.scatter @!p1 [tilespmem:s25], [sflag:$0xB], $0x80, s19, s12, $0xb8;
	v63 =	vld [tilespmem:$0x0]  }
0x1a8: {  	s23 =	sadd.s32 @!p1 $0xA600, s10;
	s21 =	sadd.s32 @!p1 $0xB300, s10;
	_ =	swait.ge @!p1 [sflag:s7], $0x2800  }
0x1a9: {  	s9 =	simm.s32 @!p1 $0xE800;
	s19 =	sadd.s32 @!p1 $0xA680, s10;
	[sflag:s7] =	ssyncset.done @!p1 $0x0  }
0x1aa: {  	s18 =	smov.u32 s17;
	[sflag:s7] =	ssyncadd.s32 @!p1 $0xFFFFD800  }
0x1ab: {  	[tilespmem:s9], [sflag:$0x2] =	stream.indirect.gather @!p1 [hbm4b:s1+s12], $0x80, s14, s12, $0xb8;
	v63 =	vld [tilespmem:$0x0]  }
0x1ac: {  	_ =	swait.ge [sflag:s30], $0x2800  }
0x1ad: {  	s7 =	sadd.s32 $0xB180, s22;
	[sflag:s30] =	ssyncset.done $0x0  }
0x1ae: {  	s9 =	simm.s32 @p1 $0x5;
	[sflag:s30] =	ssyncadd.s32 $0xFFFFD800  }
0x1af: {  	[hbm4b:s4+s13] =	stream.indirect.scatter [tilespmem:s2], [sflag:$0xC], $0x80, s7, s13, $0xb8;
	v63 =	vld [tilespmem:$0x0]  }
0x1b0: {  	_ =	swait.ge @p1 [sflag:s9], $0x2800  }
0x1b1: {  	s7 =	simm.s32 @p1 $0x16000;
	[sflag:s9] =	ssyncset.done @p1 $0x0  }
0x1b2: {  	[sflag:s9] =	ssyncadd.s32 @p1 $0xFFFFD800;
	s9 =	simm.s32 @!p1 $0xB  }
0x1b3: {  	[hbm4b:s4+s15] =	stream.indirect.scatter @p1 [tilespmem:s7], [sflag:$0xD], $0x80, s16, s15, $0xb8;
	v63 =	vld [tilespmem:$0x0]  }
0x1b4: {  	s16 =	simm.s32 $0xC000  }
0x1b5: {  	_ =	swait.ge @!p1 [sflag:s9], $0x2800  }
0x1b6: {  	[sflag:s9] =	ssyncset.done @!p1 $0x0  }
0x1b7: {  	s7 =	simm.s32 @!p1 $0x5;
	[sflag:s9] =	ssyncadd.s32 @!p1 $0xFFFFD800  }
0x1b8: {  	[tilespmem:s25], [sflag:$0x3] =	stream.indirect.gather @!p1 [hbm4b:s1+s12], $0x80, s20, s12, $0xb8;
	v63 =	vld [tilespmem:$0x0]  }
0x1b9: {  	s20 =	simm.s32 $0xE800  }
0x1ba: {  	_ =	swait.ge @!p1 [sflag:s7], $0x2800  }
0x1bb: {  	s9 =	simm.s32 @!p1 $0x16000;
	[sflag:s7] =	ssyncset.done @!p1 $0x0  }
0x1bc: {  	[sflag:s7] =	ssyncadd.s32 @!p1 $0xFFFFD800;
	s7 =	simm.s32 @!p1 $0xC  }
0x1bd: {  	[hbm4b:s4+s12] =	stream.indirect.scatter @!p1 [tilespmem:s9], [sflag:$0xD], $0x80, s24, s12, $0xb8;
	v63 =	vld [tilespmem:$0x0]  }
0x1be: {  	_ =	swait.ge @!p1 [sflag:s7], $0x2800  }
0x1bf: {  	s10 =	simm.s32 @!p1 $0x13800;
	[sflag:s7] =	ssyncset.done @!p1 $0x0  }
0x1c0: {  	[sflag:s7] =	ssyncadd.s32 @!p1 $0xFFFFD800  }
0x1c1: {  	[tilespmem:s10], [sflag:$0x4] =	stream.indirect.gather @!p1 [hbm4b:s1+s12], $0x80, s11, s12, $0xb8;
	v63 =	vld [tilespmem:$0x0]  }
0x1c2: {  	_ =	swait.ge [sflag:s31], $0x2800  }
0x1c3: {  	s7 =	sadd.s32 $0xB280, s22;
	[sflag:s31] =	ssyncset.done $0x0  }
0x1c4: {  	s10 =	simm.s32 @p1 $0x7;
	s11 =	simm.s32 $0x18800;
	[sflag:s31] =	ssyncadd.s32 $0xFFFFD800  }
0x1c5: {  	[hbm4b:s4+s13] =	stream.indirect.scatter [tilespmem:s11], [sflag:$0xE], $0x80, s7, s13, $0xb8;
	v63 =	vld [tilespmem:$0x0]  }
0x1c6: {  	_ =	swait.ge @p1 [sflag:s10], $0x2800  }
0x1c7: {  	s7 =	simm.s32 @p1 $0x1B000;
	[sflag:s10] =	ssyncset.done @p1 $0x0  }
0x1c8: {  	[sflag:s10] =	ssyncadd.s32 @p1 $0xFFFFD800;
	s10 =	simm.s32 @!p1 $0xD  }
0x1c9: {  	[hbm4b:s4+s15] =	stream.indirect.scatter @p1 [tilespmem:s7], [sflag:$0xF], $0x80, s6, s15, $0xb8;
	v63 =	vld [tilespmem:$0x0]  }
0x1ca: {  	_ =	swait.ge @!p1 [sflag:s10], $0x2800  }
0x1cb: {  	[sflag:s10] =	ssyncset.done @!p1 $0x0  }
0x1cc: {  	s6 =	simm.s32 @!p1 $0x7;
	[sflag:s10] =	ssyncadd.s32 @!p1 $0xFFFFD800  }
0x1cd: {  	[tilespmem:s9], [sflag:$0x5] =	stream.indirect.gather @!p1 [hbm4b:s1+s12], $0x80, s23, s12, $0xb8;
	v63 =	vld [tilespmem:$0x0]  }
0x1ce: {  	_ =	swait.ge @!p1 [sflag:s6], $0x2800  }
0x1cf: {  	s7 =	simm.s32 @!p1 $0x1B000;
	[sflag:s6] =	ssyncset.done @!p1 $0x0  }
0x1d0: {  	[sflag:s6] =	ssyncadd.s32 @!p1 $0xFFFFD800;
	s6 =	simm.s32 @!p1 $0xE  }
0x1d1: {  	[hbm4b:s4+s12] =	stream.indirect.scatter @!p1 [tilespmem:s7], [sflag:$0xF], $0x80, s21, s12, $0xb8;
	v63 =	vld [tilespmem:$0x0]  }
.Ltmp1:
0x1d2: {  	_ =	swait.ge @!p1 [sflag:s6], $0x2800;
	(pc) =	sbr.rel @p0 .LBB2_4-.Ltmp1, $4  }
0x1d3: {  	s7 =	simm.s32 @!p1 $0x18800;
	[sflag:s6] =	ssyncset.done @!p1 $0x0  }
0x1d4: {  	[sflag:s6] =	ssyncadd.s32 @!p1 $0xFFFFD800  }
0x1d5: {  	[tilespmem:s7], [sflag:$0x6] =	stream.indirect.gather @!p1 [hbm4b:s1+s12], $0x80, s19, s12, $0xb8;
	v63 =	vld [tilespmem:$0x0]  }
0x1d6: {  	p1 =	seq.s32 s18, $0x0;
	_ =	swait.ge [sflag:s0], $0x2800  }
0x1d7: {  	[sflag:s0] =	ssyncset.done $0x0  }
0x1d8: {  	s6 =	simm.s32 @!p1 $0xF;
	[sflag:s0] =	ssyncadd.s32 $0xFFFFD800  }
0x1d9: {  	[hbm4b:s4+s13] =	stream.indirect.scatter [tilespmem:s28], [sflag:$0x10], $0x80, s8, s13, $0xb8;
	v63 =	vld [tilespmem:$0x0]  }
0x1da: {  	_ =	swait.ge @!p1 [sflag:s6], $0x2800  }
0x1db: {  	s3 =	sshra.s32 s18, $0x2;
	[sflag:s6] =	ssyncset.done @!p1 $0x0  }
0x1dc: {  	s2 =	simm.s32 $0x1B000;
	s7 =	sadd.s32 $0xA300, s3;
	[sflag:s6] =	ssyncadd.s32 @!p1 $0xFFFFD800  }
0x1dd: {  	[tilespmem:s2], [sflag:$0x7] =	stream.indirect.gather [hbm4b:s1+s13], $0x80, s7, s13, $0xb8;
	v63 =	vld [tilespmem:$0x0]  }
0x1de: {  	_ =	swait.ge [sflag:s26], $0x2800  }
0x1df: {  	[sflag:s26] =	ssyncset.done $0x0  }
0x1e0: {  	s23 =	sadd.s32 $0xB000, s3;
	s7 =	simm.s32 @!p1 $0x10;
	[sflag:s26] =	ssyncadd.s32 $0xFFFFD800  }
0x1e1: {  	[hbm4b:s4+s13] =	stream.indirect.scatter [tilespmem:s16], [sflag:$0x9], $0x80, s23, s13, $0xb8;
	v63 =	vld [tilespmem:$0x0]  }
0x1e2: {  	_ =	swait.ge @!p1 [sflag:s7], $0x2800  }
0x1e3: {  	[sflag:s7] =	ssyncset.done @!p1 $0x0  }
0x1e4: {  	s24 =	sadd.s32 $0xA380, s3;
	[sflag:s7] =	ssyncadd.s32 @!p1 $0xFFFFD800  }
0x1e5: {  	[tilespmem:s28], [sflag:$0x8] =	stream.indirect.gather [hbm4b:s1+s13], $0x80, s24, s13, $0xb8;
	v63 =	vld [tilespmem:$0x0]  }
0x1e6: {  	_ =	swait.ge [sflag:s29], $0x2800  }
0x1e7: {  	p0 =	seq.s32 s18, $0x3000;
	[sflag:s29] =	ssyncset.done $0x0  }
0x1e8: {  	s25 =	sadd.s32 $0xB080, s3;
	s7 =	simm.s32 @p0 $0x3;
	[sflag:s29] =	ssyncadd.s32 $0xFFFFD800  }
0x1e9: {  	[hbm4b:s4+s13] =	stream.indirect.scatter [tilespmem:s20], [sflag:$0xA], $0x80, s25, s13, $0xb8;
	v63 =	vld [tilespmem:$0x0]  }
0x1ea: {  	s12 =	sshra.s32 @p0 s18, $0x2;
	_ =	swait.ge @p0 [sflag:s7], $0x2800  }
0x1eb: {  	s15 =	simm.s32 @p0 $0x50;
	s8 =	simm.s32 @p0 $0x11000;
	[sflag:s7] =	ssyncset.done @p0 $0x0  }
0x1ec: {  	s6 =	sadd.s32 @p0 $0xB100, s12;
	[sflag:s7] =	ssyncadd.s32 @p0 $0xFFFFD800;
	s7 =	simm.s32 @!p0 $0x9  }
0x1ed: {  	[hbm4b:s4+s15] =	stream.indirect.scatter @p0 [tilespmem:s8], [sflag:$0xB], $0x80, s6, s15, $0xb8;
	v63 =	vld [tilespmem:$0x0]  }
0x1ee: {  	s10 =	simm.s32 @!p0 $0xC000;
	_ =	swait.ge @!p0 [sflag:s7], $0x2800  }
0x1ef: {  	s6 =	sshra.s32 @!p0 s18, $0x2;
	s8 =	simm.s32 @!p0 $0x50;
	[sflag:s7] =	ssyncset.done @!p0 $0x0  }
0x1f0: {  	s9 =	sadd.s32 @!p0 $0xA400, s6;
	[sflag:s7] =	ssyncadd.s32 @!p0 $0xFFFFD800;
	s7 =	simm.s32 @!p0 $0x3  }
0x1f1: {  	[tilespmem:s10], [sflag:$0x1] =	stream.indirect.gather @!p0 [hbm4b:s1+s8], $0x80, s9, s8, $0xb8;
	v63 =	vld [tilespmem:$0x0]  }
0x1f2: {  	_ =	swait.ge @!p0 [sflag:s7], $0x2800  }
0x1f3: {  	s9 =	sadd.s32 @!p0 $0xB100, s6;
	[sflag:s7] =	ssyncset.done @!p0 $0x0  }
0x1f4: {  	s10 =	simm.s32 @!p0 $0x11000;
	[sflag:s7] =	ssyncadd.s32 @!p0 $0xFFFFD800;
	s7 =	simm.s32 @!p0 $0xA  }
0x1f5: {  	[hbm4b:s4+s8] =	stream.indirect.scatter @!p0 [tilespmem:s10], [sflag:$0xB], $0x80, s9, s8, $0xb8;
	v63 =	vld [tilespmem:$0x0]  }
0x1f6: {  	_ =	swait.ge @!p0 [sflag:s7], $0x2800  }
0x1f7: {  	[sflag:s7] =	ssyncset.done @!p0 $0x0  }
0x1f8: {  	s9 =	sadd.s32 @!p0 $0xA480, s6;
	[sflag:s7] =	ssyncadd.s32 @!p0 $0xFFFFD800;
	s7 =	simm.s32 @!p0 $0xE800  }
0x1f9: {  	[tilespmem:s7], [sflag:$0x2] =	stream.indirect.gather @!p0 [hbm4b:s1+s8], $0x80, s9, s8, $0xb8;
	v63 =	vld [tilespmem:$0x0]  }
0x1fa: {  	_ =	swait.ge [sflag:s30], $0x2800  }
0x1fb: {  	s2 =	sadd.s32 $0xB180, s3;
	[sflag:s30] =	ssyncset.done $0x0  }
0x1fc: {  	s25 =	simm.s32 $0x13800;
	s9 =	simm.s32 @p0 $0x5;
	[sflag:s30] =	ssyncadd.s32 $0xFFFFD800  }
0x1fd: {  	[hbm4b:s4+s13] =	stream.indirect.scatter [tilespmem:s25], [sflag:$0xC], $0x80, s2, s13, $0xb8;
	v63 =	vld [tilespmem:$0x0]  }
0x1fe: {  	_ =	swait.ge @p0 [sflag:s9], $0x2800  }
0x1ff: {  	[sflag:s9] =	ssyncset.done @p0 $0x0  }
0x200: {  	s7 =	sadd.s32 @p0 $0xB200, s12;
	[sflag:s9] =	ssyncadd.s32 @p0 $0xFFFFD800;
	s9 =	simm.s32 @p0 $0x16000  }
0x201: {  	[hbm4b:s4+s15] =	stream.indirect.scatter @p0 [tilespmem:s9], [sflag:$0xD], $0x80, s7, s15, $0xb8;
	v63 =	vld [tilespmem:$0x0]  }
0x202: {  	s7 =	simm.s32 @!p0 $0xB  }
0x203: {  	_ =	swait.ge @!p0 [sflag:s7], $0x2800  }
0x204: {  	[sflag:s7] =	ssyncset.done @!p0 $0x0  }
0x205: {  	s9 =	sadd.s32 @!p0 $0xA500, s6;
	[sflag:s7] =	ssyncadd.s32 @!p0 $0xFFFFD800;
	s7 =	simm.s32 @!p0 $0x5  }
0x206: {  	[tilespmem:s10], [sflag:$0x3] =	stream.indirect.gather @!p0 [hbm4b:s1+s8], $0x80, s9, s8, $0xb8;
	v63 =	vld [tilespmem:$0x0]  }
0x207: {  	_ =	swait.ge @!p0 [sflag:s7], $0x2800  }
0x208: {  	s9 =	sadd.s32 @!p0 $0xB200, s6;
	[sflag:s7] =	ssyncset.done @!p0 $0x0  }
0x209: {  	s10 =	simm.s32 @!p0 $0x16000;
	[sflag:s7] =	ssyncadd.s32 @!p0 $0xFFFFD800;
	s7 =	simm.s32 @!p0 $0xC  }
0x20a: {  	[hbm4b:s4+s8] =	stream.indirect.scatter @!p0 [tilespmem:s10], [sflag:$0xD], $0x80, s9, s8, $0xb8;
	v63 =	vld [tilespmem:$0x0]  }
0x20b: {  	_ =	swait.ge @!p0 [sflag:s7], $0x2800  }
0x20c: {  	[sflag:s7] =	ssyncset.done @!p0 $0x0  }
0x20d: {  	s9 =	sadd.s32 @!p0 $0xA580, s6;
	[sflag:s7] =	ssyncadd.s32 @!p0 $0xFFFFD800;
	s7 =	simm.s32 @!p0 $0x13800  }
0x20e: {  	[tilespmem:s7], [sflag:$0x4] =	stream.indirect.gather @!p0 [hbm4b:s1+s8], $0x80, s9, s8, $0xb8;
	v63 =	vld [tilespmem:$0x0]  }
0x20f: {  	_ =	swait.ge [sflag:s31], $0x2800  }
0x210: {  	s11 =	simm.s32 $0x18800;
	[sflag:s31] =	ssyncset.done $0x0  }
0x211: {  	s9 =	sadd.s32 $0xB280, s3;
	s7 =	simm.s32 @p0 $0x7;
	[sflag:s31] =	ssyncadd.s32 $0xFFFFD800  }
0x212: {  	[hbm4b:s4+s13] =	stream.indirect.scatter [tilespmem:s11], [sflag:$0xE], $0x80, s9, s13, $0xb8;
	v63 =	vld [tilespmem:$0x0]  }
0x213: {  	_ =	swait.ge @p0 [sflag:s7], $0x2800  }
0x214: {  	[sflag:s7] =	ssyncset.done @p0 $0x0  }
0x215: {  	s9 =	sadd.s32 @p0 $0xB300, s12;
	[sflag:s7] =	ssyncadd.s32 @p0 $0xFFFFD800;
	s7 =	simm.s32 @p0 $0x1B000  }
0x216: {  	[hbm4b:s4+s15] =	stream.indirect.scatter @p0 [tilespmem:s7], [sflag:$0xF], $0x80, s9, s15, $0xb8;
	v63 =	vld [tilespmem:$0x0]  }
0x217: {  	s7 =	simm.s32 @!p0 $0xD  }
0x218: {  	_ =	swait.ge @!p0 [sflag:s7], $0x2800  }
0x219: {  	[sflag:s7] =	ssyncset.done @!p0 $0x0  }
0x21a: {  	[sflag:s7] =	ssyncadd.s32 @!p0 $0xFFFFD800;
	s7 =	sadd.s32 @!p0 $0xA600, s6  }
0x21b: {  	[tilespmem:s10], [sflag:$0x5] =	stream.indirect.gather @!p0 [hbm4b:s1+s8], $0x80, s7, s8, $0xb8;
	v63 =	vld [tilespmem:$0x0]  }
0x21c: {  	s7 =	simm.s32 @!p0 $0x7  }
0x21d: {  	_ =	swait.ge @!p0 [sflag:s7], $0x2800  }
0x21e: {  	[sflag:s7] =	ssyncset.done @!p0 $0x0  }
0x21f: {  	s9 =	sadd.s32 @!p0 $0xB300, s6;
	[sflag:s7] =	ssyncadd.s32 @!p0 $0xFFFFD800;
	s7 =	simm.s32 @!p0 $0x1B000  }
0x220: {  	[hbm4b:s4+s8] =	stream.indirect.scatter @!p0 [tilespmem:s7], [sflag:$0xF], $0x80, s9, s8, $0xb8;
	v63 =	vld [tilespmem:$0x0]  }
0x221: {  	s7 =	simm.s32 @!p0 $0xE  }
0x222: {  	_ =	swait.ge @!p0 [sflag:s7], $0x2800  }
0x223: {  	[sflag:s7] =	ssyncset.done @!p0 $0x0  }
0x224: {  	s6 =	sadd.s32 @!p0 $0xA680, s6;
	[sflag:s7] =	ssyncadd.s32 @!p0 $0xFFFFD800;
	s7 =	simm.s32 @!p0 $0x18800  }
0x225: {  	[tilespmem:s7], [sflag:$0x6] =	stream.indirect.gather @!p0 [hbm4b:s1+s8], $0x80, s6, s8, $0xb8;
	v63 =	vld [tilespmem:$0x0]  }
0x226: {  	_ =	swait.ge [sflag:s0], $0x2800  }
0x227: {  	[sflag:s0] =	ssyncset.done $0x0  }
0x228: {  	s3 =	sadd.s32 $0xB380, s3;
	s12 =	simm.s32 $0x9;
	[sflag:s0] =	ssyncadd.s32 $0xFFFFD800  }
0x229: {  	[hbm4b:s4+s13] =	stream.indirect.scatter [tilespmem:s28], [sflag:$0x10], $0x80, s3, s13, $0xb8;
	v63 =	vld [tilespmem:$0x0]  }
0x22a: {  	_ =	swait.ge [sflag:s12], $0x2800  }
0x22b: {  	[sflag:s12] =	ssyncset.done $0x0  }
0x22c: {  	s14 =	simm.s32 $0xA;
	[sflag:s12] =	ssyncadd.s32 $0xFFFFD800  }
0x22d: {  	_ =	swait.ge [sflag:s14], $0x2800  }
0x22e: {  	[sflag:s14] =	ssyncset.done $0x0  }
0x22f: {  	s15 =	simm.s32 $0xB;
	[sflag:s14] =	ssyncadd.s32 $0xFFFFD800  }
0x230: {  	_ =	swait.ge [sflag:s15], $0x2800  }
0x231: {  	[sflag:s15] =	ssyncset.done $0x0  }
0x232: {  	s17 =	simm.s32 $0xC;
	[sflag:s15] =	ssyncadd.s32 $0xFFFFD800  }
0x233: {  	_ =	swait.ge [sflag:s17], $0x2800  }
0x234: {  	[sflag:s17] =	ssyncset.done $0x0  }
0x235: {  	s18 =	simm.s32 $0xD;
	[sflag:s17] =	ssyncadd.s32 $0xFFFFD800  }
0x236: {  	_ =	swait.ge [sflag:s18], $0x2800  }
0x237: {  	[sflag:s18] =	ssyncset.done $0x0  }
0x238: {  	s19 =	simm.s32 $0xE;
	[sflag:s18] =	ssyncadd.s32 $0xFFFFD800  }
0x239: {  	_ =	swait.ge [sflag:s19], $0x2800  }
0x23a: {  	[sflag:s19] =	ssyncset.done $0x0  }
0x23b: {  	s21 =	simm.s32 $0xF;
	[sflag:s19] =	ssyncadd.s32 $0xFFFFD800  }
0x23c: {  	_ =	swait.ge [sflag:s21], $0x2800  }
0x23d: {  	[sflag:s21] =	ssyncset.done $0x0  }
0x23e: {  	s22 =	simm.s32 $0x10;
	[sflag:s21] =	ssyncadd.s32 $0xFFFFD800  }
0x23f: {  	_ =	swait.ge [sflag:s22], $0x2800  }
0x240: {  	s23 =	rddreg [dreg:$0x13]  }
0x241: {  	s24 =	rddreg [dreg:$0x12];
	s6 =	sadd.s32 $0x1, s23  }
0x242: {  	p0 =	sne.s32 s6, s24  }
.Ltmp2:
0x243: {  	_ = 	snop;
	(pc) =	sbr.rel @p0 .LBB2_1-.Ltmp2, $3  }
0x244: {  	_ =	sdelay $0x1  }
0x245: {  	s2 =	simm.s32 $0xA000;
	[sflag:s22] =	ssyncset.done $0x0  }
0x246: {  	s14 =	simm.s32 $0x7;
	[sflag:s22] =	ssyncadd.s32 $0xFFFFD800;
	s24 =	simm.s32 $0x11000  }
0x247: {  	_ =	sfence.sel $0x180000  }
0x248: {  	[bflag:$0x0] =	sbarrier.arrive $0xFFFF  }
0x249: {  	_ =	strace $0x90000047  }
0x24a: {  	s0 =	stileid.u32;
	[bflag:$0x2] =	sbarrier.arrive $0xFFFF  }
0x24b: {  	p0 =	sne.s32 s0, $0x0;
	s0 =	rddreg [dreg:$0x4]  }
0x24c: {  	s0 =	sadd.s32 @!p0 $0x100000, s0  }
0x24d: {  	[sflag:s0] =	ssyncadd.tile.s32 @!p0 $0x1;
	_ =	shalt  }
.Lfunc_end2:
_tile_overlayer_lowered:
.L_overlay_start_2:
0x24e: {  	(tag) =	ssettag $0x2  }
0x24f: {  	s0 =	rddreg [dreg:$0x0];
	s2 =	stileid.u32  }
0x250: {  	s1 =	rddreg [dreg:$0x1];
	p0 =	sne.s32 s2, $0x0  }
0x251: {  	s3 =	rddreg [dreg:$0x2];
	[bflag:$0x3] =	sbarrier.arrive $0xFFFF;
	s2 =	simm.s32 @!p0 $0x1C11  }
0x252: {  	[timem:s3], [sflag:s2] =	dma.local @!p0 [hbm:s0], s1  }
0x253: {  	s0 =	simm.s32 @!p0 $0x11  }
0x254: {  	_ =	swait.ge @!p0 [sflag:s0], s1  }
0x255: {  	s1 =	ssub.s32 @!p0 $0x0, s1;
	[sflag:s0] =	ssyncset.done @!p0 $0x0  }
0x256: {  	[sflag:s0] =	ssyncadd.s32 @!p0 s1  }
0x257: {  	[bflag:$0x3] =	sbarrier.arrive $0xFFFF  }
0x258: {  	_ =	shalt  }

</sc_bundles>
